<compile_context>
chip_gen: v7x
topology: tpu7x:2x2x1
jax: 0.10.2.dev20260603
libtpu: 0.0.44.dev20260713+nightly
codegen_flags: <defaults>
</compile_context>

<pallas_src>
import functools

import jax
import jax.numpy as jnp
from jax import lax
from jax.experimental import pallas as pl
from jax.experimental.pallas import tpu as pltpu
from jax.experimental.pallas import tpu_sc as plsc

E = 320000
D = 128
N = 10000

NC = 2
NS = 16
H = N // NC
CHUNK = 80
TCHUNK = E // CHUNK
NBUF = 4
NP = 10240
NPT = NP // NS
ZROWS = 16
TRASH = N
WU = (H // NS) // 8 * 8


def _sc_segment_sum(x, index, params):
    mesh = plsc.VectorSubcoreMesh(core_axis_name="c", subcore_axis_name="s")
    scratch = (
        [pltpu.VMEM((CHUNK, D), jnp.float32) for _ in range(NBUF)]
        + [pltpu.VMEM((CHUNK,), jnp.int32) for _ in range(NBUF)]
        + [pltpu.VMEM((ZROWS, D), jnp.float32)]
        + [pltpu.VMEM((NC * NS, 16), jnp.int32)]
        + [pltpu.VMEM_SHARED((NP, D), jnp.float32)]
        + [pltpu.SemaphoreType.DMA for _ in range(2 * NBUF)]
    )

    @functools.partial(
        pl.kernel,
        out_type=jax.ShapeDtypeStruct((N, D), jnp.float32),
        mesh=mesh,
        scratch_types=scratch,
    )
    def k(x_hbm, idx_hbm, par_hbm, out_hbm, *refs):
        xbufs = refs[0:NBUF]
        ibufs = refs[NBUF:2 * NBUF]
        zbuf = refs[2 * NBUF]
        pbuf = refs[2 * NBUF + 1]
        acc = refs[2 * NBUF + 2]
        xsems = refs[2 * NBUF + 3:2 * NBUF + 3 + NBUF]
        isems = refs[2 * NBUF + 3 + NBUF:2 * NBUF + 3 + 2 * NBUF]

        cid = lax.axis_index("c")
        sid = lax.axis_index("s")

        pltpu.sync_copy(par_hbm, pbuf)
        pv = pbuf[cid * NS + sid]
        chunk_lo = pv[0]
        cnt = pv[1]
        nlo = cid * H
        nhi = nlo + H

        def start_load(c, b):
            base = (chunk_lo + c) * CHUNK
            pltpu.async_copy(x_hbm.at[pl.ds(base, CHUNK)], xbufs[b], xsems[b])
            pltpu.async_copy(idx_hbm.at[pl.ds(base, CHUNK)], ibufs[b], isems[b])

        def wait_x(b):
            pltpu.make_async_copy(x_hbm.at[pl.ds(0, CHUNK)], xbufs[b], xsems[b]).wait()

        def wait_idx(b):
            pltpu.make_async_copy(idx_hbm.at[pl.ds(0, CHUNK)], ibufs[b], isems[b]).wait()

        for b in range(NBUF):
            @pl.when(b < cnt)
            def _():
                start_load(b, b)

        zero = jnp.zeros((16,), jnp.float32)

        def zrow(i, carry):
            for j in range(D // 16):
                zbuf[i, pl.ds(j * 16, 16)] = zero
            return carry

        lax.fori_loop(0, ZROWS, zrow, 0)
        for t in range(NPT // ZROWS):
            pltpu.sync_copy(zbuf, acc.at[pl.ds(sid * NPT + t * ZROWS, ZROWS)])
        plsc.subcore_barrier()

        def group(g, carry):
            for b in range(NBUF):
                c = g * NBUF + b

                @pl.when(c < cnt)
                def _():
                    wait_idx(b)
                    for j in range(CHUNK // 16):
                        v = ibufs[b][pl.ds(j * 16, 16)]
                        keep = (v >= nlo) & (v < nhi)
                        ibufs[b][pl.ds(j * 16, 16)] = jnp.where(keep, v, TRASH)
                    wait_x(b)
                    pltpu.sync_copy(xbufs[b], acc.at[ibufs[b]], add=True)

                    @pl.when(c + NBUF < cnt)
                    def _():
                        start_load(c + NBUF, b)

            return carry

        lax.fori_loop(0, (cnt + NBUF - 1) // NBUF, group, 0)
        plsc.subcore_barrier()

        pltpu.sync_copy(
            acc.at[pl.ds(nlo + sid * WU, WU)],
            out_hbm.at[pl.ds(nlo + sid * WU, WU)],
        )
        rem = H - NS * WU

        @pl.when(sid == NS - 1)
        def _():
            pltpu.sync_copy(
                acc.at[pl.ds(nlo + NS * WU, rem)],
                out_hbm.at[pl.ds(nlo + NS * WU, rem)],
            )

    return k(x, index, params)


def kernel(x, index):
    s = jnp.sum((index < H).astype(jnp.int32))
    c0_end = (s + CHUNK - 1) // CHUNK
    c1_start = s // CHUNK
    t = jnp.arange(NS, dtype=jnp.int32)
    l0 = c0_end
    lo0 = t * l0 // NS
    cnt0 = (t + 1) * l0 // NS - lo0
    l1 = TCHUNK - c1_start
    lo1 = c1_start + t * l1 // NS
    cnt1 = c1_start + (t + 1) * l1 // NS - lo1
    lo = jnp.concatenate([lo0, lo1]).astype(jnp.int32)
    cnt = jnp.concatenate([cnt0, cnt1]).astype(jnp.int32)
    params = jnp.zeros((NC * NS, 16), jnp.int32)
    params = params.at[:, 0].set(lo).at[:, 1].set(cnt)
    return _sc_segment_sum(x, index, params)

# --- scband reference (transcript-rebuilt; emitter-appended) ---
"""Pipeline reference for scband-sum-pooling-910533067557 (READ-ONLY COPY).

The authoritative reference and input builder live on the scoring server;
editing this copy changes nothing except your own understanding.
"""

import jax, jax.numpy as jnp
import numpy as np

N_EDGES = 320000
D_FEAT = 128
N_NODES = 10000


def setup_inputs(seed: int = 0) -> dict:
    key = jax.random.key(seed)
    k1, k2 = jax.random.split(key)
    x = jax.random.normal(k1, (N_EDGES, D_FEAT), dtype=jnp.float32)
    index = jnp.sort(jax.random.randint(k2, (N_EDGES,), 0, N_NODES, dtype=jnp.int32))
    return {"x": x, "index": index}


def reference(x, index):
    # scatter_add(x, index, dim=0): sum-reduce rows of x into output rows given by index.
    # torch_scatter's scatter_add produces output of size index.max()+1; we use the
    # known number of segments (N_NODES) which bounds index values.
    out = jax.ops.segment_sum(x, index, num_segments=N_NODES)
    return out

if __name__ == "__main__":
    import jax
    _d = setup_inputs()
    print(jax.jit(kernel)(*tuple(_d.values())))

</pallas_src>

<mosaic_0001>
#map = affine_map<(d0, d1) -> (0, 0)>
#map1 = affine_map<(d0, d1) -> (0)>
module attributes {stable_mosaic.version = 14 : i64} {
  func.func @k(%arg0: i32, %arg1: i32, %arg2: memref<320000x128xf32, #tpu.memory_space<hbm>>, %arg3: memref<320000xi32, #tpu.memory_space<hbm>>, %arg4: memref<32x16xi32, #tpu.memory_space<hbm>>, %arg5: memref<10000x128xf32, #tpu.memory_space<hbm>>, %arg6: memref<80x128xf32, #tpu.memory_space<vmem>>, %arg7: memref<80x128xf32, #tpu.memory_space<vmem>>, %arg8: memref<80x128xf32, #tpu.memory_space<vmem>>, %arg9: memref<80x128xf32, #tpu.memory_space<vmem>>, %arg10: memref<80xi32, #tpu.memory_space<vmem>>, %arg11: memref<80xi32, #tpu.memory_space<vmem>>, %arg12: memref<80xi32, #tpu.memory_space<vmem>>, %arg13: memref<80xi32, #tpu.memory_space<vmem>>, %arg14: memref<16x128xf32, #tpu.memory_space<vmem>>, %arg15: memref<32x16xi32, #tpu.memory_space<vmem>>, %arg16: memref<10240x128xf32, #tpu.memory_space<vmem_shared>>, %arg17: memref<!tpu.dma_semaphore, #tpu.memory_space<semaphore_mem>>, %arg18: memref<!tpu.dma_semaphore, #tpu.memory_space<semaphore_mem>>, %arg19: memref<!tpu.dma_semaphore, #tpu.memory_space<semaphore_mem>>, %arg20: memref<!tpu.dma_semaphore, #tpu.memory_space<semaphore_mem>>, %arg21: memref<!tpu.dma_semaphore, #tpu.memory_space<semaphore_mem>>, %arg22: memref<!tpu.dma_semaphore, #tpu.memory_space<semaphore_mem>>, %arg23: memref<!tpu.dma_semaphore, #tpu.memory_space<semaphore_mem>>, %arg24: memref<!tpu.dma_semaphore, #tpu.memory_space<semaphore_mem>>) attributes {dimension_semantics = [#tpu.dimension_semantics<core_parallel>, #tpu.dimension_semantics<subcore_parallel>], iteration_bounds = array<i64: 2, 16>, scalar_prefetch = 0 : i64, scratch_operands = 19 : i64, tpu.core_type = #tpu.core_type<sc_vector_subcore>, window_params = [{transform_indices = #map}, {transform_indices = #map1}, {transform_indices = #map}, {transform_indices = #map}]} {
    "tpu.region"() ({
      %run_scoped3A = tpu.sem_alloc : memref<!tpu.dma_semaphore, #tpu.memory_space<semaphore_mem>>
      tpu.enqueue_dma source(%arg4 : memref<32x16xi32, #tpu.memory_space<hbm>>) target(%arg15 : memref<32x16xi32, #tpu.memory_space<vmem>>) target_semaphore(%run_scoped3A : memref<!tpu.dma_semaphore, #tpu.memory_space<semaphore_mem>>)
      tpu.wait_dma2 semaphore(%run_scoped3A : memref<!tpu.dma_semaphore, #tpu.memory_space<semaphore_mem>>) src(%arg4 : memref<32x16xi32, #tpu.memory_space<hbm>>) dst(%arg15 : memref<32x16xi32, #tpu.memory_space<vmem>>)
      tpu.yield
    }) : () -> ()
    %mul3A = arith.constant 16 : i32
    %mul3A_0 = arith.muli %arg0, %mul3A : i32
    %add3A = arith.addi %mul3A_0, %arg1 : i32
    %get3A = arith.index_cast %add3A : i32 to index
    %get3A_1 = arith.constant 0 : index
    %get3A_2 = tpu.vector_load %arg15[%get3A, %get3A_1] {strides = array<i32>} : memref<32x16xi32, #tpu.memory_space<vmem>>, vector<1x16xi32>,
    %get3A_3 = vector.shape_cast %get3A_2 : vector<1x16xi32> to vector<16xi32>
    %slice3A = vector.extract_strided_slice %get3A_3 {offsets = [0], sizes = [1], strides = [1]} : vector<16xi32> to vector<1xi32>
    %squeeze3A = vector.extract %slice3A[0] : i32 from vector<1xi32>
    %slice3A_4 = vector.extract_strided_slice %get3A_3 {offsets = [1], sizes = [1], strides = [1]} : vector<16xi32> to vector<1xi32>
    %squeeze3A_5 = vector.extract %slice3A_4[0] : i32 from vector<1xi32>
    %mul3A_6 = arith.constant 5000 : i32
    %mul3A_7 = arith.muli %arg0, %mul3A_6 : i32
    %add3A_8 = arith.constant 5000 : i32
    %add3A_9 = arith.addi %mul3A_7, %add3A_8 : i32
    %gt3A = arith.constant 0 : i32
    %gt3A_10 = arith.cmpi sgt, %squeeze3A_5, %gt3A : i32
    %convert_element_type3A = arith.extui %gt3A_10 : i1 to i32
    %cond3A = arith.constant 0 : i32
    %cond3A_11 = arith.cmpi ne, %convert_element_type3A, %cond3A : i32
    scf.if %cond3A_11 {
      %add3A_233 = arith.constant 0 : i32
      %add3A_234 = arith.addi %squeeze3A, %add3A_233 : i32
      %mul3A_235 = arith.constant 80 : i32
      %mul3A_236 = arith.muli %add3A_234, %mul3A_235 : i32
      %dma_start3A = arith.constant 0 : i32
      %dma_start3A_237 = tpu.memref_slice %arg2[%mul3A_236, %dma_start3A] : memref<320000x128xf32, #tpu.memory_space<hbm>> -> memref<80x128xf32, #tpu.memory_space<hbm>>
      %dma_start3A_238 = arith.constant 0 : i32
      %dma_start3A_239 = tpu.memref_slice %arg2[%mul3A_236, %dma_start3A_238] : memref<320000x128xf32, #tpu.memory_space<hbm>> -> memref<80x128xf32, #tpu.memory_space<hbm>>
      tpu.enqueue_dma source(%dma_start3A_239 : memref<80x128xf32, #tpu.memory_space<hbm>>) target(%arg6 : memref<80x128xf32, #tpu.memory_space<vmem>>) target_semaphore(%arg17 : memref<!tpu.dma_semaphore, #tpu.memory_space<semaphore_mem>>)
      %dma_start3A_240 = tpu.memref_slice %arg3[%mul3A_236] : memref<320000xi32, #tpu.memory_space<hbm>> -> memref<80xi32, #tpu.memory_space<hbm>>
      %dma_start3A_241 = tpu.memref_slice %arg3[%mul3A_236] : memref<320000xi32, #tpu.memory_space<hbm>> -> memref<80xi32, #tpu.memory_space<hbm>>
      tpu.enqueue_dma source(%dma_start3A_241 : memref<80xi32, #tpu.memory_space<hbm>>) target(%arg10 : memref<80xi32, #tpu.memory_space<vmem>>) target_semaphore(%arg21 : memref<!tpu.dma_semaphore, #tpu.memory_space<semaphore_mem>>)
    } else {
    }
    %gt3A_12 = arith.constant 1 : i32
    %gt3A_13 = arith.cmpi sgt, %squeeze3A_5, %gt3A_12 : i32
    %convert_element_type3A_14 = arith.extui %gt3A_13 : i1 to i32
    %cond3A_15 = arith.constant 0 : i32
    %cond3A_16 = arith.cmpi ne, %convert_element_type3A_14, %cond3A_15 : i32
    scf.if %cond3A_16 {
      %add3A_233 = arith.constant 1 : i32
      %add3A_234 = arith.addi %squeeze3A, %add3A_233 : i32
      %mul3A_235 = arith.constant 80 : i32
      %mul3A_236 = arith.muli %add3A_234, %mul3A_235 : i32
      %dma_start3A = arith.constant 0 : i32
      %dma_start3A_237 = tpu.memref_slice %arg2[%mul3A_236, %dma_start3A] : memref<320000x128xf32, #tpu.memory_space<hbm>> -> memref<80x128xf32, #tpu.memory_space<hbm>>
      %dma_start3A_238 = arith.constant 0 : i32
      %dma_start3A_239 = tpu.memref_slice %arg2[%mul3A_236, %dma_start3A_238] : memref<320000x128xf32, #tpu.memory_space<hbm>> -> memref<80x128xf32, #tpu.memory_space<hbm>>
      tpu.enqueue_dma source(%dma_start3A_239 : memref<80x128xf32, #tpu.memory_space<hbm>>) target(%arg7 : memref<80x128xf32, #tpu.memory_space<vmem>>) target_semaphore(%arg18 : memref<!tpu.dma_semaphore, #tpu.memory_space<semaphore_mem>>)
      %dma_start3A_240 = tpu.memref_slice %arg3[%mul3A_236] : memref<320000xi32, #tpu.memory_space<hbm>> -> memref<80xi32, #tpu.memory_space<hbm>>
      %dma_start3A_241 = tpu.memref_slice %arg3[%mul3A_236] : memref<320000xi32, #tpu.memory_space<hbm>> -> memref<80xi32, #tpu.memory_space<hbm>>
      tpu.enqueue_dma source(%dma_start3A_241 : memref<80xi32, #tpu.memory_space<hbm>>) target(%arg11 : memref<80xi32, #tpu.memory_space<vmem>>) target_semaphore(%arg22 : memref<!tpu.dma_semaphore, #tpu.memory_space<semaphore_mem>>)
    } else {
    }
    %gt3A_17 = arith.constant 2 : i32
    %gt3A_18 = arith.cmpi sgt, %squeeze3A_5, %gt3A_17 : i32
    %convert_element_type3A_19 = arith.extui %gt3A_18 : i1 to i32
    %cond3A_20 = arith.constant 0 : i32
    %cond3A_21 = arith.cmpi ne, %convert_element_type3A_19, %cond3A_20 : i32
    scf.if %cond3A_21 {
      %add3A_233 = arith.constant 2 : i32
      %add3A_234 = arith.addi %squeeze3A, %add3A_233 : i32
      %mul3A_235 = arith.constant 80 : i32
      %mul3A_236 = arith.muli %add3A_234, %mul3A_235 : i32
      %dma_start3A = arith.constant 0 : i32
      %dma_start3A_237 = tpu.memref_slice %arg2[%mul3A_236, %dma_start3A] : memref<320000x128xf32, #tpu.memory_space<hbm>> -> memref<80x128xf32, #tpu.memory_space<hbm>>
      %dma_start3A_238 = arith.constant 0 : i32
      %dma_start3A_239 = tpu.memref_slice %arg2[%mul3A_236, %dma_start3A_238] : memref<320000x128xf32, #tpu.memory_space<hbm>> -> memref<80x128xf32, #tpu.memory_space<hbm>>
      tpu.enqueue_dma source(%dma_start3A_239 : memref<80x128xf32, #tpu.memory_space<hbm>>) target(%arg8 : memref<80x128xf32, #tpu.memory_space<vmem>>) target_semaphore(%arg19 : memref<!tpu.dma_semaphore, #tpu.memory_space<semaphore_mem>>)
      %dma_start3A_240 = tpu.memref_slice %arg3[%mul3A_236] : memref<320000xi32, #tpu.memory_space<hbm>> -> memref<80xi32, #tpu.memory_space<hbm>>
      %dma_start3A_241 = tpu.memref_slice %arg3[%mul3A_236] : memref<320000xi32, #tpu.memory_space<hbm>> -> memref<80xi32, #tpu.memory_space<hbm>>
      tpu.enqueue_dma source(%dma_start3A_241 : memref<80xi32, #tpu.memory_space<hbm>>) target(%arg12 : memref<80xi32, #tpu.memory_space<vmem>>) target_semaphore(%arg23 : memref<!tpu.dma_semaphore, #tpu.memory_space<semaphore_mem>>)
    } else {
    }
    %gt3A_22 = arith.constant 3 : i32
    %gt3A_23 = arith.cmpi sgt, %squeeze3A_5, %gt3A_22 : i32
    %convert_element_type3A_24 = arith.extui %gt3A_23 : i1 to i32
    %cond3A_25 = arith.constant 0 : i32
    %cond3A_26 = arith.cmpi ne, %convert_element_type3A_24, %cond3A_25 : i32
    scf.if %cond3A_26 {
      %add3A_233 = arith.constant 3 : i32
      %add3A_234 = arith.addi %squeeze3A, %add3A_233 : i32
      %mul3A_235 = arith.constant 80 : i32
      %mul3A_236 = arith.muli %add3A_234, %mul3A_235 : i32
      %dma_start3A = arith.constant 0 : i32
      %dma_start3A_237 = tpu.memref_slice %arg2[%mul3A_236, %dma_start3A] : memref<320000x128xf32, #tpu.memory_space<hbm>> -> memref<80x128xf32, #tpu.memory_space<hbm>>
      %dma_start3A_238 = arith.constant 0 : i32
      %dma_start3A_239 = tpu.memref_slice %arg2[%mul3A_236, %dma_start3A_238] : memref<320000x128xf32, #tpu.memory_space<hbm>> -> memref<80x128xf32, #tpu.memory_space<hbm>>
      tpu.enqueue_dma source(%dma_start3A_239 : memref<80x128xf32, #tpu.memory_space<hbm>>) target(%arg9 : memref<80x128xf32, #tpu.memory_space<vmem>>) target_semaphore(%arg20 : memref<!tpu.dma_semaphore, #tpu.memory_space<semaphore_mem>>)
      %dma_start3A_240 = tpu.memref_slice %arg3[%mul3A_236] : memref<320000xi32, #tpu.memory_space<hbm>> -> memref<80xi32, #tpu.memory_space<hbm>>
      %dma_start3A_241 = tpu.memref_slice %arg3[%mul3A_236] : memref<320000xi32, #tpu.memory_space<hbm>> -> memref<80xi32, #tpu.memory_space<hbm>>
      tpu.enqueue_dma source(%dma_start3A_241 : memref<80xi32, #tpu.memory_space<hbm>>) target(%arg13 : memref<80xi32, #tpu.memory_space<vmem>>) target_semaphore(%arg24 : memref<!tpu.dma_semaphore, #tpu.memory_space<semaphore_mem>>)
    } else {
    }
    %broadcast_in_dim3A = arith.constant 0.000000e+00 : f32
    %broadcast_in_dim3A_27 = vector.broadcast %broadcast_in_dim3A : f32 to vector<16xf32>
    %scan3A = arith.constant 0 : i32
    %scan3A_28 = arith.constant 0 : i32
    %scan3A_29 = arith.constant 16 : i32
    %scan3A_30 = arith.addi %scan3A_28, %scan3A_29 : i32
    %scan3A_31 = arith.constant 1 : i32
    scf.for %scan3A_233 = %scan3A_28 to %scan3A_30 step %scan3A_31  : i32 {
      %swap3A = arith.index_cast %scan3A_233 : i32 to index
      %swap3A_234 = arith.constant 0 : index
      %swap3A_235 = tpu.vector_load %arg14[%swap3A, %swap3A_234] {strides = array<i32>} : memref<16x128xf32, #tpu.memory_space<vmem>>, vector<1x16xf32>,
      %swap3A_236 = vector.shape_cast %swap3A_235 : vector<1x16xf32> to vector<16xf32>
      %swap3A_237 = vector.shape_cast %broadcast_in_dim3A_27 : vector<16xf32> to vector<1x16xf32>
      tpu.vector_store %arg14[%swap3A, %swap3A_234], %swap3A_237 {strides = array<i32>} : memref<16x128xf32, #tpu.memory_space<vmem>>, vector<1x16xf32>,
      %swap3A_238 = arith.index_cast %scan3A_233 : i32 to index
      %swap3A_239 = arith.constant 16 : index
      %swap3A_240 = tpu.vector_load %arg14[%swap3A_238, %swap3A_239] {strides = array<i32>} : memref<16x128xf32, #tpu.memory_space<vmem>>, vector<1x16xf32>,
      %swap3A_241 = vector.shape_cast %swap3A_240 : vector<1x16xf32> to vector<16xf32>
      %swap3A_242 = vector.shape_cast %broadcast_in_dim3A_27 : vector<16xf32> to vector<1x16xf32>
      tpu.vector_store %arg14[%swap3A_238, %swap3A_239], %swap3A_242 {strides = array<i32>} : memref<16x128xf32, #tpu.memory_space<vmem>>, vector<1x16xf32>,
      %swap3A_243 = arith.index_cast %scan3A_233 : i32 to index
      %swap3A_244 = arith.constant 32 : index
      %swap3A_245 = tpu.vector_load %arg14[%swap3A_243, %swap3A_244] {strides = array<i32>} : memref<16x128xf32, #tpu.memory_space<vmem>>, vector<1x16xf32>,
      %swap3A_246 = vector.shape_cast %swap3A_245 : vector<1x16xf32> to vector<16xf32>
      %swap3A_247 = vector.shape_cast %broadcast_in_dim3A_27 : vector<16xf32> to vector<1x16xf32>
      tpu.vector_store %arg14[%swap3A_243, %swap3A_244], %swap3A_247 {strides = array<i32>} : memref<16x128xf32, #tpu.memory_space<vmem>>, vector<1x16xf32>,
      %swap3A_248 = arith.index_cast %scan3A_233 : i32 to index
      %swap3A_249 = arith.constant 48 : index
      %swap3A_250 = tpu.vector_load %arg14[%swap3A_248, %swap3A_249] {strides = array<i32>} : memref<16x128xf32, #tpu.memory_space<vmem>>, vector<1x16xf32>,
      %swap3A_251 = vector.shape_cast %swap3A_250 : vector<1x16xf32> to vector<16xf32>
      %swap3A_252 = vector.shape_cast %broadcast_in_dim3A_27 : vector<16xf32> to vector<1x16xf32>
      tpu.vector_store %arg14[%swap3A_248, %swap3A_249], %swap3A_252 {strides = array<i32>} : memref<16x128xf32, #tpu.memory_space<vmem>>, vector<1x16xf32>,
      %swap3A_253 = arith.index_cast %scan3A_233 : i32 to index
      %swap3A_254 = arith.constant 64 : index
      %swap3A_255 = tpu.vector_load %arg14[%swap3A_253, %swap3A_254] {strides = array<i32>} : memref<16x128xf32, #tpu.memory_space<vmem>>, vector<1x16xf32>,
      %swap3A_256 = vector.shape_cast %swap3A_255 : vector<1x16xf32> to vector<16xf32>
      %swap3A_257 = vector.shape_cast %broadcast_in_dim3A_27 : vector<16xf32> to vector<1x16xf32>
      tpu.vector_store %arg14[%swap3A_253, %swap3A_254], %swap3A_257 {strides = array<i32>} : memref<16x128xf32, #tpu.memory_space<vmem>>, vector<1x16xf32>,
      %swap3A_258 = arith.index_cast %scan3A_233 : i32 to index
      %swap3A_259 = arith.constant 80 : index
      %swap3A_260 = tpu.vector_load %arg14[%swap3A_258, %swap3A_259] {strides = array<i32>} : memref<16x128xf32, #tpu.memory_space<vmem>>, vector<1x16xf32>,
      %swap3A_261 = vector.shape_cast %swap3A_260 : vector<1x16xf32> to vector<16xf32>
      %swap3A_262 = vector.shape_cast %broadcast_in_dim3A_27 : vector<16xf32> to vector<1x16xf32>
      tpu.vector_store %arg14[%swap3A_258, %swap3A_259], %swap3A_262 {strides = array<i32>} : memref<16x128xf32, #tpu.memory_space<vmem>>, vector<1x16xf32>,
      %swap3A_263 = arith.index_cast %scan3A_233 : i32 to index
      %swap3A_264 = arith.constant 96 : index
      %swap3A_265 = tpu.vector_load %arg14[%swap3A_263, %swap3A_264] {strides = array<i32>} : memref<16x128xf32, #tpu.memory_space<vmem>>, vector<1x16xf32>,
      %swap3A_266 = vector.shape_cast %swap3A_265 : vector<1x16xf32> to vector<16xf32>
      %swap3A_267 = vector.shape_cast %broadcast_in_dim3A_27 : vector<16xf32> to vector<1x16xf32>
      tpu.vector_store %arg14[%swap3A_263, %swap3A_264], %swap3A_267 {strides = array<i32>} : memref<16x128xf32, #tpu.memory_space<vmem>>, vector<1x16xf32>,
      %swap3A_268 = arith.index_cast %scan3A_233 : i32 to index
      %swap3A_269 = arith.constant 112 : index
      %swap3A_270 = tpu.vector_load %arg14[%swap3A_268, %swap3A_269] {strides = array<i32>} : memref<16x128xf32, #tpu.memory_space<vmem>>, vector<1x16xf32>,
      %swap3A_271 = vector.shape_cast %swap3A_270 : vector<1x16xf32> to vector<16xf32>
      %swap3A_272 = vector.shape_cast %broadcast_in_dim3A_27 : vector<16xf32> to vector<1x16xf32>
      tpu.vector_store %arg14[%swap3A_268, %swap3A_269], %swap3A_272 {strides = array<i32>} : memref<16x128xf32, #tpu.memory_space<vmem>>, vector<1x16xf32>,
    }
    %scan3A_32 = arith.constant 16 : i32
    %mul3A_33 = arith.constant 640 : i32
    %mul3A_34 = arith.muli %arg1, %mul3A_33 : i32
    %add3A_35 = arith.constant 0 : i32
    %add3A_36 = arith.addi %mul3A_34, %add3A_35 : i32
    "tpu.region"() ({
      %run_scoped3A = tpu.sem_alloc : memref<!tpu.dma_semaphore, #tpu.memory_space<semaphore_mem>>
      %dma_start3A = arith.constant 0 : i32
      %dma_start3A_233 = tpu.memref_slice %arg16[%add3A_36, %dma_start3A] : memref<10240x128xf32, #tpu.memory_space<vmem_shared>> -> memref<16x128xf32, #tpu.memory_space<vmem_shared>>
      %dma_start3A_234 = arith.constant 0 : i32
      %dma_start3A_235 = tpu.memref_slice %arg16[%add3A_36, %dma_start3A_234] : memref<10240x128xf32, #tpu.memory_space<vmem_shared>> -> memref<16x128xf32, #tpu.memory_space<vmem_shared>>
      tpu.enqueue_dma source(%arg14 : memref<16x128xf32, #tpu.memory_space<vmem>>) target(%dma_start3A_235 : memref<16x128xf32, #tpu.memory_space<vmem_shared>>) target_semaphore(%run_scoped3A : memref<!tpu.dma_semaphore, #tpu.memory_space<semaphore_mem>>)
      %dma_wait3A = arith.constant 0 : i32
      %dma_wait3A_236 = tpu.memref_slice %arg16[%add3A_36, %dma_wait3A] : memref<10240x128xf32, #tpu.memory_space<vmem_shared>> -> memref<16x128xf32, #tpu.memory_space<vmem_shared>>
      %dma_wait3A_237 = arith.constant 0 : i32
      %dma_wait3A_238 = tpu.memref_slice %arg16[%add3A_36, %dma_wait3A_237] : memref<10240x128xf32, #tpu.memory_space<vmem_shared>> -> memref<16x128xf32, #tpu.memory_space<vmem_shared>>
      tpu.wait_dma2 semaphore(%run_scoped3A : memref<!tpu.dma_semaphore, #tpu.memory_space<semaphore_mem>>) src(%arg14 : memref<16x128xf32, #tpu.memory_space<vmem>>) dst(%dma_wait3A_238 : memref<16x128xf32, #tpu.memory_space<vmem_shared>>)
      tpu.yield
    }) : () -> ()
    %mul3A_37 = arith.constant 640 : i32
    %mul3A_38 = arith.muli %arg1, %mul3A_37 : i32
    %add3A_39 = arith.constant 16 : i32
    %add3A_40 = arith.addi %mul3A_38, %add3A_39 : i32
    "tpu.region"() ({
      %run_scoped3A = tpu.sem_alloc : memref<!tpu.dma_semaphore, #tpu.memory_space<semaphore_mem>>
      %dma_start3A = arith.constant 0 : i32
      %dma_start3A_233 = tpu.memref_slice %arg16[%add3A_40, %dma_start3A] : memref<10240x128xf32, #tpu.memory_space<vmem_shared>> -> memref<16x128xf32, #tpu.memory_space<vmem_shared>>
      %dma_start3A_234 = arith.constant 0 : i32
      %dma_start3A_235 = tpu.memref_slice %arg16[%add3A_40, %dma_start3A_234] : memref<10240x128xf32, #tpu.memory_space<vmem_shared>> -> memref<16x128xf32, #tpu.memory_space<vmem_shared>>
      tpu.enqueue_dma source(%arg14 : memref<16x128xf32, #tpu.memory_space<vmem>>) target(%dma_start3A_235 : memref<16x128xf32, #tpu.memory_space<vmem_shared>>) target_semaphore(%run_scoped3A : memref<!tpu.dma_semaphore, #tpu.memory_space<semaphore_mem>>)
      %dma_wait3A = arith.constant 0 : i32
      %dma_wait3A_236 = tpu.memref_slice %arg16[%add3A_40, %dma_wait3A] : memref<10240x128xf32, #tpu.memory_space<vmem_shared>> -> memref<16x128xf32, #tpu.memory_space<vmem_shared>>
      %dma_wait3A_237 = arith.constant 0 : i32
      %dma_wait3A_238 = tpu.memref_slice %arg16[%add3A_40, %dma_wait3A_237] : memref<10240x128xf32, #tpu.memory_space<vmem_shared>> -> memref<16x128xf32, #tpu.memory_space<vmem_shared>>
      tpu.wait_dma2 semaphore(%run_scoped3A : memref<!tpu.dma_semaphore, #tpu.memory_space<semaphore_mem>>) src(%arg14 : memref<16x128xf32, #tpu.memory_space<vmem>>) dst(%dma_wait3A_238 : memref<16x128xf32, #tpu.memory_space<vmem_shared>>)
      tpu.yield
    }) : () -> ()
    %mul3A_41 = arith.constant 640 : i32
    %mul3A_42 = arith.muli %arg1, %mul3A_41 : i32
    %add3A_43 = arith.constant 32 : i32
    %add3A_44 = arith.addi %mul3A_42, %add3A_43 : i32
    "tpu.region"() ({
      %run_scoped3A = tpu.sem_alloc : memref<!tpu.dma_semaphore, #tpu.memory_space<semaphore_mem>>
      %dma_start3A = arith.constant 0 : i32
      %dma_start3A_233 = tpu.memref_slice %arg16[%add3A_44, %dma_start3A] : memref<10240x128xf32, #tpu.memory_space<vmem_shared>> -> memref<16x128xf32, #tpu.memory_space<vmem_shared>>
      %dma_start3A_234 = arith.constant 0 : i32
      %dma_start3A_235 = tpu.memref_slice %arg16[%add3A_44, %dma_start3A_234] : memref<10240x128xf32, #tpu.memory_space<vmem_shared>> -> memref<16x128xf32, #tpu.memory_space<vmem_shared>>
      tpu.enqueue_dma source(%arg14 : memref<16x128xf32, #tpu.memory_space<vmem>>) target(%dma_start3A_235 : memref<16x128xf32, #tpu.memory_space<vmem_shared>>) target_semaphore(%run_scoped3A : memref<!tpu.dma_semaphore, #tpu.memory_space<semaphore_mem>>)
      %dma_wait3A = arith.constant 0 : i32
      %dma_wait3A_236 = tpu.memref_slice %arg16[%add3A_44, %dma_wait3A] : memref<10240x128xf32, #tpu.memory_space<vmem_shared>> -> memref<16x128xf32, #tpu.memory_space<vmem_shared>>
      %dma_wait3A_237 = arith.constant 0 : i32
      %dma_wait3A_238 = tpu.memref_slice %arg16[%add3A_44, %dma_wait3A_237] : memref<10240x128xf32, #tpu.memory_space<vmem_shared>> -> memref<16x128xf32, #tpu.memory_space<vmem_shared>>
      tpu.wait_dma2 semaphore(%run_scoped3A : memref<!tpu.dma_semaphore, #tpu.memory_space<semaphore_mem>>) src(%arg14 : memref<16x128xf32, #tpu.memory_space<vmem>>) dst(%dma_wait3A_238 : memref<16x128xf32, #tpu.memory_space<vmem_shared>>)
      tpu.yield
    }) : () -> ()
    %mul3A_45 = arith.constant 640 : i32
    %mul3A_46 = arith.muli %arg1, %mul3A_45 : i32
    %add3A_47 = arith.constant 48 : i32
    %add3A_48 = arith.addi %mul3A_46, %add3A_47 : i32
    "tpu.region"() ({
      %run_scoped3A = tpu.sem_alloc : memref<!tpu.dma_semaphore, #tpu.memory_space<semaphore_mem>>
      %dma_start3A = arith.constant 0 : i32
      %dma_start3A_233 = tpu.memref_slice %arg16[%add3A_48, %dma_start3A] : memref<10240x128xf32, #tpu.memory_space<vmem_shared>> -> memref<16x128xf32, #tpu.memory_space<vmem_shared>>
      %dma_start3A_234 = arith.constant 0 : i32
      %dma_start3A_235 = tpu.memref_slice %arg16[%add3A_48, %dma_start3A_234] : memref<10240x128xf32, #tpu.memory_space<vmem_shared>> -> memref<16x128xf32, #tpu.memory_space<vmem_shared>>
      tpu.enqueue_dma source(%arg14 : memref<16x128xf32, #tpu.memory_space<vmem>>) target(%dma_start3A_235 : memref<16x128xf32, #tpu.memory_space<vmem_shared>>) target_semaphore(%run_scoped3A : memref<!tpu.dma_semaphore, #tpu.memory_space<semaphore_mem>>)
      %dma_wait3A = arith.constant 0 : i32
      %dma_wait3A_236 = tpu.memref_slice %arg16[%add3A_48, %dma_wait3A] : memref<10240x128xf32, #tpu.memory_space<vmem_shared>> -> memref<16x128xf32, #tpu.memory_space<vmem_shared>>
      %dma_wait3A_237 = arith.constant 0 : i32
      %dma_wait3A_238 = tpu.memref_slice %arg16[%add3A_48, %dma_wait3A_237] : memref<10240x128xf32, #tpu.memory_space<vmem_shared>> -> memref<16x128xf32, #tpu.memory_space<vmem_shared>>
      tpu.wait_dma2 semaphore(%run_scoped3A : memref<!tpu.dma_semaphore, #tpu.memory_space<semaphore_mem>>) src(%arg14 : memref<16x128xf32, #tpu.memory_space<vmem>>) dst(%dma_wait3A_238 : memref<16x128xf32, #tpu.memory_space<vmem_shared>>)
      tpu.yield
    }) : () -> ()
    %mul3A_49 = arith.constant 640 : i32
    %mul3A_50 = arith.muli %arg1, %mul3A_49 : i32
    %add3A_51 = arith.constant 64 : i32
    %add3A_52 = arith.addi %mul3A_50, %add3A_51 : i32
    "tpu.region"() ({
      %run_scoped3A = tpu.sem_alloc : memref<!tpu.dma_semaphore, #tpu.memory_space<semaphore_mem>>
      %dma_start3A = arith.constant 0 : i32
      %dma_start3A_233 = tpu.memref_slice %arg16[%add3A_52, %dma_start3A] : memref<10240x128xf32, #tpu.memory_space<vmem_shared>> -> memref<16x128xf32, #tpu.memory_space<vmem_shared>>
      %dma_start3A_234 = arith.constant 0 : i32
      %dma_start3A_235 = tpu.memref_slice %arg16[%add3A_52, %dma_start3A_234] : memref<10240x128xf32, #tpu.memory_space<vmem_shared>> -> memref<16x128xf32, #tpu.memory_space<vmem_shared>>
      tpu.enqueue_dma source(%arg14 : memref<16x128xf32, #tpu.memory_space<vmem>>) target(%dma_start3A_235 : memref<16x128xf32, #tpu.memory_space<vmem_shared>>) target_semaphore(%run_scoped3A : memref<!tpu.dma_semaphore, #tpu.memory_space<semaphore_mem>>)
      %dma_wait3A = arith.constant 0 : i32
      %dma_wait3A_236 = tpu.memref_slice %arg16[%add3A_52, %dma_wait3A] : memref<10240x128xf32, #tpu.memory_space<vmem_shared>> -> memref<16x128xf32, #tpu.memory_space<vmem_shared>>
      %dma_wait3A_237 = arith.constant 0 : i32
      %dma_wait3A_238 = tpu.memref_slice %arg16[%add3A_52, %dma_wait3A_237] : memref<10240x128xf32, #tpu.memory_space<vmem_shared>> -> memref<16x128xf32, #tpu.memory_space<vmem_shared>>
      tpu.wait_dma2 semaphore(%run_scoped3A : memref<!tpu.dma_semaphore, #tpu.memory_space<semaphore_mem>>) src(%arg14 : memref<16x128xf32, #tpu.memory_space<vmem>>) dst(%dma_wait3A_238 : memref<16x128xf32, #tpu.memory_space<vmem_shared>>)
      tpu.yield
    }) : () -> ()
    %mul3A_53 = arith.constant 640 : i32
    %mul3A_54 = arith.muli %arg1, %mul3A_53 : i32
    %add3A_55 = arith.constant 80 : i32
    %add3A_56 = arith.addi %mul3A_54, %add3A_55 : i32
    "tpu.region"() ({
      %run_scoped3A = tpu.sem_alloc : memref<!tpu.dma_semaphore, #tpu.memory_space<semaphore_mem>>
      %dma_start3A = arith.constant 0 : i32
      %dma_start3A_233 = tpu.memref_slice %arg16[%add3A_56, %dma_start3A] : memref<10240x128xf32, #tpu.memory_space<vmem_shared>> -> memref<16x128xf32, #tpu.memory_space<vmem_shared>>
      %dma_start3A_234 = arith.constant 0 : i32
      %dma_start3A_235 = tpu.memref_slice %arg16[%add3A_56, %dma_start3A_234] : memref<10240x128xf32, #tpu.memory_space<vmem_shared>> -> memref<16x128xf32, #tpu.memory_space<vmem_shared>>
      tpu.enqueue_dma source(%arg14 : memref<16x128xf32, #tpu.memory_space<vmem>>) target(%dma_start3A_235 : memref<16x128xf32, #tpu.memory_space<vmem_shared>>) target_semaphore(%run_scoped3A : memref<!tpu.dma_semaphore, #tpu.memory_space<semaphore_mem>>)
      %dma_wait3A = arith.constant 0 : i32
      %dma_wait3A_236 = tpu.memref_slice %arg16[%add3A_56, %dma_wait3A] : memref<10240x128xf32, #tpu.memory_space<vmem_shared>> -> memref<16x128xf32, #tpu.memory_space<vmem_shared>>
      %dma_wait3A_237 = arith.constant 0 : i32
      %dma_wait3A_238 = tpu.memref_slice %arg16[%add3A_56, %dma_wait3A_237] : memref<10240x128xf32, #tpu.memory_space<vmem_shared>> -> memref<16x128xf32, #tpu.memory_space<vmem_shared>>
      tpu.wait_dma2 semaphore(%run_scoped3A : memref<!tpu.dma_semaphore, #tpu.memory_space<semaphore_mem>>) src(%arg14 : memref<16x128xf32, #tpu.memory_space<vmem>>) dst(%dma_wait3A_238 : memref<16x128xf32, #tpu.memory_space<vmem_shared>>)
      tpu.yield
    }) : () -> ()
    %mul3A_57 = arith.constant 640 : i32
    %mul3A_58 = arith.muli %arg1, %mul3A_57 : i32
    %add3A_59 = arith.constant 96 : i32
    %add3A_60 = arith.addi %mul3A_58, %add3A_59 : i32
    "tpu.region"() ({
      %run_scoped3A = tpu.sem_alloc : memref<!tpu.dma_semaphore, #tpu.memory_space<semaphore_mem>>
      %dma_start3A = arith.constant 0 : i32
      %dma_start3A_233 = tpu.memref_slice %arg16[%add3A_60, %dma_start3A] : memref<10240x128xf32, #tpu.memory_space<vmem_shared>> -> memref<16x128xf32, #tpu.memory_space<vmem_shared>>
      %dma_start3A_234 = arith.constant 0 : i32
      %dma_start3A_235 = tpu.memref_slice %arg16[%add3A_60, %dma_start3A_234] : memref<10240x128xf32, #tpu.memory_space<vmem_shared>> -> memref<16x128xf32, #tpu.memory_space<vmem_shared>>
      tpu.enqueue_dma source(%arg14 : memref<16x128xf32, #tpu.memory_space<vmem>>) target(%dma_start3A_235 : memref<16x128xf32, #tpu.memory_space<vmem_shared>>) target_semaphore(%run_scoped3A : memref<!tpu.dma_semaphore, #tpu.memory_space<semaphore_mem>>)
      %dma_wait3A = arith.constant 0 : i32
      %dma_wait3A_236 = tpu.memref_slice %arg16[%add3A_60, %dma_wait3A] : memref<10240x128xf32, #tpu.memory_space<vmem_shared>> -> memref<16x128xf32, #tpu.memory_space<vmem_shared>>
      %dma_wait3A_237 = arith.constant 0 : i32
      %dma_wait3A_238 = tpu.memref_slice %arg16[%add3A_60, %dma_wait3A_237] : memref<10240x128xf32, #tpu.memory_space<vmem_shared>> -> memref<16x128xf32, #tpu.memory_space<vmem_shared>>
      tpu.wait_dma2 semaphore(%run_scoped3A : memref<!tpu.dma_semaphore, #tpu.memory_space<semaphore_mem>>) src(%arg14 : memref<16x128xf32, #tpu.memory_space<vmem>>) dst(%dma_wait3A_238 : memref<16x128xf32, #tpu.memory_space<vmem_shared>>)
      tpu.yield
    }) : () -> ()
    %mul3A_61 = arith.constant 640 : i32
    %mul3A_62 = arith.muli %arg1, %mul3A_61 : i32
    %add3A_63 = arith.constant 112 : i32
    %add3A_64 = arith.addi %mul3A_62, %add3A_63 : i32
    "tpu.region"() ({
      %run_scoped3A = tpu.sem_alloc : memref<!tpu.dma_semaphore, #tpu.memory_space<semaphore_mem>>
      %dma_start3A = arith.constant 0 : i32
      %dma_start3A_233 = tpu.memref_slice %arg16[%add3A_64, %dma_start3A] : memref<10240x128xf32, #tpu.memory_space<vmem_shared>> -> memref<16x128xf32, #tpu.memory_space<vmem_shared>>
      %dma_start3A_234 = arith.constant 0 : i32
      %dma_start3A_235 = tpu.memref_slice %arg16[%add3A_64, %dma_start3A_234] : memref<10240x128xf32, #tpu.memory_space<vmem_shared>> -> memref<16x128xf32, #tpu.memory_space<vmem_shared>>
      tpu.enqueue_dma source(%arg14 : memref<16x128xf32, #tpu.memory_space<vmem>>) target(%dma_start3A_235 : memref<16x128xf32, #tpu.memory_space<vmem_shared>>) target_semaphore(%run_scoped3A : memref<!tpu.dma_semaphore, #tpu.memory_space<semaphore_mem>>)
      %dma_wait3A = arith.constant 0 : i32
      %dma_wait3A_236 = tpu.memref_slice %arg16[%add3A_64, %dma_wait3A] : memref<10240x128xf32, #tpu.memory_space<vmem_shared>> -> memref<16x128xf32, #tpu.memory_space<vmem_shared>>
      %dma_wait3A_237 = arith.constant 0 : i32
      %dma_wait3A_238 = tpu.memref_slice %arg16[%add3A_64, %dma_wait3A_237] : memref<10240x128xf32, #tpu.memory_space<vmem_shared>> -> memref<16x128xf32, #tpu.memory_space<vmem_shared>>
      tpu.wait_dma2 semaphore(%run_scoped3A : memref<!tpu.dma_semaphore, #tpu.memory_space<semaphore_mem>>) src(%arg14 : memref<16x128xf32, #tpu.memory_space<vmem>>) dst(%dma_wait3A_238 : memref<16x128xf32, #tpu.memory_space<vmem_shared>>)
      tpu.yield
    }) : () -> ()
    %mul3A_65 = arith.constant 640 : i32
    %mul3A_66 = arith.muli %arg1, %mul3A_65 : i32
    %add3A_67 = arith.constant 128 : i32
    %add3A_68 = arith.addi %mul3A_66, %add3A_67 : i32
    "tpu.region"() ({
      %run_scoped3A = tpu.sem_alloc : memref<!tpu.dma_semaphore, #tpu.memory_space<semaphore_mem>>
      %dma_start3A = arith.constant 0 : i32
      %dma_start3A_233 = tpu.memref_slice %arg16[%add3A_68, %dma_start3A] : memref<10240x128xf32, #tpu.memory_space<vmem_shared>> -> memref<16x128xf32, #tpu.memory_space<vmem_shared>>
      %dma_start3A_234 = arith.constant 0 : i32
      %dma_start3A_235 = tpu.memref_slice %arg16[%add3A_68, %dma_start3A_234] : memref<10240x128xf32, #tpu.memory_space<vmem_shared>> -> memref<16x128xf32, #tpu.memory_space<vmem_shared>>
      tpu.enqueue_dma source(%arg14 : memref<16x128xf32, #tpu.memory_space<vmem>>) target(%dma_start3A_235 : memref<16x128xf32, #tpu.memory_space<vmem_shared>>) target_semaphore(%run_scoped3A : memref<!tpu.dma_semaphore, #tpu.memory_space<semaphore_mem>>)
      %dma_wait3A = arith.constant 0 : i32
      %dma_wait3A_236 = tpu.memref_slice %arg16[%add3A_68, %dma_wait3A] : memref<10240x128xf32, #tpu.memory_space<vmem_shared>> -> memref<16x128xf32, #tpu.memory_space<vmem_shared>>
      %dma_wait3A_237 = arith.constant 0 : i32
      %dma_wait3A_238 = tpu.memref_slice %arg16[%add3A_68, %dma_wait3A_237] : memref<10240x128xf32, #tpu.memory_space<vmem_shared>> -> memref<16x128xf32, #tpu.memory_space<vmem_shared>>
      tpu.wait_dma2 semaphore(%run_scoped3A : memref<!tpu.dma_semaphore, #tpu.memory_space<semaphore_mem>>) src(%arg14 : memref<16x128xf32, #tpu.memory_space<vmem>>) dst(%dma_wait3A_238 : memref<16x128xf32, #tpu.memory_space<vmem_shared>>)
      tpu.yield
    }) : () -> ()
    %mul3A_69 = arith.constant 640 : i32
    %mul3A_70 = arith.muli %arg1, %mul3A_69 : i32
    %add3A_71 = arith.constant 144 : i32
    %add3A_72 = arith.addi %mul3A_70, %add3A_71 : i32
    "tpu.region"() ({
      %run_scoped3A = tpu.sem_alloc : memref<!tpu.dma_semaphore, #tpu.memory_space<semaphore_mem>>
      %dma_start3A = arith.constant 0 : i32
      %dma_start3A_233 = tpu.memref_slice %arg16[%add3A_72, %dma_start3A] : memref<10240x128xf32, #tpu.memory_space<vmem_shared>> -> memref<16x128xf32, #tpu.memory_space<vmem_shared>>
      %dma_start3A_234 = arith.constant 0 : i32
      %dma_start3A_235 = tpu.memref_slice %arg16[%add3A_72, %dma_start3A_234] : memref<10240x128xf32, #tpu.memory_space<vmem_shared>> -> memref<16x128xf32, #tpu.memory_space<vmem_shared>>
      tpu.enqueue_dma source(%arg14 : memref<16x128xf32, #tpu.memory_space<vmem>>) target(%dma_start3A_235 : memref<16x128xf32, #tpu.memory_space<vmem_shared>>) target_semaphore(%run_scoped3A : memref<!tpu.dma_semaphore, #tpu.memory_space<semaphore_mem>>)
      %dma_wait3A = arith.constant 0 : i32
      %dma_wait3A_236 = tpu.memref_slice %arg16[%add3A_72, %dma_wait3A] : memref<10240x128xf32, #tpu.memory_space<vmem_shared>> -> memref<16x128xf32, #tpu.memory_space<vmem_shared>>
      %dma_wait3A_237 = arith.constant 0 : i32
      %dma_wait3A_238 = tpu.memref_slice %arg16[%add3A_72, %dma_wait3A_237] : memref<10240x128xf32, #tpu.memory_space<vmem_shared>> -> memref<16x128xf32, #tpu.memory_space<vmem_shared>>
      tpu.wait_dma2 semaphore(%run_scoped3A : memref<!tpu.dma_semaphore, #tpu.memory_space<semaphore_mem>>) src(%arg14 : memref<16x128xf32, #tpu.memory_space<vmem>>) dst(%dma_wait3A_238 : memref<16x128xf32, #tpu.memory_space<vmem_shared>>)
      tpu.yield
    }) : () -> ()
    %mul3A_73 = arith.constant 640 : i32
    %mul3A_74 = arith.muli %arg1, %mul3A_73 : i32
    %add3A_75 = arith.constant 160 : i32
    %add3A_76 = arith.addi %mul3A_74, %add3A_75 : i32
    "tpu.region"() ({
      %run_scoped3A = tpu.sem_alloc : memref<!tpu.dma_semaphore, #tpu.memory_space<semaphore_mem>>
      %dma_start3A = arith.constant 0 : i32
      %dma_start3A_233 = tpu.memref_slice %arg16[%add3A_76, %dma_start3A] : memref<10240x128xf32, #tpu.memory_space<vmem_shared>> -> memref<16x128xf32, #tpu.memory_space<vmem_shared>>
      %dma_start3A_234 = arith.constant 0 : i32
      %dma_start3A_235 = tpu.memref_slice %arg16[%add3A_76, %dma_start3A_234] : memref<10240x128xf32, #tpu.memory_space<vmem_shared>> -> memref<16x128xf32, #tpu.memory_space<vmem_shared>>
      tpu.enqueue_dma source(%arg14 : memref<16x128xf32, #tpu.memory_space<vmem>>) target(%dma_start3A_235 : memref<16x128xf32, #tpu.memory_space<vmem_shared>>) target_semaphore(%run_scoped3A : memref<!tpu.dma_semaphore, #tpu.memory_space<semaphore_mem>>)
      %dma_wait3A = arith.constant 0 : i32
      %dma_wait3A_236 = tpu.memref_slice %arg16[%add3A_76, %dma_wait3A] : memref<10240x128xf32, #tpu.memory_space<vmem_shared>> -> memref<16x128xf32, #tpu.memory_space<vmem_shared>>
      %dma_wait3A_237 = arith.constant 0 : i32
      %dma_wait3A_238 = tpu.memref_slice %arg16[%add3A_76, %dma_wait3A_237] : memref<10240x128xf32, #tpu.memory_space<vmem_shared>> -> memref<16x128xf32, #tpu.memory_space<vmem_shared>>
      tpu.wait_dma2 semaphore(%run_scoped3A : memref<!tpu.dma_semaphore, #tpu.memory_space<semaphore_mem>>) src(%arg14 : memref<16x128xf32, #tpu.memory_space<vmem>>) dst(%dma_wait3A_238 : memref<16x128xf32, #tpu.memory_space<vmem_shared>>)
      tpu.yield
    }) : () -> ()
    %mul3A_77 = arith.constant 640 : i32
    %mul3A_78 = arith.muli %arg1, %mul3A_77 : i32
    %add3A_79 = arith.constant 176 : i32
    %add3A_80 = arith.addi %mul3A_78, %add3A_79 : i32
    "tpu.region"() ({
      %run_scoped3A = tpu.sem_alloc : memref<!tpu.dma_semaphore, #tpu.memory_space<semaphore_mem>>
      %dma_start3A = arith.constant 0 : i32
      %dma_start3A_233 = tpu.memref_slice %arg16[%add3A_80, %dma_start3A] : memref<10240x128xf32, #tpu.memory_space<vmem_shared>> -> memref<16x128xf32, #tpu.memory_space<vmem_shared>>
      %dma_start3A_234 = arith.constant 0 : i32
      %dma_start3A_235 = tpu.memref_slice %arg16[%add3A_80, %dma_start3A_234] : memref<10240x128xf32, #tpu.memory_space<vmem_shared>> -> memref<16x128xf32, #tpu.memory_space<vmem_shared>>
      tpu.enqueue_dma source(%arg14 : memref<16x128xf32, #tpu.memory_space<vmem>>) target(%dma_start3A_235 : memref<16x128xf32, #tpu.memory_space<vmem_shared>>) target_semaphore(%run_scoped3A : memref<!tpu.dma_semaphore, #tpu.memory_space<semaphore_mem>>)
      %dma_wait3A = arith.constant 0 : i32
      %dma_wait3A_236 = tpu.memref_slice %arg16[%add3A_80, %dma_wait3A] : memref<10240x128xf32, #tpu.memory_space<vmem_shared>> -> memref<16x128xf32, #tpu.memory_space<vmem_shared>>
      %dma_wait3A_237 = arith.constant 0 : i32
      %dma_wait3A_238 = tpu.memref_slice %arg16[%add3A_80, %dma_wait3A_237] : memref<10240x128xf32, #tpu.memory_space<vmem_shared>> -> memref<16x128xf32, #tpu.memory_space<vmem_shared>>
      tpu.wait_dma2 semaphore(%run_scoped3A : memref<!tpu.dma_semaphore, #tpu.memory_space<semaphore_mem>>) src(%arg14 : memref<16x128xf32, #tpu.memory_space<vmem>>) dst(%dma_wait3A_238 : memref<16x128xf32, #tpu.memory_space<vmem_shared>>)
      tpu.yield
    }) : () -> ()
    %mul3A_81 = arith.constant 640 : i32
    %mul3A_82 = arith.muli %arg1, %mul3A_81 : i32
    %add3A_83 = arith.constant 192 : i32
    %add3A_84 = arith.addi %mul3A_82, %add3A_83 : i32
    "tpu.region"() ({
      %run_scoped3A = tpu.sem_alloc : memref<!tpu.dma_semaphore, #tpu.memory_space<semaphore_mem>>
      %dma_start3A = arith.constant 0 : i32
      %dma_start3A_233 = tpu.memref_slice %arg16[%add3A_84, %dma_start3A] : memref<10240x128xf32, #tpu.memory_space<vmem_shared>> -> memref<16x128xf32, #tpu.memory_space<vmem_shared>>
      %dma_start3A_234 = arith.constant 0 : i32
      %dma_start3A_235 = tpu.memref_slice %arg16[%add3A_84, %dma_start3A_234] : memref<10240x128xf32, #tpu.memory_space<vmem_shared>> -> memref<16x128xf32, #tpu.memory_space<vmem_shared>>
      tpu.enqueue_dma source(%arg14 : memref<16x128xf32, #tpu.memory_space<vmem>>) target(%dma_start3A_235 : memref<16x128xf32, #tpu.memory_space<vmem_shared>>) target_semaphore(%run_scoped3A : memref<!tpu.dma_semaphore, #tpu.memory_space<semaphore_mem>>)
      %dma_wait3A = arith.constant 0 : i32
      %dma_wait3A_236 = tpu.memref_slice %arg16[%add3A_84, %dma_wait3A] : memref<10240x128xf32, #tpu.memory_space<vmem_shared>> -> memref<16x128xf32, #tpu.memory_space<vmem_shared>>
      %dma_wait3A_237 = arith.constant 0 : i32
      %dma_wait3A_238 = tpu.memref_slice %arg16[%add3A_84, %dma_wait3A_237] : memref<10240x128xf32, #tpu.memory_space<vmem_shared>> -> memref<16x128xf32, #tpu.memory_space<vmem_shared>>
      tpu.wait_dma2 semaphore(%run_scoped3A : memref<!tpu.dma_semaphore, #tpu.memory_space<semaphore_mem>>) src(%arg14 : memref<16x128xf32, #tpu.memory_space<vmem>>) dst(%dma_wait3A_238 : memref<16x128xf32, #tpu.memory_space<vmem_shared>>)
      tpu.yield
    }) : () -> ()
    %mul3A_85 = arith.constant 640 : i32
    %mul3A_86 = arith.muli %arg1, %mul3A_85 : i32
    %add3A_87 = arith.constant 208 : i32
    %add3A_88 = arith.addi %mul3A_86, %add3A_87 : i32
    "tpu.region"() ({
      %run_scoped3A = tpu.sem_alloc : memref<!tpu.dma_semaphore, #tpu.memory_space<semaphore_mem>>
      %dma_start3A = arith.constant 0 : i32
      %dma_start3A_233 = tpu.memref_slice %arg16[%add3A_88, %dma_start3A] : memref<10240x128xf32, #tpu.memory_space<vmem_shared>> -> memref<16x128xf32, #tpu.memory_space<vmem_shared>>
      %dma_start3A_234 = arith.constant 0 : i32
      %dma_start3A_235 = tpu.memref_slice %arg16[%add3A_88, %dma_start3A_234] : memref<10240x128xf32, #tpu.memory_space<vmem_shared>> -> memref<16x128xf32, #tpu.memory_space<vmem_shared>>
      tpu.enqueue_dma source(%arg14 : memref<16x128xf32, #tpu.memory_space<vmem>>) target(%dma_start3A_235 : memref<16x128xf32, #tpu.memory_space<vmem_shared>>) target_semaphore(%run_scoped3A : memref<!tpu.dma_semaphore, #tpu.memory_space<semaphore_mem>>)
      %dma_wait3A = arith.constant 0 : i32
      %dma_wait3A_236 = tpu.memref_slice %arg16[%add3A_88, %dma_wait3A] : memref<10240x128xf32, #tpu.memory_space<vmem_shared>> -> memref<16x128xf32, #tpu.memory_space<vmem_shared>>
      %dma_wait3A_237 = arith.constant 0 : i32
      %dma_wait3A_238 = tpu.memref_slice %arg16[%add3A_88, %dma_wait3A_237] : memref<10240x128xf32, #tpu.memory_space<vmem_shared>> -> memref<16x128xf32, #tpu.memory_space<vmem_shared>>
      tpu.wait_dma2 semaphore(%run_scoped3A : memref<!tpu.dma_semaphore, #tpu.memory_space<semaphore_mem>>) src(%arg14 : memref<16x128xf32, #tpu.memory_space<vmem>>) dst(%dma_wait3A_238 : memref<16x128xf32, #tpu.memory_space<vmem_shared>>)
      tpu.yield
    }) : () -> ()
    %mul3A_89 = arith.constant 640 : i32
    %mul3A_90 = arith.muli %arg1, %mul3A_89 : i32
    %add3A_91 = arith.constant 224 : i32
    %add3A_92 = arith.addi %mul3A_90, %add3A_91 : i32
    "tpu.region"() ({
      %run_scoped3A = tpu.sem_alloc : memref<!tpu.dma_semaphore, #tpu.memory_space<semaphore_mem>>
      %dma_start3A = arith.constant 0 : i32
      %dma_start3A_233 = tpu.memref_slice %arg16[%add3A_92, %dma_start3A] : memref<10240x128xf32, #tpu.memory_space<vmem_shared>> -> memref<16x128xf32, #tpu.memory_space<vmem_shared>>
      %dma_start3A_234 = arith.constant 0 : i32
      %dma_start3A_235 = tpu.memref_slice %arg16[%add3A_92, %dma_start3A_234] : memref<10240x128xf32, #tpu.memory_space<vmem_shared>> -> memref<16x128xf32, #tpu.memory_space<vmem_shared>>
      tpu.enqueue_dma source(%arg14 : memref<16x128xf32, #tpu.memory_space<vmem>>) target(%dma_start3A_235 : memref<16x128xf32, #tpu.memory_space<vmem_shared>>) target_semaphore(%run_scoped3A : memref<!tpu.dma_semaphore, #tpu.memory_space<semaphore_mem>>)
      %dma_wait3A = arith.constant 0 : i32
      %dma_wait3A_236 = tpu.memref_slice %arg16[%add3A_92, %dma_wait3A] : memref<10240x128xf32, #tpu.memory_space<vmem_shared>> -> memref<16x128xf32, #tpu.memory_space<vmem_shared>>
      %dma_wait3A_237 = arith.constant 0 : i32
      %dma_wait3A_238 = tpu.memref_slice %arg16[%add3A_92, %dma_wait3A_237] : memref<10240x128xf32, #tpu.memory_space<vmem_shared>> -> memref<16x128xf32, #tpu.memory_space<vmem_shared>>
      tpu.wait_dma2 semaphore(%run_scoped3A : memref<!tpu.dma_semaphore, #tpu.memory_space<semaphore_mem>>) src(%arg14 : memref<16x128xf32, #tpu.memory_space<vmem>>) dst(%dma_wait3A_238 : memref<16x128xf32, #tpu.memory_space<vmem_shared>>)
      tpu.yield
    }) : () -> ()
    %mul3A_93 = arith.constant 640 : i32
    %mul3A_94 = arith.muli %arg1, %mul3A_93 : i32
    %add3A_95 = arith.constant 240 : i32
    %add3A_96 = arith.addi %mul3A_94, %add3A_95 : i32
    "tpu.region"() ({
      %run_scoped3A = tpu.sem_alloc : memref<!tpu.dma_semaphore, #tpu.memory_space<semaphore_mem>>
      %dma_start3A = arith.constant 0 : i32
      %dma_start3A_233 = tpu.memref_slice %arg16[%add3A_96, %dma_start3A] : memref<10240x128xf32, #tpu.memory_space<vmem_shared>> -> memref<16x128xf32, #tpu.memory_space<vmem_shared>>
      %dma_start3A_234 = arith.constant 0 : i32
      %dma_start3A_235 = tpu.memref_slice %arg16[%add3A_96, %dma_start3A_234] : memref<10240x128xf32, #tpu.memory_space<vmem_shared>> -> memref<16x128xf32, #tpu.memory_space<vmem_shared>>
      tpu.enqueue_dma source(%arg14 : memref<16x128xf32, #tpu.memory_space<vmem>>) target(%dma_start3A_235 : memref<16x128xf32, #tpu.memory_space<vmem_shared>>) target_semaphore(%run_scoped3A : memref<!tpu.dma_semaphore, #tpu.memory_space<semaphore_mem>>)
      %dma_wait3A = arith.constant 0 : i32
      %dma_wait3A_236 = tpu.memref_slice %arg16[%add3A_96, %dma_wait3A] : memref<10240x128xf32, #tpu.memory_space<vmem_shared>> -> memref<16x128xf32, #tpu.memory_space<vmem_shared>>
      %dma_wait3A_237 = arith.constant 0 : i32
      %dma_wait3A_238 = tpu.memref_slice %arg16[%add3A_96, %dma_wait3A_237] : memref<10240x128xf32, #tpu.memory_space<vmem_shared>> -> memref<16x128xf32, #tpu.memory_space<vmem_shared>>
      tpu.wait_dma2 semaphore(%run_scoped3A : memref<!tpu.dma_semaphore, #tpu.memory_space<semaphore_mem>>) src(%arg14 : memref<16x128xf32, #tpu.memory_space<vmem>>) dst(%dma_wait3A_238 : memref<16x128xf32, #tpu.memory_space<vmem_shared>>)
      tpu.yield
    }) : () -> ()
    %mul3A_97 = arith.constant 640 : i32
    %mul3A_98 = arith.muli %arg1, %mul3A_97 : i32
    %add3A_99 = arith.constant 256 : i32
    %add3A_100 = arith.addi %mul3A_98, %add3A_99 : i32
    "tpu.region"() ({
      %run_scoped3A = tpu.sem_alloc : memref<!tpu.dma_semaphore, #tpu.memory_space<semaphore_mem>>
      %dma_start3A = arith.constant 0 : i32
      %dma_start3A_233 = tpu.memref_slice %arg16[%add3A_100, %dma_start3A] : memref<10240x128xf32, #tpu.memory_space<vmem_shared>> -> memref<16x128xf32, #tpu.memory_space<vmem_shared>>
      %dma_start3A_234 = arith.constant 0 : i32
      %dma_start3A_235 = tpu.memref_slice %arg16[%add3A_100, %dma_start3A_234] : memref<10240x128xf32, #tpu.memory_space<vmem_shared>> -> memref<16x128xf32, #tpu.memory_space<vmem_shared>>
      tpu.enqueue_dma source(%arg14 : memref<16x128xf32, #tpu.memory_space<vmem>>) target(%dma_start3A_235 : memref<16x128xf32, #tpu.memory_space<vmem_shared>>) target_semaphore(%run_scoped3A : memref<!tpu.dma_semaphore, #tpu.memory_space<semaphore_mem>>)
      %dma_wait3A = arith.constant 0 : i32
      %dma_wait3A_236 = tpu.memref_slice %arg16[%add3A_100, %dma_wait3A] : memref<10240x128xf32, #tpu.memory_space<vmem_shared>> -> memref<16x128xf32, #tpu.memory_space<vmem_shared>>
      %dma_wait3A_237 = arith.constant 0 : i32
      %dma_wait3A_238 = tpu.memref_slice %arg16[%add3A_100, %dma_wait3A_237] : memref<10240x128xf32, #tpu.memory_space<vmem_shared>> -> memref<16x128xf32, #tpu.memory_space<vmem_shared>>
      tpu.wait_dma2 semaphore(%run_scoped3A : memref<!tpu.dma_semaphore, #tpu.memory_space<semaphore_mem>>) src(%arg14 : memref<16x128xf32, #tpu.memory_space<vmem>>) dst(%dma_wait3A_238 : memref<16x128xf32, #tpu.memory_space<vmem_shared>>)
      tpu.yield
    }) : () -> ()
    %mul3A_101 = arith.constant 640 : i32
    %mul3A_102 = arith.muli %arg1, %mul3A_101 : i32
    %add3A_103 = arith.constant 272 : i32
    %add3A_104 = arith.addi %mul3A_102, %add3A_103 : i32
    "tpu.region"() ({
      %run_scoped3A = tpu.sem_alloc : memref<!tpu.dma_semaphore, #tpu.memory_space<semaphore_mem>>
      %dma_start3A = arith.constant 0 : i32
      %dma_start3A_233 = tpu.memref_slice %arg16[%add3A_104, %dma_start3A] : memref<10240x128xf32, #tpu.memory_space<vmem_shared>> -> memref<16x128xf32, #tpu.memory_space<vmem_shared>>
      %dma_start3A_234 = arith.constant 0 : i32
      %dma_start3A_235 = tpu.memref_slice %arg16[%add3A_104, %dma_start3A_234] : memref<10240x128xf32, #tpu.memory_space<vmem_shared>> -> memref<16x128xf32, #tpu.memory_space<vmem_shared>>
      tpu.enqueue_dma source(%arg14 : memref<16x128xf32, #tpu.memory_space<vmem>>) target(%dma_start3A_235 : memref<16x128xf32, #tpu.memory_space<vmem_shared>>) target_semaphore(%run_scoped3A : memref<!tpu.dma_semaphore, #tpu.memory_space<semaphore_mem>>)
      %dma_wait3A = arith.constant 0 : i32
      %dma_wait3A_236 = tpu.memref_slice %arg16[%add3A_104, %dma_wait3A] : memref<10240x128xf32, #tpu.memory_space<vmem_shared>> -> memref<16x128xf32, #tpu.memory_space<vmem_shared>>
      %dma_wait3A_237 = arith.constant 0 : i32
      %dma_wait3A_238 = tpu.memref_slice %arg16[%add3A_104, %dma_wait3A_237] : memref<10240x128xf32, #tpu.memory_space<vmem_shared>> -> memref<16x128xf32, #tpu.memory_space<vmem_shared>>
      tpu.wait_dma2 semaphore(%run_scoped3A : memref<!tpu.dma_semaphore, #tpu.memory_space<semaphore_mem>>) src(%arg14 : memref<16x128xf32, #tpu.memory_space<vmem>>) dst(%dma_wait3A_238 : memref<16x128xf32, #tpu.memory_space<vmem_shared>>)
      tpu.yield
    }) : () -> ()
    %mul3A_105 = arith.constant 640 : i32
    %mul3A_106 = arith.muli %arg1, %mul3A_105 : i32
    %add3A_107 = arith.constant 288 : i32
    %add3A_108 = arith.addi %mul3A_106, %add3A_107 : i32
    "tpu.region"() ({
      %run_scoped3A = tpu.sem_alloc : memref<!tpu.dma_semaphore, #tpu.memory_space<semaphore_mem>>
      %dma_start3A = arith.constant 0 : i32
      %dma_start3A_233 = tpu.memref_slice %arg16[%add3A_108, %dma_start3A] : memref<10240x128xf32, #tpu.memory_space<vmem_shared>> -> memref<16x128xf32, #tpu.memory_space<vmem_shared>>
      %dma_start3A_234 = arith.constant 0 : i32
      %dma_start3A_235 = tpu.memref_slice %arg16[%add3A_108, %dma_start3A_234] : memref<10240x128xf32, #tpu.memory_space<vmem_shared>> -> memref<16x128xf32, #tpu.memory_space<vmem_shared>>
      tpu.enqueue_dma source(%arg14 : memref<16x128xf32, #tpu.memory_space<vmem>>) target(%dma_start3A_235 : memref<16x128xf32, #tpu.memory_space<vmem_shared>>) target_semaphore(%run_scoped3A : memref<!tpu.dma_semaphore, #tpu.memory_space<semaphore_mem>>)
      %dma_wait3A = arith.constant 0 : i32
      %dma_wait3A_236 = tpu.memref_slice %arg16[%add3A_108, %dma_wait3A] : memref<10240x128xf32, #tpu.memory_space<vmem_shared>> -> memref<16x128xf32, #tpu.memory_space<vmem_shared>>
      %dma_wait3A_237 = arith.constant 0 : i32
      %dma_wait3A_238 = tpu.memref_slice %arg16[%add3A_108, %dma_wait3A_237] : memref<10240x128xf32, #tpu.memory_space<vmem_shared>> -> memref<16x128xf32, #tpu.memory_space<vmem_shared>>
      tpu.wait_dma2 semaphore(%run_scoped3A : memref<!tpu.dma_semaphore, #tpu.memory_space<semaphore_mem>>) src(%arg14 : memref<16x128xf32, #tpu.memory_space<vmem>>) dst(%dma_wait3A_238 : memref<16x128xf32, #tpu.memory_space<vmem_shared>>)
      tpu.yield
    }) : () -> ()
    %mul3A_109 = arith.constant 640 : i32
    %mul3A_110 = arith.muli %arg1, %mul3A_109 : i32
    %add3A_111 = arith.constant 304 : i32
    %add3A_112 = arith.addi %mul3A_110, %add3A_111 : i32
    "tpu.region"() ({
      %run_scoped3A = tpu.sem_alloc : memref<!tpu.dma_semaphore, #tpu.memory_space<semaphore_mem>>
      %dma_start3A = arith.constant 0 : i32
      %dma_start3A_233 = tpu.memref_slice %arg16[%add3A_112, %dma_start3A] : memref<10240x128xf32, #tpu.memory_space<vmem_shared>> -> memref<16x128xf32, #tpu.memory_space<vmem_shared>>
      %dma_start3A_234 = arith.constant 0 : i32
      %dma_start3A_235 = tpu.memref_slice %arg16[%add3A_112, %dma_start3A_234] : memref<10240x128xf32, #tpu.memory_space<vmem_shared>> -> memref<16x128xf32, #tpu.memory_space<vmem_shared>>
      tpu.enqueue_dma source(%arg14 : memref<16x128xf32, #tpu.memory_space<vmem>>) target(%dma_start3A_235 : memref<16x128xf32, #tpu.memory_space<vmem_shared>>) target_semaphore(%run_scoped3A : memref<!tpu.dma_semaphore, #tpu.memory_space<semaphore_mem>>)
      %dma_wait3A = arith.constant 0 : i32
      %dma_wait3A_236 = tpu.memref_slice %arg16[%add3A_112, %dma_wait3A] : memref<10240x128xf32, #tpu.memory_space<vmem_shared>> -> memref<16x128xf32, #tpu.memory_space<vmem_shared>>
      %dma_wait3A_237 = arith.constant 0 : i32
      %dma_wait3A_238 = tpu.memref_slice %arg16[%add3A_112, %dma_wait3A_237] : memref<10240x128xf32, #tpu.memory_space<vmem_shared>> -> memref<16x128xf32, #tpu.memory_space<vmem_shared>>
      tpu.wait_dma2 semaphore(%run_scoped3A : memref<!tpu.dma_semaphore, #tpu.memory_space<semaphore_mem>>) src(%arg14 : memref<16x128xf32, #tpu.memory_space<vmem>>) dst(%dma_wait3A_238 : memref<16x128xf32, #tpu.memory_space<vmem_shared>>)
      tpu.yield
    }) : () -> ()
    %mul3A_113 = arith.constant 640 : i32
    %mul3A_114 = arith.muli %arg1, %mul3A_113 : i32
    %add3A_115 = arith.constant 320 : i32
    %add3A_116 = arith.addi %mul3A_114, %add3A_115 : i32
    "tpu.region"() ({
      %run_scoped3A = tpu.sem_alloc : memref<!tpu.dma_semaphore, #tpu.memory_space<semaphore_mem>>
      %dma_start3A = arith.constant 0 : i32
      %dma_start3A_233 = tpu.memref_slice %arg16[%add3A_116, %dma_start3A] : memref<10240x128xf32, #tpu.memory_space<vmem_shared>> -> memref<16x128xf32, #tpu.memory_space<vmem_shared>>
      %dma_start3A_234 = arith.constant 0 : i32
      %dma_start3A_235 = tpu.memref_slice %arg16[%add3A_116, %dma_start3A_234] : memref<10240x128xf32, #tpu.memory_space<vmem_shared>> -> memref<16x128xf32, #tpu.memory_space<vmem_shared>>
      tpu.enqueue_dma source(%arg14 : memref<16x128xf32, #tpu.memory_space<vmem>>) target(%dma_start3A_235 : memref<16x128xf32, #tpu.memory_space<vmem_shared>>) target_semaphore(%run_scoped3A : memref<!tpu.dma_semaphore, #tpu.memory_space<semaphore_mem>>)
      %dma_wait3A = arith.constant 0 : i32
      %dma_wait3A_236 = tpu.memref_slice %arg16[%add3A_116, %dma_wait3A] : memref<10240x128xf32, #tpu.memory_space<vmem_shared>> -> memref<16x128xf32, #tpu.memory_space<vmem_shared>>
      %dma_wait3A_237 = arith.constant 0 : i32
      %dma_wait3A_238 = tpu.memref_slice %arg16[%add3A_116, %dma_wait3A_237] : memref<10240x128xf32, #tpu.memory_space<vmem_shared>> -> memref<16x128xf32, #tpu.memory_space<vmem_shared>>
      tpu.wait_dma2 semaphore(%run_scoped3A : memref<!tpu.dma_semaphore, #tpu.memory_space<semaphore_mem>>) src(%arg14 : memref<16x128xf32, #tpu.memory_space<vmem>>) dst(%dma_wait3A_238 : memref<16x128xf32, #tpu.memory_space<vmem_shared>>)
      tpu.yield
    }) : () -> ()
    %mul3A_117 = arith.constant 640 : i32
    %mul3A_118 = arith.muli %arg1, %mul3A_117 : i32
    %add3A_119 = arith.constant 336 : i32
    %add3A_120 = arith.addi %mul3A_118, %add3A_119 : i32
    "tpu.region"() ({
      %run_scoped3A = tpu.sem_alloc : memref<!tpu.dma_semaphore, #tpu.memory_space<semaphore_mem>>
      %dma_start3A = arith.constant 0 : i32
      %dma_start3A_233 = tpu.memref_slice %arg16[%add3A_120, %dma_start3A] : memref<10240x128xf32, #tpu.memory_space<vmem_shared>> -> memref<16x128xf32, #tpu.memory_space<vmem_shared>>
      %dma_start3A_234 = arith.constant 0 : i32
      %dma_start3A_235 = tpu.memref_slice %arg16[%add3A_120, %dma_start3A_234] : memref<10240x128xf32, #tpu.memory_space<vmem_shared>> -> memref<16x128xf32, #tpu.memory_space<vmem_shared>>
      tpu.enqueue_dma source(%arg14 : memref<16x128xf32, #tpu.memory_space<vmem>>) target(%dma_start3A_235 : memref<16x128xf32, #tpu.memory_space<vmem_shared>>) target_semaphore(%run_scoped3A : memref<!tpu.dma_semaphore, #tpu.memory_space<semaphore_mem>>)
      %dma_wait3A = arith.constant 0 : i32
      %dma_wait3A_236 = tpu.memref_slice %arg16[%add3A_120, %dma_wait3A] : memref<10240x128xf32, #tpu.memory_space<vmem_shared>> -> memref<16x128xf32, #tpu.memory_space<vmem_shared>>
      %dma_wait3A_237 = arith.constant 0 : i32
      %dma_wait3A_238 = tpu.memref_slice %arg16[%add3A_120, %dma_wait3A_237] : memref<10240x128xf32, #tpu.memory_space<vmem_shared>> -> memref<16x128xf32, #tpu.memory_space<vmem_shared>>
      tpu.wait_dma2 semaphore(%run_scoped3A : memref<!tpu.dma_semaphore, #tpu.memory_space<semaphore_mem>>) src(%arg14 : memref<16x128xf32, #tpu.memory_space<vmem>>) dst(%dma_wait3A_238 : memref<16x128xf32, #tpu.memory_space<vmem_shared>>)
      tpu.yield
    }) : () -> ()
    %mul3A_121 = arith.constant 640 : i32
    %mul3A_122 = arith.muli %arg1, %mul3A_121 : i32
    %add3A_123 = arith.constant 352 : i32
    %add3A_124 = arith.addi %mul3A_122, %add3A_123 : i32
    "tpu.region"() ({
      %run_scoped3A = tpu.sem_alloc : memref<!tpu.dma_semaphore, #tpu.memory_space<semaphore_mem>>
      %dma_start3A = arith.constant 0 : i32
      %dma_start3A_233 = tpu.memref_slice %arg16[%add3A_124, %dma_start3A] : memref<10240x128xf32, #tpu.memory_space<vmem_shared>> -> memref<16x128xf32, #tpu.memory_space<vmem_shared>>
      %dma_start3A_234 = arith.constant 0 : i32
      %dma_start3A_235 = tpu.memref_slice %arg16[%add3A_124, %dma_start3A_234] : memref<10240x128xf32, #tpu.memory_space<vmem_shared>> -> memref<16x128xf32, #tpu.memory_space<vmem_shared>>
      tpu.enqueue_dma source(%arg14 : memref<16x128xf32, #tpu.memory_space<vmem>>) target(%dma_start3A_235 : memref<16x128xf32, #tpu.memory_space<vmem_shared>>) target_semaphore(%run_scoped3A : memref<!tpu.dma_semaphore, #tpu.memory_space<semaphore_mem>>)
      %dma_wait3A = arith.constant 0 : i32
      %dma_wait3A_236 = tpu.memref_slice %arg16[%add3A_124, %dma_wait3A] : memref<10240x128xf32, #tpu.memory_space<vmem_shared>> -> memref<16x128xf32, #tpu.memory_space<vmem_shared>>
      %dma_wait3A_237 = arith.constant 0 : i32
      %dma_wait3A_238 = tpu.memref_slice %arg16[%add3A_124, %dma_wait3A_237] : memref<10240x128xf32, #tpu.memory_space<vmem_shared>> -> memref<16x128xf32, #tpu.memory_space<vmem_shared>>
      tpu.wait_dma2 semaphore(%run_scoped3A : memref<!tpu.dma_semaphore, #tpu.memory_space<semaphore_mem>>) src(%arg14 : memref<16x128xf32, #tpu.memory_space<vmem>>) dst(%dma_wait3A_238 : memref<16x128xf32, #tpu.memory_space<vmem_shared>>)
      tpu.yield
    }) : () -> ()
    %mul3A_125 = arith.constant 640 : i32
    %mul3A_126 = arith.muli %arg1, %mul3A_125 : i32
    %add3A_127 = arith.constant 368 : i32
    %add3A_128 = arith.addi %mul3A_126, %add3A_127 : i32
    "tpu.region"() ({
      %run_scoped3A = tpu.sem_alloc : memref<!tpu.dma_semaphore, #tpu.memory_space<semaphore_mem>>
      %dma_start3A = arith.constant 0 : i32
      %dma_start3A_233 = tpu.memref_slice %arg16[%add3A_128, %dma_start3A] : memref<10240x128xf32, #tpu.memory_space<vmem_shared>> -> memref<16x128xf32, #tpu.memory_space<vmem_shared>>
      %dma_start3A_234 = arith.constant 0 : i32
      %dma_start3A_235 = tpu.memref_slice %arg16[%add3A_128, %dma_start3A_234] : memref<10240x128xf32, #tpu.memory_space<vmem_shared>> -> memref<16x128xf32, #tpu.memory_space<vmem_shared>>
      tpu.enqueue_dma source(%arg14 : memref<16x128xf32, #tpu.memory_space<vmem>>) target(%dma_start3A_235 : memref<16x128xf32, #tpu.memory_space<vmem_shared>>) target_semaphore(%run_scoped3A : memref<!tpu.dma_semaphore, #tpu.memory_space<semaphore_mem>>)
      %dma_wait3A = arith.constant 0 : i32
      %dma_wait3A_236 = tpu.memref_slice %arg16[%add3A_128, %dma_wait3A] : memref<10240x128xf32, #tpu.memory_space<vmem_shared>> -> memref<16x128xf32, #tpu.memory_space<vmem_shared>>
      %dma_wait3A_237 = arith.constant 0 : i32
      %dma_wait3A_238 = tpu.memref_slice %arg16[%add3A_128, %dma_wait3A_237] : memref<10240x128xf32, #tpu.memory_space<vmem_shared>> -> memref<16x128xf32, #tpu.memory_space<vmem_shared>>
      tpu.wait_dma2 semaphore(%run_scoped3A : memref<!tpu.dma_semaphore, #tpu.memory_space<semaphore_mem>>) src(%arg14 : memref<16x128xf32, #tpu.memory_space<vmem>>) dst(%dma_wait3A_238 : memref<16x128xf32, #tpu.memory_space<vmem_shared>>)
      tpu.yield
    }) : () -> ()
    %mul3A_129 = arith.constant 640 : i32
    %mul3A_130 = arith.muli %arg1, %mul3A_129 : i32
    %add3A_131 = arith.constant 384 : i32
    %add3A_132 = arith.addi %mul3A_130, %add3A_131 : i32
    "tpu.region"() ({
      %run_scoped3A = tpu.sem_alloc : memref<!tpu.dma_semaphore, #tpu.memory_space<semaphore_mem>>
      %dma_start3A = arith.constant 0 : i32
      %dma_start3A_233 = tpu.memref_slice %arg16[%add3A_132, %dma_start3A] : memref<10240x128xf32, #tpu.memory_space<vmem_shared>> -> memref<16x128xf32, #tpu.memory_space<vmem_shared>>
      %dma_start3A_234 = arith.constant 0 : i32
      %dma_start3A_235 = tpu.memref_slice %arg16[%add3A_132, %dma_start3A_234] : memref<10240x128xf32, #tpu.memory_space<vmem_shared>> -> memref<16x128xf32, #tpu.memory_space<vmem_shared>>
      tpu.enqueue_dma source(%arg14 : memref<16x128xf32, #tpu.memory_space<vmem>>) target(%dma_start3A_235 : memref<16x128xf32, #tpu.memory_space<vmem_shared>>) target_semaphore(%run_scoped3A : memref<!tpu.dma_semaphore, #tpu.memory_space<semaphore_mem>>)
      %dma_wait3A = arith.constant 0 : i32
      %dma_wait3A_236 = tpu.memref_slice %arg16[%add3A_132, %dma_wait3A] : memref<10240x128xf32, #tpu.memory_space<vmem_shared>> -> memref<16x128xf32, #tpu.memory_space<vmem_shared>>
      %dma_wait3A_237 = arith.constant 0 : i32
      %dma_wait3A_238 = tpu.memref_slice %arg16[%add3A_132, %dma_wait3A_237] : memref<10240x128xf32, #tpu.memory_space<vmem_shared>> -> memref<16x128xf32, #tpu.memory_space<vmem_shared>>
      tpu.wait_dma2 semaphore(%run_scoped3A : memref<!tpu.dma_semaphore, #tpu.memory_space<semaphore_mem>>) src(%arg14 : memref<16x128xf32, #tpu.memory_space<vmem>>) dst(%dma_wait3A_238 : memref<16x128xf32, #tpu.memory_space<vmem_shared>>)
      tpu.yield
    }) : () -> ()
    %mul3A_133 = arith.constant 640 : i32
    %mul3A_134 = arith.muli %arg1, %mul3A_133 : i32
    %add3A_135 = arith.constant 400 : i32
    %add3A_136 = arith.addi %mul3A_134, %add3A_135 : i32
    "tpu.region"() ({
      %run_scoped3A = tpu.sem_alloc : memref<!tpu.dma_semaphore, #tpu.memory_space<semaphore_mem>>
      %dma_start3A = arith.constant 0 : i32
      %dma_start3A_233 = tpu.memref_slice %arg16[%add3A_136, %dma_start3A] : memref<10240x128xf32, #tpu.memory_space<vmem_shared>> -> memref<16x128xf32, #tpu.memory_space<vmem_shared>>
      %dma_start3A_234 = arith.constant 0 : i32
      %dma_start3A_235 = tpu.memref_slice %arg16[%add3A_136, %dma_start3A_234] : memref<10240x128xf32, #tpu.memory_space<vmem_shared>> -> memref<16x128xf32, #tpu.memory_space<vmem_shared>>
      tpu.enqueue_dma source(%arg14 : memref<16x128xf32, #tpu.memory_space<vmem>>) target(%dma_start3A_235 : memref<16x128xf32, #tpu.memory_space<vmem_shared>>) target_semaphore(%run_scoped3A : memref<!tpu.dma_semaphore, #tpu.memory_space<semaphore_mem>>)
      %dma_wait3A = arith.constant 0 : i32
      %dma_wait3A_236 = tpu.memref_slice %arg16[%add3A_136, %dma_wait3A] : memref<10240x128xf32, #tpu.memory_space<vmem_shared>> -> memref<16x128xf32, #tpu.memory_space<vmem_shared>>
      %dma_wait3A_237 = arith.constant 0 : i32
      %dma_wait3A_238 = tpu.memref_slice %arg16[%add3A_136, %dma_wait3A_237] : memref<10240x128xf32, #tpu.memory_space<vmem_shared>> -> memref<16x128xf32, #tpu.memory_space<vmem_shared>>
      tpu.wait_dma2 semaphore(%run_scoped3A : memref<!tpu.dma_semaphore, #tpu.memory_space<semaphore_mem>>) src(%arg14 : memref<16x128xf32, #tpu.memory_space<vmem>>) dst(%dma_wait3A_238 : memref<16x128xf32, #tpu.memory_space<vmem_shared>>)
      tpu.yield
    }) : () -> ()
    %mul3A_137 = arith.constant 640 : i32
    %mul3A_138 = arith.muli %arg1, %mul3A_137 : i32
    %add3A_139 = arith.constant 416 : i32
    %add3A_140 = arith.addi %mul3A_138, %add3A_139 : i32
    "tpu.region"() ({
      %run_scoped3A = tpu.sem_alloc : memref<!tpu.dma_semaphore, #tpu.memory_space<semaphore_mem>>
      %dma_start3A = arith.constant 0 : i32
      %dma_start3A_233 = tpu.memref_slice %arg16[%add3A_140, %dma_start3A] : memref<10240x128xf32, #tpu.memory_space<vmem_shared>> -> memref<16x128xf32, #tpu.memory_space<vmem_shared>>
      %dma_start3A_234 = arith.constant 0 : i32
      %dma_start3A_235 = tpu.memref_slice %arg16[%add3A_140, %dma_start3A_234] : memref<10240x128xf32, #tpu.memory_space<vmem_shared>> -> memref<16x128xf32, #tpu.memory_space<vmem_shared>>
      tpu.enqueue_dma source(%arg14 : memref<16x128xf32, #tpu.memory_space<vmem>>) target(%dma_start3A_235 : memref<16x128xf32, #tpu.memory_space<vmem_shared>>) target_semaphore(%run_scoped3A : memref<!tpu.dma_semaphore, #tpu.memory_space<semaphore_mem>>)
      %dma_wait3A = arith.constant 0 : i32
      %dma_wait3A_236 = tpu.memref_slice %arg16[%add3A_140, %dma_wait3A] : memref<10240x128xf32, #tpu.memory_space<vmem_shared>> -> memref<16x128xf32, #tpu.memory_space<vmem_shared>>
      %dma_wait3A_237 = arith.constant 0 : i32
      %dma_wait3A_238 = tpu.memref_slice %arg16[%add3A_140, %dma_wait3A_237] : memref<10240x128xf32, #tpu.memory_space<vmem_shared>> -> memref<16x128xf32, #tpu.memory_space<vmem_shared>>
      tpu.wait_dma2 semaphore(%run_scoped3A : memref<!tpu.dma_semaphore, #tpu.memory_space<semaphore_mem>>) src(%arg14 : memref<16x128xf32, #tpu.memory_space<vmem>>) dst(%dma_wait3A_238 : memref<16x128xf32, #tpu.memory_space<vmem_shared>>)
      tpu.yield
    }) : () -> ()
    %mul3A_141 = arith.constant 640 : i32
    %mul3A_142 = arith.muli %arg1, %mul3A_141 : i32
    %add3A_143 = arith.constant 432 : i32
    %add3A_144 = arith.addi %mul3A_142, %add3A_143 : i32
    "tpu.region"() ({
      %run_scoped3A = tpu.sem_alloc : memref<!tpu.dma_semaphore, #tpu.memory_space<semaphore_mem>>
      %dma_start3A = arith.constant 0 : i32
      %dma_start3A_233 = tpu.memref_slice %arg16[%add3A_144, %dma_start3A] : memref<10240x128xf32, #tpu.memory_space<vmem_shared>> -> memref<16x128xf32, #tpu.memory_space<vmem_shared>>
      %dma_start3A_234 = arith.constant 0 : i32
      %dma_start3A_235 = tpu.memref_slice %arg16[%add3A_144, %dma_start3A_234] : memref<10240x128xf32, #tpu.memory_space<vmem_shared>> -> memref<16x128xf32, #tpu.memory_space<vmem_shared>>
      tpu.enqueue_dma source(%arg14 : memref<16x128xf32, #tpu.memory_space<vmem>>) target(%dma_start3A_235 : memref<16x128xf32, #tpu.memory_space<vmem_shared>>) target_semaphore(%run_scoped3A : memref<!tpu.dma_semaphore, #tpu.memory_space<semaphore_mem>>)
      %dma_wait3A = arith.constant 0 : i32
      %dma_wait3A_236 = tpu.memref_slice %arg16[%add3A_144, %dma_wait3A] : memref<10240x128xf32, #tpu.memory_space<vmem_shared>> -> memref<16x128xf32, #tpu.memory_space<vmem_shared>>
      %dma_wait3A_237 = arith.constant 0 : i32
      %dma_wait3A_238 = tpu.memref_slice %arg16[%add3A_144, %dma_wait3A_237] : memref<10240x128xf32, #tpu.memory_space<vmem_shared>> -> memref<16x128xf32, #tpu.memory_space<vmem_shared>>
      tpu.wait_dma2 semaphore(%run_scoped3A : memref<!tpu.dma_semaphore, #tpu.memory_space<semaphore_mem>>) src(%arg14 : memref<16x128xf32, #tpu.memory_space<vmem>>) dst(%dma_wait3A_238 : memref<16x128xf32, #tpu.memory_space<vmem_shared>>)
      tpu.yield
    }) : () -> ()
    %mul3A_145 = arith.constant 640 : i32
    %mul3A_146 = arith.muli %arg1, %mul3A_145 : i32
    %add3A_147 = arith.constant 448 : i32
    %add3A_148 = arith.addi %mul3A_146, %add3A_147 : i32
    "tpu.region"() ({
      %run_scoped3A = tpu.sem_alloc : memref<!tpu.dma_semaphore, #tpu.memory_space<semaphore_mem>>
      %dma_start3A = arith.constant 0 : i32
      %dma_start3A_233 = tpu.memref_slice %arg16[%add3A_148, %dma_start3A] : memref<10240x128xf32, #tpu.memory_space<vmem_shared>> -> memref<16x128xf32, #tpu.memory_space<vmem_shared>>
      %dma_start3A_234 = arith.constant 0 : i32
      %dma_start3A_235 = tpu.memref_slice %arg16[%add3A_148, %dma_start3A_234] : memref<10240x128xf32, #tpu.memory_space<vmem_shared>> -> memref<16x128xf32, #tpu.memory_space<vmem_shared>>
      tpu.enqueue_dma source(%arg14 : memref<16x128xf32, #tpu.memory_space<vmem>>) target(%dma_start3A_235 : memref<16x128xf32, #tpu.memory_space<vmem_shared>>) target_semaphore(%run_scoped3A : memref<!tpu.dma_semaphore, #tpu.memory_space<semaphore_mem>>)
      %dma_wait3A = arith.constant 0 : i32
      %dma_wait3A_236 = tpu.memref_slice %arg16[%add3A_148, %dma_wait3A] : memref<10240x128xf32, #tpu.memory_space<vmem_shared>> -> memref<16x128xf32, #tpu.memory_space<vmem_shared>>
      %dma_wait3A_237 = arith.constant 0 : i32
      %dma_wait3A_238 = tpu.memref_slice %arg16[%add3A_148, %dma_wait3A_237] : memref<10240x128xf32, #tpu.memory_space<vmem_shared>> -> memref<16x128xf32, #tpu.memory_space<vmem_shared>>
      tpu.wait_dma2 semaphore(%run_scoped3A : memref<!tpu.dma_semaphore, #tpu.memory_space<semaphore_mem>>) src(%arg14 : memref<16x128xf32, #tpu.memory_space<vmem>>) dst(%dma_wait3A_238 : memref<16x128xf32, #tpu.memory_space<vmem_shared>>)
      tpu.yield
    }) : () -> ()
    %mul3A_149 = arith.constant 640 : i32
    %mul3A_150 = arith.muli %arg1, %mul3A_149 : i32
    %add3A_151 = arith.constant 464 : i32
    %add3A_152 = arith.addi %mul3A_150, %add3A_151 : i32
    "tpu.region"() ({
      %run_scoped3A = tpu.sem_alloc : memref<!tpu.dma_semaphore, #tpu.memory_space<semaphore_mem>>
      %dma_start3A = arith.constant 0 : i32
      %dma_start3A_233 = tpu.memref_slice %arg16[%add3A_152, %dma_start3A] : memref<10240x128xf32, #tpu.memory_space<vmem_shared>> -> memref<16x128xf32, #tpu.memory_space<vmem_shared>>
      %dma_start3A_234 = arith.constant 0 : i32
      %dma_start3A_235 = tpu.memref_slice %arg16[%add3A_152, %dma_start3A_234] : memref<10240x128xf32, #tpu.memory_space<vmem_shared>> -> memref<16x128xf32, #tpu.memory_space<vmem_shared>>
      tpu.enqueue_dma source(%arg14 : memref<16x128xf32, #tpu.memory_space<vmem>>) target(%dma_start3A_235 : memref<16x128xf32, #tpu.memory_space<vmem_shared>>) target_semaphore(%run_scoped3A : memref<!tpu.dma_semaphore, #tpu.memory_space<semaphore_mem>>)
      %dma_wait3A = arith.constant 0 : i32
      %dma_wait3A_236 = tpu.memref_slice %arg16[%add3A_152, %dma_wait3A] : memref<10240x128xf32, #tpu.memory_space<vmem_shared>> -> memref<16x128xf32, #tpu.memory_space<vmem_shared>>
      %dma_wait3A_237 = arith.constant 0 : i32
      %dma_wait3A_238 = tpu.memref_slice %arg16[%add3A_152, %dma_wait3A_237] : memref<10240x128xf32, #tpu.memory_space<vmem_shared>> -> memref<16x128xf32, #tpu.memory_space<vmem_shared>>
      tpu.wait_dma2 semaphore(%run_scoped3A : memref<!tpu.dma_semaphore, #tpu.memory_space<semaphore_mem>>) src(%arg14 : memref<16x128xf32, #tpu.memory_space<vmem>>) dst(%dma_wait3A_238 : memref<16x128xf32, #tpu.memory_space<vmem_shared>>)
      tpu.yield
    }) : () -> ()
    %mul3A_153 = arith.constant 640 : i32
    %mul3A_154 = arith.muli %arg1, %mul3A_153 : i32
    %add3A_155 = arith.constant 480 : i32
    %add3A_156 = arith.addi %mul3A_154, %add3A_155 : i32
    "tpu.region"() ({
      %run_scoped3A = tpu.sem_alloc : memref<!tpu.dma_semaphore, #tpu.memory_space<semaphore_mem>>
      %dma_start3A = arith.constant 0 : i32
      %dma_start3A_233 = tpu.memref_slice %arg16[%add3A_156, %dma_start3A] : memref<10240x128xf32, #tpu.memory_space<vmem_shared>> -> memref<16x128xf32, #tpu.memory_space<vmem_shared>>
      %dma_start3A_234 = arith.constant 0 : i32
      %dma_start3A_235 = tpu.memref_slice %arg16[%add3A_156, %dma_start3A_234] : memref<10240x128xf32, #tpu.memory_space<vmem_shared>> -> memref<16x128xf32, #tpu.memory_space<vmem_shared>>
      tpu.enqueue_dma source(%arg14 : memref<16x128xf32, #tpu.memory_space<vmem>>) target(%dma_start3A_235 : memref<16x128xf32, #tpu.memory_space<vmem_shared>>) target_semaphore(%run_scoped3A : memref<!tpu.dma_semaphore, #tpu.memory_space<semaphore_mem>>)
      %dma_wait3A = arith.constant 0 : i32
      %dma_wait3A_236 = tpu.memref_slice %arg16[%add3A_156, %dma_wait3A] : memref<10240x128xf32, #tpu.memory_space<vmem_shared>> -> memref<16x128xf32, #tpu.memory_space<vmem_shared>>
      %dma_wait3A_237 = arith.constant 0 : i32
      %dma_wait3A_238 = tpu.memref_slice %arg16[%add3A_156, %dma_wait3A_237] : memref<10240x128xf32, #tpu.memory_space<vmem_shared>> -> memref<16x128xf32, #tpu.memory_space<vmem_shared>>
      tpu.wait_dma2 semaphore(%run_scoped3A : memref<!tpu.dma_semaphore, #tpu.memory_space<semaphore_mem>>) src(%arg14 : memref<16x128xf32, #tpu.memory_space<vmem>>) dst(%dma_wait3A_238 : memref<16x128xf32, #tpu.memory_space<vmem_shared>>)
      tpu.yield
    }) : () -> ()
    %mul3A_157 = arith.constant 640 : i32
    %mul3A_158 = arith.muli %arg1, %mul3A_157 : i32
    %add3A_159 = arith.constant 496 : i32
    %add3A_160 = arith.addi %mul3A_158, %add3A_159 : i32
    "tpu.region"() ({
      %run_scoped3A = tpu.sem_alloc : memref<!tpu.dma_semaphore, #tpu.memory_space<semaphore_mem>>
      %dma_start3A = arith.constant 0 : i32
      %dma_start3A_233 = tpu.memref_slice %arg16[%add3A_160, %dma_start3A] : memref<10240x128xf32, #tpu.memory_space<vmem_shared>> -> memref<16x128xf32, #tpu.memory_space<vmem_shared>>
      %dma_start3A_234 = arith.constant 0 : i32
      %dma_start3A_235 = tpu.memref_slice %arg16[%add3A_160, %dma_start3A_234] : memref<10240x128xf32, #tpu.memory_space<vmem_shared>> -> memref<16x128xf32, #tpu.memory_space<vmem_shared>>
      tpu.enqueue_dma source(%arg14 : memref<16x128xf32, #tpu.memory_space<vmem>>) target(%dma_start3A_235 : memref<16x128xf32, #tpu.memory_space<vmem_shared>>) target_semaphore(%run_scoped3A : memref<!tpu.dma_semaphore, #tpu.memory_space<semaphore_mem>>)
      %dma_wait3A = arith.constant 0 : i32
      %dma_wait3A_236 = tpu.memref_slice %arg16[%add3A_160, %dma_wait3A] : memref<10240x128xf32, #tpu.memory_space<vmem_shared>> -> memref<16x128xf32, #tpu.memory_space<vmem_shared>>
      %dma_wait3A_237 = arith.constant 0 : i32
      %dma_wait3A_238 = tpu.memref_slice %arg16[%add3A_160, %dma_wait3A_237] : memref<10240x128xf32, #tpu.memory_space<vmem_shared>> -> memref<16x128xf32, #tpu.memory_space<vmem_shared>>
      tpu.wait_dma2 semaphore(%run_scoped3A : memref<!tpu.dma_semaphore, #tpu.memory_space<semaphore_mem>>) src(%arg14 : memref<16x128xf32, #tpu.memory_space<vmem>>) dst(%dma_wait3A_238 : memref<16x128xf32, #tpu.memory_space<vmem_shared>>)
      tpu.yield
    }) : () -> ()
    %mul3A_161 = arith.constant 640 : i32
    %mul3A_162 = arith.muli %arg1, %mul3A_161 : i32
    %add3A_163 = arith.constant 512 : i32
    %add3A_164 = arith.addi %mul3A_162, %add3A_163 : i32
    "tpu.region"() ({
      %run_scoped3A = tpu.sem_alloc : memref<!tpu.dma_semaphore, #tpu.memory_space<semaphore_mem>>
      %dma_start3A = arith.constant 0 : i32
      %dma_start3A_233 = tpu.memref_slice %arg16[%add3A_164, %dma_start3A] : memref<10240x128xf32, #tpu.memory_space<vmem_shared>> -> memref<16x128xf32, #tpu.memory_space<vmem_shared>>
      %dma_start3A_234 = arith.constant 0 : i32
      %dma_start3A_235 = tpu.memref_slice %arg16[%add3A_164, %dma_start3A_234] : memref<10240x128xf32, #tpu.memory_space<vmem_shared>> -> memref<16x128xf32, #tpu.memory_space<vmem_shared>>
      tpu.enqueue_dma source(%arg14 : memref<16x128xf32, #tpu.memory_space<vmem>>) target(%dma_start3A_235 : memref<16x128xf32, #tpu.memory_space<vmem_shared>>) target_semaphore(%run_scoped3A : memref<!tpu.dma_semaphore, #tpu.memory_space<semaphore_mem>>)
      %dma_wait3A = arith.constant 0 : i32
      %dma_wait3A_236 = tpu.memref_slice %arg16[%add3A_164, %dma_wait3A] : memref<10240x128xf32, #tpu.memory_space<vmem_shared>> -> memref<16x128xf32, #tpu.memory_space<vmem_shared>>
      %dma_wait3A_237 = arith.constant 0 : i32
      %dma_wait3A_238 = tpu.memref_slice %arg16[%add3A_164, %dma_wait3A_237] : memref<10240x128xf32, #tpu.memory_space<vmem_shared>> -> memref<16x128xf32, #tpu.memory_space<vmem_shared>>
      tpu.wait_dma2 semaphore(%run_scoped3A : memref<!tpu.dma_semaphore, #tpu.memory_space<semaphore_mem>>) src(%arg14 : memref<16x128xf32, #tpu.memory_space<vmem>>) dst(%dma_wait3A_238 : memref<16x128xf32, #tpu.memory_space<vmem_shared>>)
      tpu.yield
    }) : () -> ()
    %mul3A_165 = arith.constant 640 : i32
    %mul3A_166 = arith.muli %arg1, %mul3A_165 : i32
    %add3A_167 = arith.constant 528 : i32
    %add3A_168 = arith.addi %mul3A_166, %add3A_167 : i32
    "tpu.region"() ({
      %run_scoped3A = tpu.sem_alloc : memref<!tpu.dma_semaphore, #tpu.memory_space<semaphore_mem>>
      %dma_start3A = arith.constant 0 : i32
      %dma_start3A_233 = tpu.memref_slice %arg16[%add3A_168, %dma_start3A] : memref<10240x128xf32, #tpu.memory_space<vmem_shared>> -> memref<16x128xf32, #tpu.memory_space<vmem_shared>>
      %dma_start3A_234 = arith.constant 0 : i32
      %dma_start3A_235 = tpu.memref_slice %arg16[%add3A_168, %dma_start3A_234] : memref<10240x128xf32, #tpu.memory_space<vmem_shared>> -> memref<16x128xf32, #tpu.memory_space<vmem_shared>>
      tpu.enqueue_dma source(%arg14 : memref<16x128xf32, #tpu.memory_space<vmem>>) target(%dma_start3A_235 : memref<16x128xf32, #tpu.memory_space<vmem_shared>>) target_semaphore(%run_scoped3A : memref<!tpu.dma_semaphore, #tpu.memory_space<semaphore_mem>>)
      %dma_wait3A = arith.constant 0 : i32
      %dma_wait3A_236 = tpu.memref_slice %arg16[%add3A_168, %dma_wait3A] : memref<10240x128xf32, #tpu.memory_space<vmem_shared>> -> memref<16x128xf32, #tpu.memory_space<vmem_shared>>
      %dma_wait3A_237 = arith.constant 0 : i32
      %dma_wait3A_238 = tpu.memref_slice %arg16[%add3A_168, %dma_wait3A_237] : memref<10240x128xf32, #tpu.memory_space<vmem_shared>> -> memref<16x128xf32, #tpu.memory_space<vmem_shared>>
      tpu.wait_dma2 semaphore(%run_scoped3A : memref<!tpu.dma_semaphore, #tpu.memory_space<semaphore_mem>>) src(%arg14 : memref<16x128xf32, #tpu.memory_space<vmem>>) dst(%dma_wait3A_238 : memref<16x128xf32, #tpu.memory_space<vmem_shared>>)
      tpu.yield
    }) : () -> ()
    %mul3A_169 = arith.constant 640 : i32
    %mul3A_170 = arith.muli %arg1, %mul3A_169 : i32
    %add3A_171 = arith.constant 544 : i32
    %add3A_172 = arith.addi %mul3A_170, %add3A_171 : i32
    "tpu.region"() ({
      %run_scoped3A = tpu.sem_alloc : memref<!tpu.dma_semaphore, #tpu.memory_space<semaphore_mem>>
      %dma_start3A = arith.constant 0 : i32
      %dma_start3A_233 = tpu.memref_slice %arg16[%add3A_172, %dma_start3A] : memref<10240x128xf32, #tpu.memory_space<vmem_shared>> -> memref<16x128xf32, #tpu.memory_space<vmem_shared>>
      %dma_start3A_234 = arith.constant 0 : i32
      %dma_start3A_235 = tpu.memref_slice %arg16[%add3A_172, %dma_start3A_234] : memref<10240x128xf32, #tpu.memory_space<vmem_shared>> -> memref<16x128xf32, #tpu.memory_space<vmem_shared>>
      tpu.enqueue_dma source(%arg14 : memref<16x128xf32, #tpu.memory_space<vmem>>) target(%dma_start3A_235 : memref<16x128xf32, #tpu.memory_space<vmem_shared>>) target_semaphore(%run_scoped3A : memref<!tpu.dma_semaphore, #tpu.memory_space<semaphore_mem>>)
      %dma_wait3A = arith.constant 0 : i32
      %dma_wait3A_236 = tpu.memref_slice %arg16[%add3A_172, %dma_wait3A] : memref<10240x128xf32, #tpu.memory_space<vmem_shared>> -> memref<16x128xf32, #tpu.memory_space<vmem_shared>>
      %dma_wait3A_237 = arith.constant 0 : i32
      %dma_wait3A_238 = tpu.memref_slice %arg16[%add3A_172, %dma_wait3A_237] : memref<10240x128xf32, #tpu.memory_space<vmem_shared>> -> memref<16x128xf32, #tpu.memory_space<vmem_shared>>
      tpu.wait_dma2 semaphore(%run_scoped3A : memref<!tpu.dma_semaphore, #tpu.memory_space<semaphore_mem>>) src(%arg14 : memref<16x128xf32, #tpu.memory_space<vmem>>) dst(%dma_wait3A_238 : memref<16x128xf32, #tpu.memory_space<vmem_shared>>)
      tpu.yield
    }) : () -> ()
    %mul3A_173 = arith.constant 640 : i32
    %mul3A_174 = arith.muli %arg1, %mul3A_173 : i32
    %add3A_175 = arith.constant 560 : i32
    %add3A_176 = arith.addi %mul3A_174, %add3A_175 : i32
    "tpu.region"() ({
      %run_scoped3A = tpu.sem_alloc : memref<!tpu.dma_semaphore, #tpu.memory_space<semaphore_mem>>
      %dma_start3A = arith.constant 0 : i32
      %dma_start3A_233 = tpu.memref_slice %arg16[%add3A_176, %dma_start3A] : memref<10240x128xf32, #tpu.memory_space<vmem_shared>> -> memref<16x128xf32, #tpu.memory_space<vmem_shared>>
      %dma_start3A_234 = arith.constant 0 : i32
      %dma_start3A_235 = tpu.memref_slice %arg16[%add3A_176, %dma_start3A_234] : memref<10240x128xf32, #tpu.memory_space<vmem_shared>> -> memref<16x128xf32, #tpu.memory_space<vmem_shared>>
      tpu.enqueue_dma source(%arg14 : memref<16x128xf32, #tpu.memory_space<vmem>>) target(%dma_start3A_235 : memref<16x128xf32, #tpu.memory_space<vmem_shared>>) target_semaphore(%run_scoped3A : memref<!tpu.dma_semaphore, #tpu.memory_space<semaphore_mem>>)
      %dma_wait3A = arith.constant 0 : i32
      %dma_wait3A_236 = tpu.memref_slice %arg16[%add3A_176, %dma_wait3A] : memref<10240x128xf32, #tpu.memory_space<vmem_shared>> -> memref<16x128xf32, #tpu.memory_space<vmem_shared>>
      %dma_wait3A_237 = arith.constant 0 : i32
      %dma_wait3A_238 = tpu.memref_slice %arg16[%add3A_176, %dma_wait3A_237] : memref<10240x128xf32, #tpu.memory_space<vmem_shared>> -> memref<16x128xf32, #tpu.memory_space<vmem_shared>>
      tpu.wait_dma2 semaphore(%run_scoped3A : memref<!tpu.dma_semaphore, #tpu.memory_space<semaphore_mem>>) src(%arg14 : memref<16x128xf32, #tpu.memory_space<vmem>>) dst(%dma_wait3A_238 : memref<16x128xf32, #tpu.memory_space<vmem_shared>>)
      tpu.yield
    }) : () -> ()
    %mul3A_177 = arith.constant 640 : i32
    %mul3A_178 = arith.muli %arg1, %mul3A_177 : i32
    %add3A_179 = arith.constant 576 : i32
    %add3A_180 = arith.addi %mul3A_178, %add3A_179 : i32
    "tpu.region"() ({
      %run_scoped3A = tpu.sem_alloc : memref<!tpu.dma_semaphore, #tpu.memory_space<semaphore_mem>>
      %dma_start3A = arith.constant 0 : i32
      %dma_start3A_233 = tpu.memref_slice %arg16[%add3A_180, %dma_start3A] : memref<10240x128xf32, #tpu.memory_space<vmem_shared>> -> memref<16x128xf32, #tpu.memory_space<vmem_shared>>
      %dma_start3A_234 = arith.constant 0 : i32
      %dma_start3A_235 = tpu.memref_slice %arg16[%add3A_180, %dma_start3A_234] : memref<10240x128xf32, #tpu.memory_space<vmem_shared>> -> memref<16x128xf32, #tpu.memory_space<vmem_shared>>
      tpu.enqueue_dma source(%arg14 : memref<16x128xf32, #tpu.memory_space<vmem>>) target(%dma_start3A_235 : memref<16x128xf32, #tpu.memory_space<vmem_shared>>) target_semaphore(%run_scoped3A : memref<!tpu.dma_semaphore, #tpu.memory_space<semaphore_mem>>)
      %dma_wait3A = arith.constant 0 : i32
      %dma_wait3A_236 = tpu.memref_slice %arg16[%add3A_180, %dma_wait3A] : memref<10240x128xf32, #tpu.memory_space<vmem_shared>> -> memref<16x128xf32, #tpu.memory_space<vmem_shared>>
      %dma_wait3A_237 = arith.constant 0 : i32
      %dma_wait3A_238 = tpu.memref_slice %arg16[%add3A_180, %dma_wait3A_237] : memref<10240x128xf32, #tpu.memory_space<vmem_shared>> -> memref<16x128xf32, #tpu.memory_space<vmem_shared>>
      tpu.wait_dma2 semaphore(%run_scoped3A : memref<!tpu.dma_semaphore, #tpu.memory_space<semaphore_mem>>) src(%arg14 : memref<16x128xf32, #tpu.memory_space<vmem>>) dst(%dma_wait3A_238 : memref<16x128xf32, #tpu.memory_space<vmem_shared>>)
      tpu.yield
    }) : () -> ()
    %mul3A_181 = arith.constant 640 : i32
    %mul3A_182 = arith.muli %arg1, %mul3A_181 : i32
    %add3A_183 = arith.constant 592 : i32
    %add3A_184 = arith.addi %mul3A_182, %add3A_183 : i32
    "tpu.region"() ({
      %run_scoped3A = tpu.sem_alloc : memref<!tpu.dma_semaphore, #tpu.memory_space<semaphore_mem>>
      %dma_start3A = arith.constant 0 : i32
      %dma_start3A_233 = tpu.memref_slice %arg16[%add3A_184, %dma_start3A] : memref<10240x128xf32, #tpu.memory_space<vmem_shared>> -> memref<16x128xf32, #tpu.memory_space<vmem_shared>>
      %dma_start3A_234 = arith.constant 0 : i32
      %dma_start3A_235 = tpu.memref_slice %arg16[%add3A_184, %dma_start3A_234] : memref<10240x128xf32, #tpu.memory_space<vmem_shared>> -> memref<16x128xf32, #tpu.memory_space<vmem_shared>>
      tpu.enqueue_dma source(%arg14 : memref<16x128xf32, #tpu.memory_space<vmem>>) target(%dma_start3A_235 : memref<16x128xf32, #tpu.memory_space<vmem_shared>>) target_semaphore(%run_scoped3A : memref<!tpu.dma_semaphore, #tpu.memory_space<semaphore_mem>>)
      %dma_wait3A = arith.constant 0 : i32
      %dma_wait3A_236 = tpu.memref_slice %arg16[%add3A_184, %dma_wait3A] : memref<10240x128xf32, #tpu.memory_space<vmem_shared>> -> memref<16x128xf32, #tpu.memory_space<vmem_shared>>
      %dma_wait3A_237 = arith.constant 0 : i32
      %dma_wait3A_238 = tpu.memref_slice %arg16[%add3A_184, %dma_wait3A_237] : memref<10240x128xf32, #tpu.memory_space<vmem_shared>> -> memref<16x128xf32, #tpu.memory_space<vmem_shared>>
      tpu.wait_dma2 semaphore(%run_scoped3A : memref<!tpu.dma_semaphore, #tpu.memory_space<semaphore_mem>>) src(%arg14 : memref<16x128xf32, #tpu.memory_space<vmem>>) dst(%dma_wait3A_238 : memref<16x128xf32, #tpu.memory_space<vmem_shared>>)
      tpu.yield
    }) : () -> ()
    %mul3A_185 = arith.constant 640 : i32
    %mul3A_186 = arith.muli %arg1, %mul3A_185 : i32
    %add3A_187 = arith.constant 608 : i32
    %add3A_188 = arith.addi %mul3A_186, %add3A_187 : i32
    "tpu.region"() ({
      %run_scoped3A = tpu.sem_alloc : memref<!tpu.dma_semaphore, #tpu.memory_space<semaphore_mem>>
      %dma_start3A = arith.constant 0 : i32
      %dma_start3A_233 = tpu.memref_slice %arg16[%add3A_188, %dma_start3A] : memref<10240x128xf32, #tpu.memory_space<vmem_shared>> -> memref<16x128xf32, #tpu.memory_space<vmem_shared>>
      %dma_start3A_234 = arith.constant 0 : i32
      %dma_start3A_235 = tpu.memref_slice %arg16[%add3A_188, %dma_start3A_234] : memref<10240x128xf32, #tpu.memory_space<vmem_shared>> -> memref<16x128xf32, #tpu.memory_space<vmem_shared>>
      tpu.enqueue_dma source(%arg14 : memref<16x128xf32, #tpu.memory_space<vmem>>) target(%dma_start3A_235 : memref<16x128xf32, #tpu.memory_space<vmem_shared>>) target_semaphore(%run_scoped3A : memref<!tpu.dma_semaphore, #tpu.memory_space<semaphore_mem>>)
      %dma_wait3A = arith.constant 0 : i32
      %dma_wait3A_236 = tpu.memref_slice %arg16[%add3A_188, %dma_wait3A] : memref<10240x128xf32, #tpu.memory_space<vmem_shared>> -> memref<16x128xf32, #tpu.memory_space<vmem_shared>>
      %dma_wait3A_237 = arith.constant 0 : i32
      %dma_wait3A_238 = tpu.memref_slice %arg16[%add3A_188, %dma_wait3A_237] : memref<10240x128xf32, #tpu.memory_space<vmem_shared>> -> memref<16x128xf32, #tpu.memory_space<vmem_shared>>
      tpu.wait_dma2 semaphore(%run_scoped3A : memref<!tpu.dma_semaphore, #tpu.memory_space<semaphore_mem>>) src(%arg14 : memref<16x128xf32, #tpu.memory_space<vmem>>) dst(%dma_wait3A_238 : memref<16x128xf32, #tpu.memory_space<vmem_shared>>)
      tpu.yield
    }) : () -> ()
    %mul3A_189 = arith.constant 640 : i32
    %mul3A_190 = arith.muli %arg1, %mul3A_189 : i32
    %add3A_191 = arith.constant 624 : i32
    %add3A_192 = arith.addi %mul3A_190, %add3A_191 : i32
    "tpu.region"() ({
      %run_scoped3A = tpu.sem_alloc : memref<!tpu.dma_semaphore, #tpu.memory_space<semaphore_mem>>
      %dma_start3A = arith.constant 0 : i32
      %dma_start3A_233 = tpu.memref_slice %arg16[%add3A_192, %dma_start3A] : memref<10240x128xf32, #tpu.memory_space<vmem_shared>> -> memref<16x128xf32, #tpu.memory_space<vmem_shared>>
      %dma_start3A_234 = arith.constant 0 : i32
      %dma_start3A_235 = tpu.memref_slice %arg16[%add3A_192, %dma_start3A_234] : memref<10240x128xf32, #tpu.memory_space<vmem_shared>> -> memref<16x128xf32, #tpu.memory_space<vmem_shared>>
      tpu.enqueue_dma source(%arg14 : memref<16x128xf32, #tpu.memory_space<vmem>>) target(%dma_start3A_235 : memref<16x128xf32, #tpu.memory_space<vmem_shared>>) target_semaphore(%run_scoped3A : memref<!tpu.dma_semaphore, #tpu.memory_space<semaphore_mem>>)
      %dma_wait3A = arith.constant 0 : i32
      %dma_wait3A_236 = tpu.memref_slice %arg16[%add3A_192, %dma_wait3A] : memref<10240x128xf32, #tpu.memory_space<vmem_shared>> -> memref<16x128xf32, #tpu.memory_space<vmem_shared>>
      %dma_wait3A_237 = arith.constant 0 : i32
      %dma_wait3A_238 = tpu.memref_slice %arg16[%add3A_192, %dma_wait3A_237] : memref<10240x128xf32, #tpu.memory_space<vmem_shared>> -> memref<16x128xf32, #tpu.memory_space<vmem_shared>>
      tpu.wait_dma2 semaphore(%run_scoped3A : memref<!tpu.dma_semaphore, #tpu.memory_space<semaphore_mem>>) src(%arg14 : memref<16x128xf32, #tpu.memory_space<vmem>>) dst(%dma_wait3A_238 : memref<16x128xf32, #tpu.memory_space<vmem_shared>>)
      tpu.yield
    }) : () -> ()
    %barrier3A = arith.constant 0 : index
    tpu.barrier barrier_id(%barrier3A)
    %add3A_193 = arith.constant 4 : i32
    %add3A_194 = arith.addi %squeeze3A_5, %add3A_193 : i32
    %sub3A = arith.constant 1 : i32
    %sub3A_195 = arith.subi %add3A_194, %sub3A : i32
    %jit3A = arith.constant 4 : i32
    %div3A = arith.divsi %sub3A_195, %jit3A : i32
    %sign3A = arith.constant 0 : i32
    %sign3A_196 = arith.cmpi sgt, %sub3A_195, %sign3A : i32
    %sign3A_197 = arith.extui %sign3A_196 : i1 to i32
    %sign3A_198 = arith.constant 0 : i32
    %sign3A_199 = arith.cmpi slt, %sub3A_195, %sign3A_198 : i32
    %sign3A_200 = arith.extui %sign3A_199 : i1 to i32
    %sign3A_201 = arith.subi %sign3A_197, %sign3A_200 : i32
    %sign3A_202 = arith.constant 0 : i32
    %sign3A_203 = arith.cmpi sgt, %jit3A, %sign3A_202 : i32
    %sign3A_204 = arith.extui %sign3A_203 : i1 to i32
    %sign3A_205 = arith.constant 0 : i32
    %sign3A_206 = arith.cmpi slt, %jit3A, %sign3A_205 : i32
    %sign3A_207 = arith.extui %sign3A_206 : i1 to i32
    %sign3A_208 = arith.subi %sign3A_204, %sign3A_207 : i32
    %ne3A = arith.cmpi ne, %sign3A_201, %sign3A_208 : i32
    %rem3A = arith.remsi %sub3A_195, %jit3A : i32
    %ne3A_209 = arith.constant 0 : i32
    %ne3A_210 = arith.cmpi ne, %rem3A, %ne3A_209 : i32
    %and3A = arith.andi %ne3A, %ne3A_210 : i1
    %sub3A_211 = arith.constant 1 : i32
    %sub3A_212 = arith.subi %div3A, %sub3A_211 : i32
    %select_n3A = arith.select %and3A, %sub3A_212, %div3A : i32
    %while3A = arith.constant 0 : i32
    %while3A_213 = arith.constant 0 : i32
    %while3A_214 = arith.subi %select_n3A, %while3A_213 : i32
    %while3A_215 = arith.addi %while3A_213, %while3A_214 : i32
    %while3A_216 = arith.constant 1 : i32
    %while3A_217 = arith.divsi %while3A_214, %while3A_216 : i32
    %while3A_218 = arith.muli %while3A_217, %while3A_216 : i32
    %while3A_219 = arith.addi %while3A_213, %while3A_218 : i32
    %while3A_220 = arith.constant 1 : i32
    scf.for %while3A_233 = %while3A_213 to %while3A_219 step %while3A_220  : i32 {
      %mul3A_234 = arith.constant 4 : i32
      %mul3A_235 = arith.muli %while3A_233, %mul3A_234 : i32
      %add3A_236 = arith.constant 0 : i32
      %add3A_237 = arith.addi %mul3A_235, %add3A_236 : i32
      %lt3A = arith.cmpi slt, %add3A_237, %squeeze3A_5 : i32
      %convert_element_type3A_238 = arith.extui %lt3A : i1 to i32
      %cond3A_239 = arith.constant 0 : i32
      %cond3A_240 = arith.cmpi ne, %convert_element_type3A_238, %cond3A_239 : i32
      scf.if %cond3A_240 {
        %dma_wait3A = arith.constant 0 : i32
        %dma_wait3A_265 = tpu.memref_slice %arg3[%dma_wait3A] : memref<320000xi32, #tpu.memory_space<hbm>> -> memref<80xi32, #tpu.memory_space<hbm>>
        %dma_wait3A_266 = arith.constant 0 : i32
        %dma_wait3A_267 = tpu.memref_slice %arg3[%dma_wait3A_266] : memref<320000xi32, #tpu.memory_space<hbm>> -> memref<80xi32, #tpu.memory_space<hbm>>
        tpu.wait_dma2 semaphore(%arg21 : memref<!tpu.dma_semaphore, #tpu.memory_space<semaphore_mem>>) src(%dma_wait3A_267 : memref<80xi32, #tpu.memory_space<hbm>>) dst(%arg10 : memref<80xi32, #tpu.memory_space<vmem>>)
        %get3A_268 = arith.constant 0 : index
        %get3A_269 = tpu.vector_load %arg10[%get3A_268] {strides = array<i32>} : memref<80xi32, #tpu.memory_space<vmem>>, vector<16xi32>,
        %get3A_270 = vector.shape_cast %get3A_269 : vector<16xi32> to vector<16xi32>
        %ge3A = vector.broadcast %mul3A_7 : i32 to vector<16xi32>
        %ge3A_271 = arith.cmpi sge, %get3A_270, %ge3A : vector<16xi32>
        %lt3A_272 = vector.broadcast %add3A_9 : i32 to vector<16xi32>
        %lt3A_273 = arith.cmpi slt, %get3A_270, %lt3A_272 : vector<16xi32>
        %and3A_274 = arith.andi %ge3A_271, %lt3A_273 : vector<16xi1>
        %jit3A_275 = arith.constant 10000 : i32
        %broadcast_in_dim3A_276 = vector.broadcast %jit3A_275 : i32 to vector<16xi32>
        %select_n3A_277 = arith.select %and3A_274, %get3A_270, %broadcast_in_dim3A_276 : vector<16xi1>, vector<16xi32>
        %swap3A = arith.constant 0 : index
        %swap3A_278 = tpu.vector_load %arg10[%swap3A] {strides = array<i32>} : memref<80xi32, #tpu.memory_space<vmem>>, vector<16xi32>,
        %swap3A_279 = vector.shape_cast %swap3A_278 : vector<16xi32> to vector<16xi32>
        %swap3A_280 = vector.shape_cast %select_n3A_277 : vector<16xi32> to vector<16xi32>
        tpu.vector_store %arg10[%swap3A], %swap3A_280 {strides = array<i32>} : memref<80xi32, #tpu.memory_space<vmem>>, vector<16xi32>,
        %get3A_281 = arith.constant 16 : index
        %get3A_282 = tpu.vector_load %arg10[%get3A_281] {strides = array<i32>} : memref<80xi32, #tpu.memory_space<vmem>>, vector<16xi32>,
        %get3A_283 = vector.shape_cast %get3A_282 : vector<16xi32> to vector<16xi32>
        %ge3A_284 = vector.broadcast %mul3A_7 : i32 to vector<16xi32>
        %ge3A_285 = arith.cmpi sge, %get3A_283, %ge3A_284 : vector<16xi32>
        %lt3A_286 = vector.broadcast %add3A_9 : i32 to vector<16xi32>
        %lt3A_287 = arith.cmpi slt, %get3A_283, %lt3A_286 : vector<16xi32>
        %and3A_288 = arith.andi %ge3A_285, %lt3A_287 : vector<16xi1>
        %jit3A_289 = arith.constant 10000 : i32
        %broadcast_in_dim3A_290 = vector.broadcast %jit3A_289 : i32 to vector<16xi32>
        %select_n3A_291 = arith.select %and3A_288, %get3A_283, %broadcast_in_dim3A_290 : vector<16xi1>, vector<16xi32>
        %swap3A_292 = arith.constant 16 : index
        %swap3A_293 = tpu.vector_load %arg10[%swap3A_292] {strides = array<i32>} : memref<80xi32, #tpu.memory_space<vmem>>, vector<16xi32>,
        %swap3A_294 = vector.shape_cast %swap3A_293 : vector<16xi32> to vector<16xi32>
        %swap3A_295 = vector.shape_cast %select_n3A_291 : vector<16xi32> to vector<16xi32>
        tpu.vector_store %arg10[%swap3A_292], %swap3A_295 {strides = array<i32>} : memref<80xi32, #tpu.memory_space<vmem>>, vector<16xi32>,
        %get3A_296 = arith.constant 32 : index
        %get3A_297 = tpu.vector_load %arg10[%get3A_296] {strides = array<i32>} : memref<80xi32, #tpu.memory_space<vmem>>, vector<16xi32>,
        %get3A_298 = vector.shape_cast %get3A_297 : vector<16xi32> to vector<16xi32>
        %ge3A_299 = vector.broadcast %mul3A_7 : i32 to vector<16xi32>
        %ge3A_300 = arith.cmpi sge, %get3A_298, %ge3A_299 : vector<16xi32>
        %lt3A_301 = vector.broadcast %add3A_9 : i32 to vector<16xi32>
        %lt3A_302 = arith.cmpi slt, %get3A_298, %lt3A_301 : vector<16xi32>
        %and3A_303 = arith.andi %ge3A_300, %lt3A_302 : vector<16xi1>
        %jit3A_304 = arith.constant 10000 : i32
        %broadcast_in_dim3A_305 = vector.broadcast %jit3A_304 : i32 to vector<16xi32>
        %select_n3A_306 = arith.select %and3A_303, %get3A_298, %broadcast_in_dim3A_305 : vector<16xi1>, vector<16xi32>
        %swap3A_307 = arith.constant 32 : index
        %swap3A_308 = tpu.vector_load %arg10[%swap3A_307] {strides = array<i32>} : memref<80xi32, #tpu.memory_space<vmem>>, vector<16xi32>,
        %swap3A_309 = vector.shape_cast %swap3A_308 : vector<16xi32> to vector<16xi32>
        %swap3A_310 = vector.shape_cast %select_n3A_306 : vector<16xi32> to vector<16xi32>
        tpu.vector_store %arg10[%swap3A_307], %swap3A_310 {strides = array<i32>} : memref<80xi32, #tpu.memory_space<vmem>>, vector<16xi32>,
        %get3A_311 = arith.constant 48 : index
        %get3A_312 = tpu.vector_load %arg10[%get3A_311] {strides = array<i32>} : memref<80xi32, #tpu.memory_space<vmem>>, vector<16xi32>,
        %get3A_313 = vector.shape_cast %get3A_312 : vector<16xi32> to vector<16xi32>
        %ge3A_314 = vector.broadcast %mul3A_7 : i32 to vector<16xi32>
        %ge3A_315 = arith.cmpi sge, %get3A_313, %ge3A_314 : vector<16xi32>
        %lt3A_316 = vector.broadcast %add3A_9 : i32 to vector<16xi32>
        %lt3A_317 = arith.cmpi slt, %get3A_313, %lt3A_316 : vector<16xi32>
        %and3A_318 = arith.andi %ge3A_315, %lt3A_317 : vector<16xi1>
        %jit3A_319 = arith.constant 10000 : i32
        %broadcast_in_dim3A_320 = vector.broadcast %jit3A_319 : i32 to vector<16xi32>
        %select_n3A_321 = arith.select %and3A_318, %get3A_313, %broadcast_in_dim3A_320 : vector<16xi1>, vector<16xi32>
        %swap3A_322 = arith.constant 48 : index
        %swap3A_323 = tpu.vector_load %arg10[%swap3A_322] {strides = array<i32>} : memref<80xi32, #tpu.memory_space<vmem>>, vector<16xi32>,
        %swap3A_324 = vector.shape_cast %swap3A_323 : vector<16xi32> to vector<16xi32>
        %swap3A_325 = vector.shape_cast %select_n3A_321 : vector<16xi32> to vector<16xi32>
        tpu.vector_store %arg10[%swap3A_322], %swap3A_325 {strides = array<i32>} : memref<80xi32, #tpu.memory_space<vmem>>, vector<16xi32>,
        %get3A_326 = arith.constant 64 : index
        %get3A_327 = tpu.vector_load %arg10[%get3A_326] {strides = array<i32>} : memref<80xi32, #tpu.memory_space<vmem>>, vector<16xi32>,
        %get3A_328 = vector.shape_cast %get3A_327 : vector<16xi32> to vector<16xi32>
        %ge3A_329 = vector.broadcast %mul3A_7 : i32 to vector<16xi32>
        %ge3A_330 = arith.cmpi sge, %get3A_328, %ge3A_329 : vector<16xi32>
        %lt3A_331 = vector.broadcast %add3A_9 : i32 to vector<16xi32>
        %lt3A_332 = arith.cmpi slt, %get3A_328, %lt3A_331 : vector<16xi32>
        %and3A_333 = arith.andi %ge3A_330, %lt3A_332 : vector<16xi1>
        %jit3A_334 = arith.constant 10000 : i32
        %broadcast_in_dim3A_335 = vector.broadcast %jit3A_334 : i32 to vector<16xi32>
        %select_n3A_336 = arith.select %and3A_333, %get3A_328, %broadcast_in_dim3A_335 : vector<16xi1>, vector<16xi32>
        %swap3A_337 = arith.constant 64 : index
        %swap3A_338 = tpu.vector_load %arg10[%swap3A_337] {strides = array<i32>} : memref<80xi32, #tpu.memory_space<vmem>>, vector<16xi32>,
        %swap3A_339 = vector.shape_cast %swap3A_338 : vector<16xi32> to vector<16xi32>
        %swap3A_340 = vector.shape_cast %select_n3A_336 : vector<16xi32> to vector<16xi32>
        tpu.vector_store %arg10[%swap3A_337], %swap3A_340 {strides = array<i32>} : memref<80xi32, #tpu.memory_space<vmem>>, vector<16xi32>,
        %dma_wait3A_341 = arith.constant 0 : i32
        %dma_wait3A_342 = arith.constant 0 : i32
        %dma_wait3A_343 = tpu.memref_slice %arg2[%dma_wait3A_341, %dma_wait3A_342] : memref<320000x128xf32, #tpu.memory_space<hbm>> -> memref<80x128xf32, #tpu.memory_space<hbm>>
        %dma_wait3A_344 = arith.constant 0 : i32
        %dma_wait3A_345 = arith.constant 0 : i32
        %dma_wait3A_346 = tpu.memref_slice %arg2[%dma_wait3A_344, %dma_wait3A_345] : memref<320000x128xf32, #tpu.memory_space<hbm>> -> memref<80x128xf32, #tpu.memory_space<hbm>>
        tpu.wait_dma2 semaphore(%arg17 : memref<!tpu.dma_semaphore, #tpu.memory_space<semaphore_mem>>) src(%dma_wait3A_346 : memref<80x128xf32, #tpu.memory_space<hbm>>) dst(%arg6 : memref<80x128xf32, #tpu.memory_space<vmem>>)
        "tpu.region"() ({
          %run_scoped3A = tpu.sem_alloc : memref<!tpu.dma_semaphore, #tpu.memory_space<semaphore_mem>>
          %dma_start3A = arith.constant 0 : i32
          %dma_start3A_353 = arith.constant 0 : i32
          %dma_start3A_354 = tpu.memref_slice %arg16[%dma_start3A, %dma_start3A_353] : memref<10240x128xf32, #tpu.memory_space<vmem_shared>> -> memref<10240x128xf32, #tpu.memory_space<vmem_shared>>
          tpu.enqueue_indirect_dma source(%arg6 : memref<80x128xf32, #tpu.memory_space<vmem>>) target(%dma_start3A_354 : memref<10240x128xf32, #tpu.memory_space<vmem_shared>>) offsets(%arg10 : memref<80xi32, #tpu.memory_space<vmem>>) semaphore(%run_scoped3A : memref<!tpu.dma_semaphore, #tpu.memory_space<semaphore_mem>>) {add = true}
          %dma_wait3A_355 = arith.constant 0 : i32
          %dma_wait3A_356 = arith.constant 0 : i32
          %dma_wait3A_357 = tpu.memref_slice %arg16[%dma_wait3A_355, %dma_wait3A_356] : memref<10240x128xf32, #tpu.memory_space<vmem_shared>> -> memref<10240x128xf32, #tpu.memory_space<vmem_shared>>
          tpu.wait_indirect_dma semaphore(%run_scoped3A : memref<!tpu.dma_semaphore, #tpu.memory_space<semaphore_mem>>) src(%arg6 : memref<80x128xf32, #tpu.memory_space<vmem>>) dst(%dma_wait3A_357 : memref<10240x128xf32, #tpu.memory_space<vmem_shared>>)
          tpu.yield
        }) : () -> ()
        %add3A_347 = arith.constant 4 : i32
        %add3A_348 = arith.addi %add3A_237, %add3A_347 : i32
        %lt3A_349 = arith.cmpi slt, %add3A_348, %squeeze3A_5 : i32
        %convert_element_type3A_350 = arith.extui %lt3A_349 : i1 to i32
        %cond3A_351 = arith.constant 0 : i32
        %cond3A_352 = arith.cmpi ne, %convert_element_type3A_350, %cond3A_351 : i32
        scf.if %cond3A_352 {
          %add3A_353 = arith.constant 4 : i32
          %add3A_354 = arith.addi %add3A_237, %add3A_353 : i32
          %add3A_355 = arith.addi %squeeze3A, %add3A_354 : i32
          %mul3A_356 = arith.constant 80 : i32
          %mul3A_357 = arith.muli %add3A_355, %mul3A_356 : i32
          %dma_start3A = arith.constant 0 : i32
          %dma_start3A_358 = tpu.memref_slice %arg2[%mul3A_357, %dma_start3A] : memref<320000x128xf32, #tpu.memory_space<hbm>> -> memref<80x128xf32, #tpu.memory_space<hbm>>
          %dma_start3A_359 = arith.constant 0 : i32
          %dma_start3A_360 = tpu.memref_slice %arg2[%mul3A_357, %dma_start3A_359] : memref<320000x128xf32, #tpu.memory_space<hbm>> -> memref<80x128xf32, #tpu.memory_space<hbm>>
          tpu.enqueue_dma source(%dma_start3A_360 : memref<80x128xf32, #tpu.memory_space<hbm>>) target(%arg6 : memref<80x128xf32, #tpu.memory_space<vmem>>) target_semaphore(%arg17 : memref<!tpu.dma_semaphore, #tpu.memory_space<semaphore_mem>>)
          %dma_start3A_361 = tpu.memref_slice %arg3[%mul3A_357] : memref<320000xi32, #tpu.memory_space<hbm>> -> memref<80xi32, #tpu.memory_space<hbm>>
          %dma_start3A_362 = tpu.memref_slice %arg3[%mul3A_357] : memref<320000xi32, #tpu.memory_space<hbm>> -> memref<80xi32, #tpu.memory_space<hbm>>
          tpu.enqueue_dma source(%dma_start3A_362 : memref<80xi32, #tpu.memory_space<hbm>>) target(%arg10 : memref<80xi32, #tpu.memory_space<vmem>>) target_semaphore(%arg21 : memref<!tpu.dma_semaphore, #tpu.memory_space<semaphore_mem>>)
        } else {
        }
      } else {
      }
      %mul3A_241 = arith.constant 4 : i32
      %mul3A_242 = arith.muli %while3A_233, %mul3A_241 : i32
      %add3A_243 = arith.constant 1 : i32
      %add3A_244 = arith.addi %mul3A_242, %add3A_243 : i32
      %lt3A_245 = arith.cmpi slt, %add3A_244, %squeeze3A_5 : i32
      %convert_element_type3A_246 = arith.extui %lt3A_245 : i1 to i32
      %cond3A_247 = arith.constant 0 : i32
      %cond3A_248 = arith.cmpi ne, %convert_element_type3A_246, %cond3A_247 : i32
      scf.if %cond3A_248 {
        %dma_wait3A = arith.constant 0 : i32
        %dma_wait3A_265 = tpu.memref_slice %arg3[%dma_wait3A] : memref<320000xi32, #tpu.memory_space<hbm>> -> memref<80xi32, #tpu.memory_space<hbm>>
        %dma_wait3A_266 = arith.constant 0 : i32
        %dma_wait3A_267 = tpu.memref_slice %arg3[%dma_wait3A_266] : memref<320000xi32, #tpu.memory_space<hbm>> -> memref<80xi32, #tpu.memory_space<hbm>>
        tpu.wait_dma2 semaphore(%arg22 : memref<!tpu.dma_semaphore, #tpu.memory_space<semaphore_mem>>) src(%dma_wait3A_267 : memref<80xi32, #tpu.memory_space<hbm>>) dst(%arg11 : memref<80xi32, #tpu.memory_space<vmem>>)
        %get3A_268 = arith.constant 0 : index
        %get3A_269 = tpu.vector_load %arg11[%get3A_268] {strides = array<i32>} : memref<80xi32, #tpu.memory_space<vmem>>, vector<16xi32>,
        %get3A_270 = vector.shape_cast %get3A_269 : vector<16xi32> to vector<16xi32>
        %ge3A = vector.broadcast %mul3A_7 : i32 to vector<16xi32>
        %ge3A_271 = arith.cmpi sge, %get3A_270, %ge3A : vector<16xi32>
        %lt3A_272 = vector.broadcast %add3A_9 : i32 to vector<16xi32>
        %lt3A_273 = arith.cmpi slt, %get3A_270, %lt3A_272 : vector<16xi32>
        %and3A_274 = arith.andi %ge3A_271, %lt3A_273 : vector<16xi1>
        %jit3A_275 = arith.constant 10000 : i32
        %broadcast_in_dim3A_276 = vector.broadcast %jit3A_275 : i32 to vector<16xi32>
        %select_n3A_277 = arith.select %and3A_274, %get3A_270, %broadcast_in_dim3A_276 : vector<16xi1>, vector<16xi32>
        %swap3A = arith.constant 0 : index
        %swap3A_278 = tpu.vector_load %arg11[%swap3A] {strides = array<i32>} : memref<80xi32, #tpu.memory_space<vmem>>, vector<16xi32>,
        %swap3A_279 = vector.shape_cast %swap3A_278 : vector<16xi32> to vector<16xi32>
        %swap3A_280 = vector.shape_cast %select_n3A_277 : vector<16xi32> to vector<16xi32>
        tpu.vector_store %arg11[%swap3A], %swap3A_280 {strides = array<i32>} : memref<80xi32, #tpu.memory_space<vmem>>, vector<16xi32>,
        %get3A_281 = arith.constant 16 : index
        %get3A_282 = tpu.vector_load %arg11[%get3A_281] {strides = array<i32>} : memref<80xi32, #tpu.memory_space<vmem>>, vector<16xi32>,
        %get3A_283 = vector.shape_cast %get3A_282 : vector<16xi32> to vector<16xi32>
        %ge3A_284 = vector.broadcast %mul3A_7 : i32 to vector<16xi32>
        %ge3A_285 = arith.cmpi sge, %get3A_283, %ge3A_284 : vector<16xi32>
        %lt3A_286 = vector.broadcast %add3A_9 : i32 to vector<16xi32>
        %lt3A_287 = arith.cmpi slt, %get3A_283, %lt3A_286 : vector<16xi32>
        %and3A_288 = arith.andi %ge3A_285, %lt3A_287 : vector<16xi1>
        %jit3A_289 = arith.constant 10000 : i32
        %broadcast_in_dim3A_290 = vector.broadcast %jit3A_289 : i32 to vector<16xi32>
        %select_n3A_291 = arith.select %and3A_288, %get3A_283, %broadcast_in_dim3A_290 : vector<16xi1>, vector<16xi32>
        %swap3A_292 = arith.constant 16 : index
        %swap3A_293 = tpu.vector_load %arg11[%swap3A_292] {strides = array<i32>} : memref<80xi32, #tpu.memory_space<vmem>>, vector<16xi32>,
        %swap3A_294 = vector.shape_cast %swap3A_293 : vector<16xi32> to vector<16xi32>
        %swap3A_295 = vector.shape_cast %select_n3A_291 : vector<16xi32> to vector<16xi32>
        tpu.vector_store %arg11[%swap3A_292], %swap3A_295 {strides = array<i32>} : memref<80xi32, #tpu.memory_space<vmem>>, vector<16xi32>,
        %get3A_296 = arith.constant 32 : index
        %get3A_297 = tpu.vector_load %arg11[%get3A_296] {strides = array<i32>} : memref<80xi32, #tpu.memory_space<vmem>>, vector<16xi32>,
        %get3A_298 = vector.shape_cast %get3A_297 : vector<16xi32> to vector<16xi32>
        %ge3A_299 = vector.broadcast %mul3A_7 : i32 to vector<16xi32>
        %ge3A_300 = arith.cmpi sge, %get3A_298, %ge3A_299 : vector<16xi32>
        %lt3A_301 = vector.broadcast %add3A_9 : i32 to vector<16xi32>
        %lt3A_302 = arith.cmpi slt, %get3A_298, %lt3A_301 : vector<16xi32>
        %and3A_303 = arith.andi %ge3A_300, %lt3A_302 : vector<16xi1>
        %jit3A_304 = arith.constant 10000 : i32
        %broadcast_in_dim3A_305 = vector.broadcast %jit3A_304 : i32 to vector<16xi32>
        %select_n3A_306 = arith.select %and3A_303, %get3A_298, %broadcast_in_dim3A_305 : vector<16xi1>, vector<16xi32>
        %swap3A_307 = arith.constant 32 : index
        %swap3A_308 = tpu.vector_load %arg11[%swap3A_307] {strides = array<i32>} : memref<80xi32, #tpu.memory_space<vmem>>, vector<16xi32>,
        %swap3A_309 = vector.shape_cast %swap3A_308 : vector<16xi32> to vector<16xi32>
        %swap3A_310 = vector.shape_cast %select_n3A_306 : vector<16xi32> to vector<16xi32>
        tpu.vector_store %arg11[%swap3A_307], %swap3A_310 {strides = array<i32>} : memref<80xi32, #tpu.memory_space<vmem>>, vector<16xi32>,
        %get3A_311 = arith.constant 48 : index
        %get3A_312 = tpu.vector_load %arg11[%get3A_311] {strides = array<i32>} : memref<80xi32, #tpu.memory_space<vmem>>, vector<16xi32>,
        %get3A_313 = vector.shape_cast %get3A_312 : vector<16xi32> to vector<16xi32>
        %ge3A_314 = vector.broadcast %mul3A_7 : i32 to vector<16xi32>
        %ge3A_315 = arith.cmpi sge, %get3A_313, %ge3A_314 : vector<16xi32>
        %lt3A_316 = vector.broadcast %add3A_9 : i32 to vector<16xi32>
        %lt3A_317 = arith.cmpi slt, %get3A_313, %lt3A_316 : vector<16xi32>
        %and3A_318 = arith.andi %ge3A_315, %lt3A_317 : vector<16xi1>
        %jit3A_319 = arith.constant 10000 : i32
        %broadcast_in_dim3A_320 = vector.broadcast %jit3A_319 : i32 to vector<16xi32>
        %select_n3A_321 = arith.select %and3A_318, %get3A_313, %broadcast_in_dim3A_320 : vector<16xi1>, vector<16xi32>
        %swap3A_322 = arith.constant 48 : index
        %swap3A_323 = tpu.vector_load %arg11[%swap3A_322] {strides = array<i32>} : memref<80xi32, #tpu.memory_space<vmem>>, vector<16xi32>,
        %swap3A_324 = vector.shape_cast %swap3A_323 : vector<16xi32> to vector<16xi32>
        %swap3A_325 = vector.shape_cast %select_n3A_321 : vector<16xi32> to vector<16xi32>
        tpu.vector_store %arg11[%swap3A_322], %swap3A_325 {strides = array<i32>} : memref<80xi32, #tpu.memory_space<vmem>>, vector<16xi32>,
        %get3A_326 = arith.constant 64 : index
        %get3A_327 = tpu.vector_load %arg11[%get3A_326] {strides = array<i32>} : memref<80xi32, #tpu.memory_space<vmem>>, vector<16xi32>,
        %get3A_328 = vector.shape_cast %get3A_327 : vector<16xi32> to vector<16xi32>
        %ge3A_329 = vector.broadcast %mul3A_7 : i32 to vector<16xi32>
        %ge3A_330 = arith.cmpi sge, %get3A_328, %ge3A_329 : vector<16xi32>
        %lt3A_331 = vector.broadcast %add3A_9 : i32 to vector<16xi32>
        %lt3A_332 = arith.cmpi slt, %get3A_328, %lt3A_331 : vector<16xi32>
        %and3A_333 = arith.andi %ge3A_330, %lt3A_332 : vector<16xi1>
        %jit3A_334 = arith.constant 10000 : i32
        %broadcast_in_dim3A_335 = vector.broadcast %jit3A_334 : i32 to vector<16xi32>
        %select_n3A_336 = arith.select %and3A_333, %get3A_328, %broadcast_in_dim3A_335 : vector<16xi1>, vector<16xi32>
        %swap3A_337 = arith.constant 64 : index
        %swap3A_338 = tpu.vector_load %arg11[%swap3A_337] {strides = array<i32>} : memref<80xi32, #tpu.memory_space<vmem>>, vector<16xi32>,
        %swap3A_339 = vector.shape_cast %swap3A_338 : vector<16xi32> to vector<16xi32>
        %swap3A_340 = vector.shape_cast %select_n3A_336 : vector<16xi32> to vector<16xi32>
        tpu.vector_store %arg11[%swap3A_337], %swap3A_340 {strides = array<i32>} : memref<80xi32, #tpu.memory_space<vmem>>, vector<16xi32>,
        %dma_wait3A_341 = arith.constant 0 : i32
        %dma_wait3A_342 = arith.constant 0 : i32
        %dma_wait3A_343 = tpu.memref_slice %arg2[%dma_wait3A_341, %dma_wait3A_342] : memref<320000x128xf32, #tpu.memory_space<hbm>> -> memref<80x128xf32, #tpu.memory_space<hbm>>
        %dma_wait3A_344 = arith.constant 0 : i32
        %dma_wait3A_345 = arith.constant 0 : i32
        %dma_wait3A_346 = tpu.memref_slice %arg2[%dma_wait3A_344, %dma_wait3A_345] : memref<320000x128xf32, #tpu.memory_space<hbm>> -> memref<80x128xf32, #tpu.memory_space<hbm>>
        tpu.wait_dma2 semaphore(%arg18 : memref<!tpu.dma_semaphore, #tpu.memory_space<semaphore_mem>>) src(%dma_wait3A_346 : memref<80x128xf32, #tpu.memory_space<hbm>>) dst(%arg7 : memref<80x128xf32, #tpu.memory_space<vmem>>)
        "tpu.region"() ({
          %run_scoped3A = tpu.sem_alloc : memref<!tpu.dma_semaphore, #tpu.memory_space<semaphore_mem>>
          %dma_start3A = arith.constant 0 : i32
          %dma_start3A_353 = arith.constant 0 : i32
          %dma_start3A_354 = tpu.memref_slice %arg16[%dma_start3A, %dma_start3A_353] : memref<10240x128xf32, #tpu.memory_space<vmem_shared>> -> memref<10240x128xf32, #tpu.memory_space<vmem_shared>>
          tpu.enqueue_indirect_dma source(%arg7 : memref<80x128xf32, #tpu.memory_space<vmem>>) target(%dma_start3A_354 : memref<10240x128xf32, #tpu.memory_space<vmem_shared>>) offsets(%arg11 : memref<80xi32, #tpu.memory_space<vmem>>) semaphore(%run_scoped3A : memref<!tpu.dma_semaphore, #tpu.memory_space<semaphore_mem>>) {add = true}
          %dma_wait3A_355 = arith.constant 0 : i32
          %dma_wait3A_356 = arith.constant 0 : i32
          %dma_wait3A_357 = tpu.memref_slice %arg16[%dma_wait3A_355, %dma_wait3A_356] : memref<10240x128xf32, #tpu.memory_space<vmem_shared>> -> memref<10240x128xf32, #tpu.memory_space<vmem_shared>>
          tpu.wait_indirect_dma semaphore(%run_scoped3A : memref<!tpu.dma_semaphore, #tpu.memory_space<semaphore_mem>>) src(%arg7 : memref<80x128xf32, #tpu.memory_space<vmem>>) dst(%dma_wait3A_357 : memref<10240x128xf32, #tpu.memory_space<vmem_shared>>)
          tpu.yield
        }) : () -> ()
        %add3A_347 = arith.constant 4 : i32
        %add3A_348 = arith.addi %add3A_244, %add3A_347 : i32
        %lt3A_349 = arith.cmpi slt, %add3A_348, %squeeze3A_5 : i32
        %convert_element_type3A_350 = arith.extui %lt3A_349 : i1 to i32
        %cond3A_351 = arith.constant 0 : i32
        %cond3A_352 = arith.cmpi ne, %convert_element_type3A_350, %cond3A_351 : i32
        scf.if %cond3A_352 {
          %add3A_353 = arith.constant 4 : i32
          %add3A_354 = arith.addi %add3A_244, %add3A_353 : i32
          %add3A_355 = arith.addi %squeeze3A, %add3A_354 : i32
          %mul3A_356 = arith.constant 80 : i32
          %mul3A_357 = arith.muli %add3A_355, %mul3A_356 : i32
          %dma_start3A = arith.constant 0 : i32
          %dma_start3A_358 = tpu.memref_slice %arg2[%mul3A_357, %dma_start3A] : memref<320000x128xf32, #tpu.memory_space<hbm>> -> memref<80x128xf32, #tpu.memory_space<hbm>>
          %dma_start3A_359 = arith.constant 0 : i32
          %dma_start3A_360 = tpu.memref_slice %arg2[%mul3A_357, %dma_start3A_359] : memref<320000x128xf32, #tpu.memory_space<hbm>> -> memref<80x128xf32, #tpu.memory_space<hbm>>
          tpu.enqueue_dma source(%dma_start3A_360 : memref<80x128xf32, #tpu.memory_space<hbm>>) target(%arg7 : memref<80x128xf32, #tpu.memory_space<vmem>>) target_semaphore(%arg18 : memref<!tpu.dma_semaphore, #tpu.memory_space<semaphore_mem>>)
          %dma_start3A_361 = tpu.memref_slice %arg3[%mul3A_357] : memref<320000xi32, #tpu.memory_space<hbm>> -> memref<80xi32, #tpu.memory_space<hbm>>
          %dma_start3A_362 = tpu.memref_slice %arg3[%mul3A_357] : memref<320000xi32, #tpu.memory_space<hbm>> -> memref<80xi32, #tpu.memory_space<hbm>>
          tpu.enqueue_dma source(%dma_start3A_362 : memref<80xi32, #tpu.memory_space<hbm>>) target(%arg11 : memref<80xi32, #tpu.memory_space<vmem>>) target_semaphore(%arg22 : memref<!tpu.dma_semaphore, #tpu.memory_space<semaphore_mem>>)
        } else {
        }
      } else {
      }
      %mul3A_249 = arith.constant 4 : i32
      %mul3A_250 = arith.muli %while3A_233, %mul3A_249 : i32
      %add3A_251 = arith.constant 2 : i32
      %add3A_252 = arith.addi %mul3A_250, %add3A_251 : i32
      %lt3A_253 = arith.cmpi slt, %add3A_252, %squeeze3A_5 : i32
      %convert_element_type3A_254 = arith.extui %lt3A_253 : i1 to i32
      %cond3A_255 = arith.constant 0 : i32
      %cond3A_256 = arith.cmpi ne, %convert_element_type3A_254, %cond3A_255 : i32
      scf.if %cond3A_256 {
        %dma_wait3A = arith.constant 0 : i32
        %dma_wait3A_265 = tpu.memref_slice %arg3[%dma_wait3A] : memref<320000xi32, #tpu.memory_space<hbm>> -> memref<80xi32, #tpu.memory_space<hbm>>
        %dma_wait3A_266 = arith.constant 0 : i32
        %dma_wait3A_267 = tpu.memref_slice %arg3[%dma_wait3A_266] : memref<320000xi32, #tpu.memory_space<hbm>> -> memref<80xi32, #tpu.memory_space<hbm>>
        tpu.wait_dma2 semaphore(%arg23 : memref<!tpu.dma_semaphore, #tpu.memory_space<semaphore_mem>>) src(%dma_wait3A_267 : memref<80xi32, #tpu.memory_space<hbm>>) dst(%arg12 : memref<80xi32, #tpu.memory_space<vmem>>)
        %get3A_268 = arith.constant 0 : index
        %get3A_269 = tpu.vector_load %arg12[%get3A_268] {strides = array<i32>} : memref<80xi32, #tpu.memory_space<vmem>>, vector<16xi32>,
        %get3A_270 = vector.shape_cast %get3A_269 : vector<16xi32> to vector<16xi32>
        %ge3A = vector.broadcast %mul3A_7 : i32 to vector<16xi32>
        %ge3A_271 = arith.cmpi sge, %get3A_270, %ge3A : vector<16xi32>
        %lt3A_272 = vector.broadcast %add3A_9 : i32 to vector<16xi32>
        %lt3A_273 = arith.cmpi slt, %get3A_270, %lt3A_272 : vector<16xi32>
        %and3A_274 = arith.andi %ge3A_271, %lt3A_273 : vector<16xi1>
        %jit3A_275 = arith.constant 10000 : i32
        %broadcast_in_dim3A_276 = vector.broadcast %jit3A_275 : i32 to vector<16xi32>
        %select_n3A_277 = arith.select %and3A_274, %get3A_270, %broadcast_in_dim3A_276 : vector<16xi1>, vector<16xi32>
        %swap3A = arith.constant 0 : index
        %swap3A_278 = tpu.vector_load %arg12[%swap3A] {strides = array<i32>} : memref<80xi32, #tpu.memory_space<vmem>>, vector<16xi32>,
        %swap3A_279 = vector.shape_cast %swap3A_278 : vector<16xi32> to vector<16xi32>
        %swap3A_280 = vector.shape_cast %select_n3A_277 : vector<16xi32> to vector<16xi32>
        tpu.vector_store %arg12[%swap3A], %swap3A_280 {strides = array<i32>} : memref<80xi32, #tpu.memory_space<vmem>>, vector<16xi32>,
        %get3A_281 = arith.constant 16 : index
        %get3A_282 = tpu.vector_load %arg12[%get3A_281] {strides = array<i32>} : memref<80xi32, #tpu.memory_space<vmem>>, vector<16xi32>,
        %get3A_283 = vector.shape_cast %get3A_282 : vector<16xi32> to vector<16xi32>
        %ge3A_284 = vector.broadcast %mul3A_7 : i32 to vector<16xi32>
        %ge3A_285 = arith.cmpi sge, %get3A_283, %ge3A_284 : vector<16xi32>
        %lt3A_286 = vector.broadcast %add3A_9 : i32 to vector<16xi32>
        %lt3A_287 = arith.cmpi slt, %get3A_283, %lt3A_286 : vector<16xi32>
        %and3A_288 = arith.andi %ge3A_285, %lt3A_287 : vector<16xi1>
        %jit3A_289 = arith.constant 10000 : i32
        %broadcast_in_dim3A_290 = vector.broadcast %jit3A_289 : i32 to vector<16xi32>
        %select_n3A_291 = arith.select %and3A_288, %get3A_283, %broadcast_in_dim3A_290 : vector<16xi1>, vector<16xi32>
        %swap3A_292 = arith.constant 16 : index
        %swap3A_293 = tpu.vector_load %arg12[%swap3A_292] {strides = array<i32>} : memref<80xi32, #tpu.memory_space<vmem>>, vector<16xi32>,
        %swap3A_294 = vector.shape_cast %swap3A_293 : vector<16xi32> to vector<16xi32>
        %swap3A_295 = vector.shape_cast %select_n3A_291 : vector<16xi32> to vector<16xi32>
        tpu.vector_store %arg12[%swap3A_292], %swap3A_295 {strides = array<i32>} : memref<80xi32, #tpu.memory_space<vmem>>, vector<16xi32>,
        %get3A_296 = arith.constant 32 : index
        %get3A_297 = tpu.vector_load %arg12[%get3A_296] {strides = array<i32>} : memref<80xi32, #tpu.memory_space<vmem>>, vector<16xi32>,
        %get3A_298 = vector.shape_cast %get3A_297 : vector<16xi32> to vector<16xi32>
        %ge3A_299 = vector.broadcast %mul3A_7 : i32 to vector<16xi32>
        %ge3A_300 = arith.cmpi sge, %get3A_298, %ge3A_299 : vector<16xi32>
        %lt3A_301 = vector.broadcast %add3A_9 : i32 to vector<16xi32>
        %lt3A_302 = arith.cmpi slt, %get3A_298, %lt3A_301 : vector<16xi32>
        %and3A_303 = arith.andi %ge3A_300, %lt3A_302 : vector<16xi1>
        %jit3A_304 = arith.constant 10000 : i32
        %broadcast_in_dim3A_305 = vector.broadcast %jit3A_304 : i32 to vector<16xi32>
        %select_n3A_306 = arith.select %and3A_303, %get3A_298, %broadcast_in_dim3A_305 : vector<16xi1>, vector<16xi32>
        %swap3A_307 = arith.constant 32 : index
        %swap3A_308 = tpu.vector_load %arg12[%swap3A_307] {strides = array<i32>} : memref<80xi32, #tpu.memory_space<vmem>>, vector<16xi32>,
        %swap3A_309 = vector.shape_cast %swap3A_308 : vector<16xi32> to vector<16xi32>
        %swap3A_310 = vector.shape_cast %select_n3A_306 : vector<16xi32> to vector<16xi32>
        tpu.vector_store %arg12[%swap3A_307], %swap3A_310 {strides = array<i32>} : memref<80xi32, #tpu.memory_space<vmem>>, vector<16xi32>,
        %get3A_311 = arith.constant 48 : index
        %get3A_312 = tpu.vector_load %arg12[%get3A_311] {strides = array<i32>} : memref<80xi32, #tpu.memory_space<vmem>>, vector<16xi32>,
        %get3A_313 = vector.shape_cast %get3A_312 : vector<16xi32> to vector<16xi32>
        %ge3A_314 = vector.broadcast %mul3A_7 : i32 to vector<16xi32>
        %ge3A_315 = arith.cmpi sge, %get3A_313, %ge3A_314 : vector<16xi32>
        %lt3A_316 = vector.broadcast %add3A_9 : i32 to vector<16xi32>
        %lt3A_317 = arith.cmpi slt, %get3A_313, %lt3A_316 : vector<16xi32>
        %and3A_318 = arith.andi %ge3A_315, %lt3A_317 : vector<16xi1>
        %jit3A_319 = arith.constant 10000 : i32
        %broadcast_in_dim3A_320 = vector.broadcast %jit3A_319 : i32 to vector<16xi32>
        %select_n3A_321 = arith.select %and3A_318, %get3A_313, %broadcast_in_dim3A_320 : vector<16xi1>, vector<16xi32>
        %swap3A_322 = arith.constant 48 : index
        %swap3A_323 = tpu.vector_load %arg12[%swap3A_322] {strides = array<i32>} : memref<80xi32, #tpu.memory_space<vmem>>, vector<16xi32>,
        %swap3A_324 = vector.shape_cast %swap3A_323 : vector<16xi32> to vector<16xi32>
        %swap3A_325 = vector.shape_cast %select_n3A_321 : vector<16xi32> to vector<16xi32>
        tpu.vector_store %arg12[%swap3A_322], %swap3A_325 {strides = array<i32>} : memref<80xi32, #tpu.memory_space<vmem>>, vector<16xi32>,
        %get3A_326 = arith.constant 64 : index
        %get3A_327 = tpu.vector_load %arg12[%get3A_326] {strides = array<i32>} : memref<80xi32, #tpu.memory_space<vmem>>, vector<16xi32>,
        %get3A_328 = vector.shape_cast %get3A_327 : vector<16xi32> to vector<16xi32>
        %ge3A_329 = vector.broadcast %mul3A_7 : i32 to vector<16xi32>
        %ge3A_330 = arith.cmpi sge, %get3A_328, %ge3A_329 : vector<16xi32>
        %lt3A_331 = vector.broadcast %add3A_9 : i32 to vector<16xi32>
        %lt3A_332 = arith.cmpi slt, %get3A_328, %lt3A_331 : vector<16xi32>
        %and3A_333 = arith.andi %ge3A_330, %lt3A_332 : vector<16xi1>
        %jit3A_334 = arith.constant 10000 : i32
        %broadcast_in_dim3A_335 = vector.broadcast %jit3A_334 : i32 to vector<16xi32>
        %select_n3A_336 = arith.select %and3A_333, %get3A_328, %broadcast_in_dim3A_335 : vector<16xi1>, vector<16xi32>
        %swap3A_337 = arith.constant 64 : index
        %swap3A_338 = tpu.vector_load %arg12[%swap3A_337] {strides = array<i32>} : memref<80xi32, #tpu.memory_space<vmem>>, vector<16xi32>,
        %swap3A_339 = vector.shape_cast %swap3A_338 : vector<16xi32> to vector<16xi32>
        %swap3A_340 = vector.shape_cast %select_n3A_336 : vector<16xi32> to vector<16xi32>
        tpu.vector_store %arg12[%swap3A_337], %swap3A_340 {strides = array<i32>} : memref<80xi32, #tpu.memory_space<vmem>>, vector<16xi32>,
        %dma_wait3A_341 = arith.constant 0 : i32
        %dma_wait3A_342 = arith.constant 0 : i32
        %dma_wait3A_343 = tpu.memref_slice %arg2[%dma_wait3A_341, %dma_wait3A_342] : memref<320000x128xf32, #tpu.memory_space<hbm>> -> memref<80x128xf32, #tpu.memory_space<hbm>>
        %dma_wait3A_344 = arith.constant 0 : i32
        %dma_wait3A_345 = arith.constant 0 : i32
        %dma_wait3A_346 = tpu.memref_slice %arg2[%dma_wait3A_344, %dma_wait3A_345] : memref<320000x128xf32, #tpu.memory_space<hbm>> -> memref<80x128xf32, #tpu.memory_space<hbm>>
        tpu.wait_dma2 semaphore(%arg19 : memref<!tpu.dma_semaphore, #tpu.memory_space<semaphore_mem>>) src(%dma_wait3A_346 : memref<80x128xf32, #tpu.memory_space<hbm>>) dst(%arg8 : memref<80x128xf32, #tpu.memory_space<vmem>>)
        "tpu.region"() ({
          %run_scoped3A = tpu.sem_alloc : memref<!tpu.dma_semaphore, #tpu.memory_space<semaphore_mem>>
          %dma_start3A = arith.constant 0 : i32
          %dma_start3A_353 = arith.constant 0 : i32
          %dma_start3A_354 = tpu.memref_slice %arg16[%dma_start3A, %dma_start3A_353] : memref<10240x128xf32, #tpu.memory_space<vmem_shared>> -> memref<10240x128xf32, #tpu.memory_space<vmem_shared>>
          tpu.enqueue_indirect_dma source(%arg8 : memref<80x128xf32, #tpu.memory_space<vmem>>) target(%dma_start3A_354 : memref<10240x128xf32, #tpu.memory_space<vmem_shared>>) offsets(%arg12 : memref<80xi32, #tpu.memory_space<vmem>>) semaphore(%run_scoped3A : memref<!tpu.dma_semaphore, #tpu.memory_space<semaphore_mem>>) {add = true}
          %dma_wait3A_355 = arith.constant 0 : i32
          %dma_wait3A_356 = arith.constant 0 : i32
          %dma_wait3A_357 = tpu.memref_slice %arg16[%dma_wait3A_355, %dma_wait3A_356] : memref<10240x128xf32, #tpu.memory_space<vmem_shared>> -> memref<10240x128xf32, #tpu.memory_space<vmem_shared>>
          tpu.wait_indirect_dma semaphore(%run_scoped3A : memref<!tpu.dma_semaphore, #tpu.memory_space<semaphore_mem>>) src(%arg8 : memref<80x128xf32, #tpu.memory_space<vmem>>) dst(%dma_wait3A_357 : memref<10240x128xf32, #tpu.memory_space<vmem_shared>>)
          tpu.yield
        }) : () -> ()
        %add3A_347 = arith.constant 4 : i32
        %add3A_348 = arith.addi %add3A_252, %add3A_347 : i32
        %lt3A_349 = arith.cmpi slt, %add3A_348, %squeeze3A_5 : i32
        %convert_element_type3A_350 = arith.extui %lt3A_349 : i1 to i32
        %cond3A_351 = arith.constant 0 : i32
        %cond3A_352 = arith.cmpi ne, %convert_element_type3A_350, %cond3A_351 : i32
        scf.if %cond3A_352 {
          %add3A_353 = arith.constant 4 : i32
          %add3A_354 = arith.addi %add3A_252, %add3A_353 : i32
          %add3A_355 = arith.addi %squeeze3A, %add3A_354 : i32
          %mul3A_356 = arith.constant 80 : i32
          %mul3A_357 = arith.muli %add3A_355, %mul3A_356 : i32
          %dma_start3A = arith.constant 0 : i32
          %dma_start3A_358 = tpu.memref_slice %arg2[%mul3A_357, %dma_start3A] : memref<320000x128xf32, #tpu.memory_space<hbm>> -> memref<80x128xf32, #tpu.memory_space<hbm>>
          %dma_start3A_359 = arith.constant 0 : i32
          %dma_start3A_360 = tpu.memref_slice %arg2[%mul3A_357, %dma_start3A_359] : memref<320000x128xf32, #tpu.memory_space<hbm>> -> memref<80x128xf32, #tpu.memory_space<hbm>>
          tpu.enqueue_dma source(%dma_start3A_360 : memref<80x128xf32, #tpu.memory_space<hbm>>) target(%arg8 : memref<80x128xf32, #tpu.memory_space<vmem>>) target_semaphore(%arg19 : memref<!tpu.dma_semaphore, #tpu.memory_space<semaphore_mem>>)
          %dma_start3A_361 = tpu.memref_slice %arg3[%mul3A_357] : memref<320000xi32, #tpu.memory_space<hbm>> -> memref<80xi32, #tpu.memory_space<hbm>>
          %dma_start3A_362 = tpu.memref_slice %arg3[%mul3A_357] : memref<320000xi32, #tpu.memory_space<hbm>> -> memref<80xi32, #tpu.memory_space<hbm>>
          tpu.enqueue_dma source(%dma_start3A_362 : memref<80xi32, #tpu.memory_space<hbm>>) target(%arg12 : memref<80xi32, #tpu.memory_space<vmem>>) target_semaphore(%arg23 : memref<!tpu.dma_semaphore, #tpu.memory_space<semaphore_mem>>)
        } else {
        }
      } else {
      }
      %mul3A_257 = arith.constant 4 : i32
      %mul3A_258 = arith.muli %while3A_233, %mul3A_257 : i32
      %add3A_259 = arith.constant 3 : i32
      %add3A_260 = arith.addi %mul3A_258, %add3A_259 : i32
      %lt3A_261 = arith.cmpi slt, %add3A_260, %squeeze3A_5 : i32
      %convert_element_type3A_262 = arith.extui %lt3A_261 : i1 to i32
      %cond3A_263 = arith.constant 0 : i32
      %cond3A_264 = arith.cmpi ne, %convert_element_type3A_262, %cond3A_263 : i32
      scf.if %cond3A_264 {
        %dma_wait3A = arith.constant 0 : i32
        %dma_wait3A_265 = tpu.memref_slice %arg3[%dma_wait3A] : memref<320000xi32, #tpu.memory_space<hbm>> -> memref<80xi32, #tpu.memory_space<hbm>>
        %dma_wait3A_266 = arith.constant 0 : i32
        %dma_wait3A_267 = tpu.memref_slice %arg3[%dma_wait3A_266] : memref<320000xi32, #tpu.memory_space<hbm>> -> memref<80xi32, #tpu.memory_space<hbm>>
        tpu.wait_dma2 semaphore(%arg24 : memref<!tpu.dma_semaphore, #tpu.memory_space<semaphore_mem>>) src(%dma_wait3A_267 : memref<80xi32, #tpu.memory_space<hbm>>) dst(%arg13 : memref<80xi32, #tpu.memory_space<vmem>>)
        %get3A_268 = arith.constant 0 : index
        %get3A_269 = tpu.vector_load %arg13[%get3A_268] {strides = array<i32>} : memref<80xi32, #tpu.memory_space<vmem>>, vector<16xi32>,
        %get3A_270 = vector.shape_cast %get3A_269 : vector<16xi32> to vector<16xi32>
        %ge3A = vector.broadcast %mul3A_7 : i32 to vector<16xi32>
        %ge3A_271 = arith.cmpi sge, %get3A_270, %ge3A : vector<16xi32>
        %lt3A_272 = vector.broadcast %add3A_9 : i32 to vector<16xi32>
        %lt3A_273 = arith.cmpi slt, %get3A_270, %lt3A_272 : vector<16xi32>
        %and3A_274 = arith.andi %ge3A_271, %lt3A_273 : vector<16xi1>
        %jit3A_275 = arith.constant 10000 : i32
        %broadcast_in_dim3A_276 = vector.broadcast %jit3A_275 : i32 to vector<16xi32>
        %select_n3A_277 = arith.select %and3A_274, %get3A_270, %broadcast_in_dim3A_276 : vector<16xi1>, vector<16xi32>
        %swap3A = arith.constant 0 : index
        %swap3A_278 = tpu.vector_load %arg13[%swap3A] {strides = array<i32>} : memref<80xi32, #tpu.memory_space<vmem>>, vector<16xi32>,
        %swap3A_279 = vector.shape_cast %swap3A_278 : vector<16xi32> to vector<16xi32>
        %swap3A_280 = vector.shape_cast %select_n3A_277 : vector<16xi32> to vector<16xi32>
        tpu.vector_store %arg13[%swap3A], %swap3A_280 {strides = array<i32>} : memref<80xi32, #tpu.memory_space<vmem>>, vector<16xi32>,
        %get3A_281 = arith.constant 16 : index
        %get3A_282 = tpu.vector_load %arg13[%get3A_281] {strides = array<i32>} : memref<80xi32, #tpu.memory_space<vmem>>, vector<16xi32>,
        %get3A_283 = vector.shape_cast %get3A_282 : vector<16xi32> to vector<16xi32>
        %ge3A_284 = vector.broadcast %mul3A_7 : i32 to vector<16xi32>
        %ge3A_285 = arith.cmpi sge, %get3A_283, %ge3A_284 : vector<16xi32>
        %lt3A_286 = vector.broadcast %add3A_9 : i32 to vector<16xi32>
        %lt3A_287 = arith.cmpi slt, %get3A_283, %lt3A_286 : vector<16xi32>
        %and3A_288 = arith.andi %ge3A_285, %lt3A_287 : vector<16xi1>
        %jit3A_289 = arith.constant 10000 : i32
        %broadcast_in_dim3A_290 = vector.broadcast %jit3A_289 : i32 to vector<16xi32>
        %select_n3A_291 = arith.select %and3A_288, %get3A_283, %broadcast_in_dim3A_290 : vector<16xi1>, vector<16xi32>
        %swap3A_292 = arith.constant 16 : index
        %swap3A_293 = tpu.vector_load %arg13[%swap3A_292] {strides = array<i32>} : memref<80xi32, #tpu.memory_space<vmem>>, vector<16xi32>,
        %swap3A_294 = vector.shape_cast %swap3A_293 : vector<16xi32> to vector<16xi32>
        %swap3A_295 = vector.shape_cast %select_n3A_291 : vector<16xi32> to vector<16xi32>
        tpu.vector_store %arg13[%swap3A_292], %swap3A_295 {strides = array<i32>} : memref<80xi32, #tpu.memory_space<vmem>>, vector<16xi32>,
        %get3A_296 = arith.constant 32 : index
        %get3A_297 = tpu.vector_load %arg13[%get3A_296] {strides = array<i32>} : memref<80xi32, #tpu.memory_space<vmem>>, vector<16xi32>,
        %get3A_298 = vector.shape_cast %get3A_297 : vector<16xi32> to vector<16xi32>
        %ge3A_299 = vector.broadcast %mul3A_7 : i32 to vector<16xi32>
        %ge3A_300 = arith.cmpi sge, %get3A_298, %ge3A_299 : vector<16xi32>
        %lt3A_301 = vector.broadcast %add3A_9 : i32 to vector<16xi32>
        %lt3A_302 = arith.cmpi slt, %get3A_298, %lt3A_301 : vector<16xi32>
        %and3A_303 = arith.andi %ge3A_300, %lt3A_302 : vector<16xi1>
        %jit3A_304 = arith.constant 10000 : i32
        %broadcast_in_dim3A_305 = vector.broadcast %jit3A_304 : i32 to vector<16xi32>
        %select_n3A_306 = arith.select %and3A_303, %get3A_298, %broadcast_in_dim3A_305 : vector<16xi1>, vector<16xi32>
        %swap3A_307 = arith.constant 32 : index
        %swap3A_308 = tpu.vector_load %arg13[%swap3A_307] {strides = array<i32>} : memref<80xi32, #tpu.memory_space<vmem>>, vector<16xi32>,
        %swap3A_309 = vector.shape_cast %swap3A_308 : vector<16xi32> to vector<16xi32>
        %swap3A_310 = vector.shape_cast %select_n3A_306 : vector<16xi32> to vector<16xi32>
        tpu.vector_store %arg13[%swap3A_307], %swap3A_310 {strides = array<i32>} : memref<80xi32, #tpu.memory_space<vmem>>, vector<16xi32>,
        %get3A_311 = arith.constant 48 : index
        %get3A_312 = tpu.vector_load %arg13[%get3A_311] {strides = array<i32>} : memref<80xi32, #tpu.memory_space<vmem>>, vector<16xi32>,
        %get3A_313 = vector.shape_cast %get3A_312 : vector<16xi32> to vector<16xi32>
        %ge3A_314 = vector.broadcast %mul3A_7 : i32 to vector<16xi32>
        %ge3A_315 = arith.cmpi sge, %get3A_313, %ge3A_314 : vector<16xi32>
        %lt3A_316 = vector.broadcast %add3A_9 : i32 to vector<16xi32>
        %lt3A_317 = arith.cmpi slt, %get3A_313, %lt3A_316 : vector<16xi32>
        %and3A_318 = arith.andi %ge3A_315, %lt3A_317 : vector<16xi1>
        %jit3A_319 = arith.constant 10000 : i32
        %broadcast_in_dim3A_320 = vector.broadcast %jit3A_319 : i32 to vector<16xi32>
        %select_n3A_321 = arith.select %and3A_318, %get3A_313, %broadcast_in_dim3A_320 : vector<16xi1>, vector<16xi32>
        %swap3A_322 = arith.constant 48 : index
        %swap3A_323 = tpu.vector_load %arg13[%swap3A_322] {strides = array<i32>} : memref<80xi32, #tpu.memory_space<vmem>>, vector<16xi32>,
        %swap3A_324 = vector.shape_cast %swap3A_323 : vector<16xi32> to vector<16xi32>
        %swap3A_325 = vector.shape_cast %select_n3A_321 : vector<16xi32> to vector<16xi32>
        tpu.vector_store %arg13[%swap3A_322], %swap3A_325 {strides = array<i32>} : memref<80xi32, #tpu.memory_space<vmem>>, vector<16xi32>,
        %get3A_326 = arith.constant 64 : index
        %get3A_327 = tpu.vector_load %arg13[%get3A_326] {strides = array<i32>} : memref<80xi32, #tpu.memory_space<vmem>>, vector<16xi32>,
        %get3A_328 = vector.shape_cast %get3A_327 : vector<16xi32> to vector<16xi32>
        %ge3A_329 = vector.broadcast %mul3A_7 : i32 to vector<16xi32>
        %ge3A_330 = arith.cmpi sge, %get3A_328, %ge3A_329 : vector<16xi32>
        %lt3A_331 = vector.broadcast %add3A_9 : i32 to vector<16xi32>
        %lt3A_332 = arith.cmpi slt, %get3A_328, %lt3A_331 : vector<16xi32>
        %and3A_333 = arith.andi %ge3A_330, %lt3A_332 : vector<16xi1>
        %jit3A_334 = arith.constant 10000 : i32
        %broadcast_in_dim3A_335 = vector.broadcast %jit3A_334 : i32 to vector<16xi32>
        %select_n3A_336 = arith.select %and3A_333, %get3A_328, %broadcast_in_dim3A_335 : vector<16xi1>, vector<16xi32>
        %swap3A_337 = arith.constant 64 : index
        %swap3A_338 = tpu.vector_load %arg13[%swap3A_337] {strides = array<i32>} : memref<80xi32, #tpu.memory_space<vmem>>, vector<16xi32>,
        %swap3A_339 = vector.shape_cast %swap3A_338 : vector<16xi32> to vector<16xi32>
        %swap3A_340 = vector.shape_cast %select_n3A_336 : vector<16xi32> to vector<16xi32>
        tpu.vector_store %arg13[%swap3A_337], %swap3A_340 {strides = array<i32>} : memref<80xi32, #tpu.memory_space<vmem>>, vector<16xi32>,
        %dma_wait3A_341 = arith.constant 0 : i32
        %dma_wait3A_342 = arith.constant 0 : i32
        %dma_wait3A_343 = tpu.memref_slice %arg2[%dma_wait3A_341, %dma_wait3A_342] : memref<320000x128xf32, #tpu.memory_space<hbm>> -> memref<80x128xf32, #tpu.memory_space<hbm>>
        %dma_wait3A_344 = arith.constant 0 : i32
        %dma_wait3A_345 = arith.constant 0 : i32
        %dma_wait3A_346 = tpu.memref_slice %arg2[%dma_wait3A_344, %dma_wait3A_345] : memref<320000x128xf32, #tpu.memory_space<hbm>> -> memref<80x128xf32, #tpu.memory_space<hbm>>
        tpu.wait_dma2 semaphore(%arg20 : memref<!tpu.dma_semaphore, #tpu.memory_space<semaphore_mem>>) src(%dma_wait3A_346 : memref<80x128xf32, #tpu.memory_space<hbm>>) dst(%arg9 : memref<80x128xf32, #tpu.memory_space<vmem>>)
        "tpu.region"() ({
          %run_scoped3A = tpu.sem_alloc : memref<!tpu.dma_semaphore, #tpu.memory_space<semaphore_mem>>
          %dma_start3A = arith.constant 0 : i32
          %dma_start3A_353 = arith.constant 0 : i32
          %dma_start3A_354 = tpu.memref_slice %arg16[%dma_start3A, %dma_start3A_353] : memref<10240x128xf32, #tpu.memory_space<vmem_shared>> -> memref<10240x128xf32, #tpu.memory_space<vmem_shared>>
          tpu.enqueue_indirect_dma source(%arg9 : memref<80x128xf32, #tpu.memory_space<vmem>>) target(%dma_start3A_354 : memref<10240x128xf32, #tpu.memory_space<vmem_shared>>) offsets(%arg13 : memref<80xi32, #tpu.memory_space<vmem>>) semaphore(%run_scoped3A : memref<!tpu.dma_semaphore, #tpu.memory_space<semaphore_mem>>) {add = true}
          %dma_wait3A_355 = arith.constant 0 : i32
          %dma_wait3A_356 = arith.constant 0 : i32
          %dma_wait3A_357 = tpu.memref_slice %arg16[%dma_wait3A_355, %dma_wait3A_356] : memref<10240x128xf32, #tpu.memory_space<vmem_shared>> -> memref<10240x128xf32, #tpu.memory_space<vmem_shared>>
          tpu.wait_indirect_dma semaphore(%run_scoped3A : memref<!tpu.dma_semaphore, #tpu.memory_space<semaphore_mem>>) src(%arg9 : memref<80x128xf32, #tpu.memory_space<vmem>>) dst(%dma_wait3A_357 : memref<10240x128xf32, #tpu.memory_space<vmem_shared>>)
          tpu.yield
        }) : () -> ()
        %add3A_347 = arith.constant 4 : i32
        %add3A_348 = arith.addi %add3A_260, %add3A_347 : i32
        %lt3A_349 = arith.cmpi slt, %add3A_348, %squeeze3A_5 : i32
        %convert_element_type3A_350 = arith.extui %lt3A_349 : i1 to i32
        %cond3A_351 = arith.constant 0 : i32
        %cond3A_352 = arith.cmpi ne, %convert_element_type3A_350, %cond3A_351 : i32
        scf.if %cond3A_352 {
          %add3A_353 = arith.constant 4 : i32
          %add3A_354 = arith.addi %add3A_260, %add3A_353 : i32
          %add3A_355 = arith.addi %squeeze3A, %add3A_354 : i32
          %mul3A_356 = arith.constant 80 : i32
          %mul3A_357 = arith.muli %add3A_355, %mul3A_356 : i32
          %dma_start3A = arith.constant 0 : i32
          %dma_start3A_358 = tpu.memref_slice %arg2[%mul3A_357, %dma_start3A] : memref<320000x128xf32, #tpu.memory_space<hbm>> -> memref<80x128xf32, #tpu.memory_space<hbm>>
          %dma_start3A_359 = arith.constant 0 : i32
          %dma_start3A_360 = tpu.memref_slice %arg2[%mul3A_357, %dma_start3A_359] : memref<320000x128xf32, #tpu.memory_space<hbm>> -> memref<80x128xf32, #tpu.memory_space<hbm>>
          tpu.enqueue_dma source(%dma_start3A_360 : memref<80x128xf32, #tpu.memory_space<hbm>>) target(%arg9 : memref<80x128xf32, #tpu.memory_space<vmem>>) target_semaphore(%arg20 : memref<!tpu.dma_semaphore, #tpu.memory_space<semaphore_mem>>)
          %dma_start3A_361 = tpu.memref_slice %arg3[%mul3A_357] : memref<320000xi32, #tpu.memory_space<hbm>> -> memref<80xi32, #tpu.memory_space<hbm>>
          %dma_start3A_362 = tpu.memref_slice %arg3[%mul3A_357] : memref<320000xi32, #tpu.memory_space<hbm>> -> memref<80xi32, #tpu.memory_space<hbm>>
          tpu.enqueue_dma source(%dma_start3A_362 : memref<80xi32, #tpu.memory_space<hbm>>) target(%arg13 : memref<80xi32, #tpu.memory_space<vmem>>) target_semaphore(%arg24 : memref<!tpu.dma_semaphore, #tpu.memory_space<semaphore_mem>>)
        } else {
        }
      } else {
      }
    }
    %while3A_221 = arith.constant 1 : i32
    scf.for %while3A_233 = %while3A_219 to %while3A_215 step %while3A_221  : i32 {
      %mul3A_234 = arith.constant 4 : i32
      %mul3A_235 = arith.muli %while3A_233, %mul3A_234 : i32
      %add3A_236 = arith.constant 0 : i32
      %add3A_237 = arith.addi %mul3A_235, %add3A_236 : i32
      %lt3A = arith.cmpi slt, %add3A_237, %squeeze3A_5 : i32
      %convert_element_type3A_238 = arith.extui %lt3A : i1 to i32
      %cond3A_239 = arith.constant 0 : i32
      %cond3A_240 = arith.cmpi ne, %convert_element_type3A_238, %cond3A_239 : i32
      scf.if %cond3A_240 {
        %dma_wait3A = arith.constant 0 : i32
        %dma_wait3A_265 = tpu.memref_slice %arg3[%dma_wait3A] : memref<320000xi32, #tpu.memory_space<hbm>> -> memref<80xi32, #tpu.memory_space<hbm>>
        %dma_wait3A_266 = arith.constant 0 : i32
        %dma_wait3A_267 = tpu.memref_slice %arg3[%dma_wait3A_266] : memref<320000xi32, #tpu.memory_space<hbm>> -> memref<80xi32, #tpu.memory_space<hbm>>
        tpu.wait_dma2 semaphore(%arg21 : memref<!tpu.dma_semaphore, #tpu.memory_space<semaphore_mem>>) src(%dma_wait3A_267 : memref<80xi32, #tpu.memory_space<hbm>>) dst(%arg10 : memref<80xi32, #tpu.memory_space<vmem>>)
        %get3A_268 = arith.constant 0 : index
        %get3A_269 = tpu.vector_load %arg10[%get3A_268] {strides = array<i32>} : memref<80xi32, #tpu.memory_space<vmem>>, vector<16xi32>,
        %get3A_270 = vector.shape_cast %get3A_269 : vector<16xi32> to vector<16xi32>
        %ge3A = vector.broadcast %mul3A_7 : i32 to vector<16xi32>
        %ge3A_271 = arith.cmpi sge, %get3A_270, %ge3A : vector<16xi32>
        %lt3A_272 = vector.broadcast %add3A_9 : i32 to vector<16xi32>
        %lt3A_273 = arith.cmpi slt, %get3A_270, %lt3A_272 : vector<16xi32>
        %and3A_274 = arith.andi %ge3A_271, %lt3A_273 : vector<16xi1>
        %jit3A_275 = arith.constant 10000 : i32
        %broadcast_in_dim3A_276 = vector.broadcast %jit3A_275 : i32 to vector<16xi32>
        %select_n3A_277 = arith.select %and3A_274, %get3A_270, %broadcast_in_dim3A_276 : vector<16xi1>, vector<16xi32>
        %swap3A = arith.constant 0 : index
        %swap3A_278 = tpu.vector_load %arg10[%swap3A] {strides = array<i32>} : memref<80xi32, #tpu.memory_space<vmem>>, vector<16xi32>,
        %swap3A_279 = vector.shape_cast %swap3A_278 : vector<16xi32> to vector<16xi32>
        %swap3A_280 = vector.shape_cast %select_n3A_277 : vector<16xi32> to vector<16xi32>
        tpu.vector_store %arg10[%swap3A], %swap3A_280 {strides = array<i32>} : memref<80xi32, #tpu.memory_space<vmem>>, vector<16xi32>,
        %get3A_281 = arith.constant 16 : index
        %get3A_282 = tpu.vector_load %arg10[%get3A_281] {strides = array<i32>} : memref<80xi32, #tpu.memory_space<vmem>>, vector<16xi32>,
        %get3A_283 = vector.shape_cast %get3A_282 : vector<16xi32> to vector<16xi32>
        %ge3A_284 = vector.broadcast %mul3A_7 : i32 to vector<16xi32>
        %ge3A_285 = arith.cmpi sge, %get3A_283, %ge3A_284 : vector<16xi32>
        %lt3A_286 = vector.broadcast %add3A_9 : i32 to vector<16xi32>
        %lt3A_287 = arith.cmpi slt, %get3A_283, %lt3A_286 : vector<16xi32>
        %and3A_288 = arith.andi %ge3A_285, %lt3A_287 : vector<16xi1>
        %jit3A_289 = arith.constant 10000 : i32
        %broadcast_in_dim3A_290 = vector.broadcast %jit3A_289 : i32 to vector<16xi32>
        %select_n3A_291 = arith.select %and3A_288, %get3A_283, %broadcast_in_dim3A_290 : vector<16xi1>, vector<16xi32>
        %swap3A_292 = arith.constant 16 : index
        %swap3A_293 = tpu.vector_load %arg10[%swap3A_292] {strides = array<i32>} : memref<80xi32, #tpu.memory_space<vmem>>, vector<16xi32>,
        %swap3A_294 = vector.shape_cast %swap3A_293 : vector<16xi32> to vector<16xi32>
        %swap3A_295 = vector.shape_cast %select_n3A_291 : vector<16xi32> to vector<16xi32>
        tpu.vector_store %arg10[%swap3A_292], %swap3A_295 {strides = array<i32>} : memref<80xi32, #tpu.memory_space<vmem>>, vector<16xi32>,
        %get3A_296 = arith.constant 32 : index
        %get3A_297 = tpu.vector_load %arg10[%get3A_296] {strides = array<i32>} : memref<80xi32, #tpu.memory_space<vmem>>, vector<16xi32>,
        %get3A_298 = vector.shape_cast %get3A_297 : vector<16xi32> to vector<16xi32>
        %ge3A_299 = vector.broadcast %mul3A_7 : i32 to vector<16xi32>
        %ge3A_300 = arith.cmpi sge, %get3A_298, %ge3A_299 : vector<16xi32>
        %lt3A_301 = vector.broadcast %add3A_9 : i32 to vector<16xi32>
        %lt3A_302 = arith.cmpi slt, %get3A_298, %lt3A_301 : vector<16xi32>
        %and3A_303 = arith.andi %ge3A_300, %lt3A_302 : vector<16xi1>
        %jit3A_304 = arith.constant 10000 : i32
        %broadcast_in_dim3A_305 = vector.broadcast %jit3A_304 : i32 to vector<16xi32>
        %select_n3A_306 = arith.select %and3A_303, %get3A_298, %broadcast_in_dim3A_305 : vector<16xi1>, vector<16xi32>
        %swap3A_307 = arith.constant 32 : index
        %swap3A_308 = tpu.vector_load %arg10[%swap3A_307] {strides = array<i32>} : memref<80xi32, #tpu.memory_space<vmem>>, vector<16xi32>,
        %swap3A_309 = vector.shape_cast %swap3A_308 : vector<16xi32> to vector<16xi32>
        %swap3A_310 = vector.shape_cast %select_n3A_306 : vector<16xi32> to vector<16xi32>
        tpu.vector_store %arg10[%swap3A_307], %swap3A_310 {strides = array<i32>} : memref<80xi32, #tpu.memory_space<vmem>>, vector<16xi32>,
        %get3A_311 = arith.constant 48 : index
        %get3A_312 = tpu.vector_load %arg10[%get3A_311] {strides = array<i32>} : memref<80xi32, #tpu.memory_space<vmem>>, vector<16xi32>,
        %get3A_313 = vector.shape_cast %get3A_312 : vector<16xi32> to vector<16xi32>
        %ge3A_314 = vector.broadcast %mul3A_7 : i32 to vector<16xi32>
        %ge3A_315 = arith.cmpi sge, %get3A_313, %ge3A_314 : vector<16xi32>
        %lt3A_316 = vector.broadcast %add3A_9 : i32 to vector<16xi32>
        %lt3A_317 = arith.cmpi slt, %get3A_313, %lt3A_316 : vector<16xi32>
        %and3A_318 = arith.andi %ge3A_315, %lt3A_317 : vector<16xi1>
        %jit3A_319 = arith.constant 10000 : i32
        %broadcast_in_dim3A_320 = vector.broadcast %jit3A_319 : i32 to vector<16xi32>
        %select_n3A_321 = arith.select %and3A_318, %get3A_313, %broadcast_in_dim3A_320 : vector<16xi1>, vector<16xi32>
        %swap3A_322 = arith.constant 48 : index
        %swap3A_323 = tpu.vector_load %arg10[%swap3A_322] {strides = array<i32>} : memref<80xi32, #tpu.memory_space<vmem>>, vector<16xi32>,
        %swap3A_324 = vector.shape_cast %swap3A_323 : vector<16xi32> to vector<16xi32>
        %swap3A_325 = vector.shape_cast %select_n3A_321 : vector<16xi32> to vector<16xi32>
        tpu.vector_store %arg10[%swap3A_322], %swap3A_325 {strides = array<i32>} : memref<80xi32, #tpu.memory_space<vmem>>, vector<16xi32>,
        %get3A_326 = arith.constant 64 : index
        %get3A_327 = tpu.vector_load %arg10[%get3A_326] {strides = array<i32>} : memref<80xi32, #tpu.memory_space<vmem>>, vector<16xi32>,
        %get3A_328 = vector.shape_cast %get3A_327 : vector<16xi32> to vector<16xi32>
        %ge3A_329 = vector.broadcast %mul3A_7 : i32 to vector<16xi32>
        %ge3A_330 = arith.cmpi sge, %get3A_328, %ge3A_329 : vector<16xi32>
        %lt3A_331 = vector.broadcast %add3A_9 : i32 to vector<16xi32>
        %lt3A_332 = arith.cmpi slt, %get3A_328, %lt3A_331 : vector<16xi32>
        %and3A_333 = arith.andi %ge3A_330, %lt3A_332 : vector<16xi1>
        %jit3A_334 = arith.constant 10000 : i32
        %broadcast_in_dim3A_335 = vector.broadcast %jit3A_334 : i32 to vector<16xi32>
        %select_n3A_336 = arith.select %and3A_333, %get3A_328, %broadcast_in_dim3A_335 : vector<16xi1>, vector<16xi32>
        %swap3A_337 = arith.constant 64 : index
        %swap3A_338 = tpu.vector_load %arg10[%swap3A_337] {strides = array<i32>} : memref<80xi32, #tpu.memory_space<vmem>>, vector<16xi32>,
        %swap3A_339 = vector.shape_cast %swap3A_338 : vector<16xi32> to vector<16xi32>
        %swap3A_340 = vector.shape_cast %select_n3A_336 : vector<16xi32> to vector<16xi32>
        tpu.vector_store %arg10[%swap3A_337], %swap3A_340 {strides = array<i32>} : memref<80xi32, #tpu.memory_space<vmem>>, vector<16xi32>,
        %dma_wait3A_341 = arith.constant 0 : i32
        %dma_wait3A_342 = arith.constant 0 : i32
        %dma_wait3A_343 = tpu.memref_slice %arg2[%dma_wait3A_341, %dma_wait3A_342] : memref<320000x128xf32, #tpu.memory_space<hbm>> -> memref<80x128xf32, #tpu.memory_space<hbm>>
        %dma_wait3A_344 = arith.constant 0 : i32
        %dma_wait3A_345 = arith.constant 0 : i32
        %dma_wait3A_346 = tpu.memref_slice %arg2[%dma_wait3A_344, %dma_wait3A_345] : memref<320000x128xf32, #tpu.memory_space<hbm>> -> memref<80x128xf32, #tpu.memory_space<hbm>>
        tpu.wait_dma2 semaphore(%arg17 : memref<!tpu.dma_semaphore, #tpu.memory_space<semaphore_mem>>) src(%dma_wait3A_346 : memref<80x128xf32, #tpu.memory_space<hbm>>) dst(%arg6 : memref<80x128xf32, #tpu.memory_space<vmem>>)
        "tpu.region"() ({
          %run_scoped3A = tpu.sem_alloc : memref<!tpu.dma_semaphore, #tpu.memory_space<semaphore_mem>>
          %dma_start3A = arith.constant 0 : i32
          %dma_start3A_353 = arith.constant 0 : i32
          %dma_start3A_354 = tpu.memref_slice %arg16[%dma_start3A, %dma_start3A_353] : memref<10240x128xf32, #tpu.memory_space<vmem_shared>> -> memref<10240x128xf32, #tpu.memory_space<vmem_shared>>
          tpu.enqueue_indirect_dma source(%arg6 : memref<80x128xf32, #tpu.memory_space<vmem>>) target(%dma_start3A_354 : memref<10240x128xf32, #tpu.memory_space<vmem_shared>>) offsets(%arg10 : memref<80xi32, #tpu.memory_space<vmem>>) semaphore(%run_scoped3A : memref<!tpu.dma_semaphore, #tpu.memory_space<semaphore_mem>>) {add = true}
          %dma_wait3A_355 = arith.constant 0 : i32
          %dma_wait3A_356 = arith.constant 0 : i32
          %dma_wait3A_357 = tpu.memref_slice %arg16[%dma_wait3A_355, %dma_wait3A_356] : memref<10240x128xf32, #tpu.memory_space<vmem_shared>> -> memref<10240x128xf32, #tpu.memory_space<vmem_shared>>
          tpu.wait_indirect_dma semaphore(%run_scoped3A : memref<!tpu.dma_semaphore, #tpu.memory_space<semaphore_mem>>) src(%arg6 : memref<80x128xf32, #tpu.memory_space<vmem>>) dst(%dma_wait3A_357 : memref<10240x128xf32, #tpu.memory_space<vmem_shared>>)
          tpu.yield
        }) : () -> ()
        %add3A_347 = arith.constant 4 : i32
        %add3A_348 = arith.addi %add3A_237, %add3A_347 : i32
        %lt3A_349 = arith.cmpi slt, %add3A_348, %squeeze3A_5 : i32
        %convert_element_type3A_350 = arith.extui %lt3A_349 : i1 to i32
        %cond3A_351 = arith.constant 0 : i32
        %cond3A_352 = arith.cmpi ne, %convert_element_type3A_350, %cond3A_351 : i32
        scf.if %cond3A_352 {
          %add3A_353 = arith.constant 4 : i32
          %add3A_354 = arith.addi %add3A_237, %add3A_353 : i32
          %add3A_355 = arith.addi %squeeze3A, %add3A_354 : i32
          %mul3A_356 = arith.constant 80 : i32
          %mul3A_357 = arith.muli %add3A_355, %mul3A_356 : i32
          %dma_start3A = arith.constant 0 : i32
          %dma_start3A_358 = tpu.memref_slice %arg2[%mul3A_357, %dma_start3A] : memref<320000x128xf32, #tpu.memory_space<hbm>> -> memref<80x128xf32, #tpu.memory_space<hbm>>
          %dma_start3A_359 = arith.constant 0 : i32
          %dma_start3A_360 = tpu.memref_slice %arg2[%mul3A_357, %dma_start3A_359] : memref<320000x128xf32, #tpu.memory_space<hbm>> -> memref<80x128xf32, #tpu.memory_space<hbm>>
          tpu.enqueue_dma source(%dma_start3A_360 : memref<80x128xf32, #tpu.memory_space<hbm>>) target(%arg6 : memref<80x128xf32, #tpu.memory_space<vmem>>) target_semaphore(%arg17 : memref<!tpu.dma_semaphore, #tpu.memory_space<semaphore_mem>>)
          %dma_start3A_361 = tpu.memref_slice %arg3[%mul3A_357] : memref<320000xi32, #tpu.memory_space<hbm>> -> memref<80xi32, #tpu.memory_space<hbm>>
          %dma_start3A_362 = tpu.memref_slice %arg3[%mul3A_357] : memref<320000xi32, #tpu.memory_space<hbm>> -> memref<80xi32, #tpu.memory_space<hbm>>
          tpu.enqueue_dma source(%dma_start3A_362 : memref<80xi32, #tpu.memory_space<hbm>>) target(%arg10 : memref<80xi32, #tpu.memory_space<vmem>>) target_semaphore(%arg21 : memref<!tpu.dma_semaphore, #tpu.memory_space<semaphore_mem>>)
        } else {
        }
      } else {
      }
      %mul3A_241 = arith.constant 4 : i32
      %mul3A_242 = arith.muli %while3A_233, %mul3A_241 : i32
      %add3A_243 = arith.constant 1 : i32
      %add3A_244 = arith.addi %mul3A_242, %add3A_243 : i32
      %lt3A_245 = arith.cmpi slt, %add3A_244, %squeeze3A_5 : i32
      %convert_element_type3A_246 = arith.extui %lt3A_245 : i1 to i32
      %cond3A_247 = arith.constant 0 : i32
      %cond3A_248 = arith.cmpi ne, %convert_element_type3A_246, %cond3A_247 : i32
      scf.if %cond3A_248 {
        %dma_wait3A = arith.constant 0 : i32
        %dma_wait3A_265 = tpu.memref_slice %arg3[%dma_wait3A] : memref<320000xi32, #tpu.memory_space<hbm>> -> memref<80xi32, #tpu.memory_space<hbm>>
        %dma_wait3A_266 = arith.constant 0 : i32
        %dma_wait3A_267 = tpu.memref_slice %arg3[%dma_wait3A_266] : memref<320000xi32, #tpu.memory_space<hbm>> -> memref<80xi32, #tpu.memory_space<hbm>>
        tpu.wait_dma2 semaphore(%arg22 : memref<!tpu.dma_semaphore, #tpu.memory_space<semaphore_mem>>) src(%dma_wait3A_267 : memref<80xi32, #tpu.memory_space<hbm>>) dst(%arg11 : memref<80xi32, #tpu.memory_space<vmem>>)
        %get3A_268 = arith.constant 0 : index
        %get3A_269 = tpu.vector_load %arg11[%get3A_268] {strides = array<i32>} : memref<80xi32, #tpu.memory_space<vmem>>, vector<16xi32>,
        %get3A_270 = vector.shape_cast %get3A_269 : vector<16xi32> to vector<16xi32>
        %ge3A = vector.broadcast %mul3A_7 : i32 to vector<16xi32>
        %ge3A_271 = arith.cmpi sge, %get3A_270, %ge3A : vector<16xi32>
        %lt3A_272 = vector.broadcast %add3A_9 : i32 to vector<16xi32>
        %lt3A_273 = arith.cmpi slt, %get3A_270, %lt3A_272 : vector<16xi32>
        %and3A_274 = arith.andi %ge3A_271, %lt3A_273 : vector<16xi1>
        %jit3A_275 = arith.constant 10000 : i32
        %broadcast_in_dim3A_276 = vector.broadcast %jit3A_275 : i32 to vector<16xi32>
        %select_n3A_277 = arith.select %and3A_274, %get3A_270, %broadcast_in_dim3A_276 : vector<16xi1>, vector<16xi32>
        %swap3A = arith.constant 0 : index
        %swap3A_278 = tpu.vector_load %arg11[%swap3A] {strides = array<i32>} : memref<80xi32, #tpu.memory_space<vmem>>, vector<16xi32>,
        %swap3A_279 = vector.shape_cast %swap3A_278 : vector<16xi32> to vector<16xi32>
        %swap3A_280 = vector.shape_cast %select_n3A_277 : vector<16xi32> to vector<16xi32>
        tpu.vector_store %arg11[%swap3A], %swap3A_280 {strides = array<i32>} : memref<80xi32, #tpu.memory_space<vmem>>, vector<16xi32>,
        %get3A_281 = arith.constant 16 : index
        %get3A_282 = tpu.vector_load %arg11[%get3A_281] {strides = array<i32>} : memref<80xi32, #tpu.memory_space<vmem>>, vector<16xi32>,
        %get3A_283 = vector.shape_cast %get3A_282 : vector<16xi32> to vector<16xi32>
        %ge3A_284 = vector.broadcast %mul3A_7 : i32 to vector<16xi32>
        %ge3A_285 = arith.cmpi sge, %get3A_283, %ge3A_284 : vector<16xi32>
        %lt3A_286 = vector.broadcast %add3A_9 : i32 to vector<16xi32>
        %lt3A_287 = arith.cmpi slt, %get3A_283, %lt3A_286 : vector<16xi32>
        %and3A_288 = arith.andi %ge3A_285, %lt3A_287 : vector<16xi1>
        %jit3A_289 = arith.constant 10000 : i32
        %broadcast_in_dim3A_290 = vector.broadcast %jit3A_289 : i32 to vector<16xi32>
        %select_n3A_291 = arith.select %and3A_288, %get3A_283, %broadcast_in_dim3A_290 : vector<16xi1>, vector<16xi32>
        %swap3A_292 = arith.constant 16 : index
        %swap3A_293 = tpu.vector_load %arg11[%swap3A_292] {strides = array<i32>} : memref<80xi32, #tpu.memory_space<vmem>>, vector<16xi32>,
        %swap3A_294 = vector.shape_cast %swap3A_293 : vector<16xi32> to vector<16xi32>
        %swap3A_295 = vector.shape_cast %select_n3A_291 : vector<16xi32> to vector<16xi32>
        tpu.vector_store %arg11[%swap3A_292], %swap3A_295 {strides = array<i32>} : memref<80xi32, #tpu.memory_space<vmem>>, vector<16xi32>,
        %get3A_296 = arith.constant 32 : index
        %get3A_297 = tpu.vector_load %arg11[%get3A_296] {strides = array<i32>} : memref<80xi32, #tpu.memory_space<vmem>>, vector<16xi32>,
        %get3A_298 = vector.shape_cast %get3A_297 : vector<16xi32> to vector<16xi32>
        %ge3A_299 = vector.broadcast %mul3A_7 : i32 to vector<16xi32>
        %ge3A_300 = arith.cmpi sge, %get3A_298, %ge3A_299 : vector<16xi32>
        %lt3A_301 = vector.broadcast %add3A_9 : i32 to vector<16xi32>
        %lt3A_302 = arith.cmpi slt, %get3A_298, %lt3A_301 : vector<16xi32>
        %and3A_303 = arith.andi %ge3A_300, %lt3A_302 : vector<16xi1>
        %jit3A_304 = arith.constant 10000 : i32
        %broadcast_in_dim3A_305 = vector.broadcast %jit3A_304 : i32 to vector<16xi32>
        %select_n3A_306 = arith.select %and3A_303, %get3A_298, %broadcast_in_dim3A_305 : vector<16xi1>, vector<16xi32>
        %swap3A_307 = arith.constant 32 : index
        %swap3A_308 = tpu.vector_load %arg11[%swap3A_307] {strides = array<i32>} : memref<80xi32, #tpu.memory_space<vmem>>, vector<16xi32>,
        %swap3A_309 = vector.shape_cast %swap3A_308 : vector<16xi32> to vector<16xi32>
        %swap3A_310 = vector.shape_cast %select_n3A_306 : vector<16xi32> to vector<16xi32>
        tpu.vector_store %arg11[%swap3A_307], %swap3A_310 {strides = array<i32>} : memref<80xi32, #tpu.memory_space<vmem>>, vector<16xi32>,
        %get3A_311 = arith.constant 48 : index
        %get3A_312 = tpu.vector_load %arg11[%get3A_311] {strides = array<i32>} : memref<80xi32, #tpu.memory_space<vmem>>, vector<16xi32>,
        %get3A_313 = vector.shape_cast %get3A_312 : vector<16xi32> to vector<16xi32>
        %ge3A_314 = vector.broadcast %mul3A_7 : i32 to vector<16xi32>
        %ge3A_315 = arith.cmpi sge, %get3A_313, %ge3A_314 : vector<16xi32>
        %lt3A_316 = vector.broadcast %add3A_9 : i32 to vector<16xi32>
        %lt3A_317 = arith.cmpi slt, %get3A_313, %lt3A_316 : vector<16xi32>
        %and3A_318 = arith.andi %ge3A_315, %lt3A_317 : vector<16xi1>
        %jit3A_319 = arith.constant 10000 : i32
        %broadcast_in_dim3A_320 = vector.broadcast %jit3A_319 : i32 to vector<16xi32>
        %select_n3A_321 = arith.select %and3A_318, %get3A_313, %broadcast_in_dim3A_320 : vector<16xi1>, vector<16xi32>
        %swap3A_322 = arith.constant 48 : index
        %swap3A_323 = tpu.vector_load %arg11[%swap3A_322] {strides = array<i32>} : memref<80xi32, #tpu.memory_space<vmem>>, vector<16xi32>,
        %swap3A_324 = vector.shape_cast %swap3A_323 : vector<16xi32> to vector<16xi32>
        %swap3A_325 = vector.shape_cast %select_n3A_321 : vector<16xi32> to vector<16xi32>
        tpu.vector_store %arg11[%swap3A_322], %swap3A_325 {strides = array<i32>} : memref<80xi32, #tpu.memory_space<vmem>>, vector<16xi32>,
        %get3A_326 = arith.constant 64 : index
        %get3A_327 = tpu.vector_load %arg11[%get3A_326] {strides = array<i32>} : memref<80xi32, #tpu.memory_space<vmem>>, vector<16xi32>,
        %get3A_328 = vector.shape_cast %get3A_327 : vector<16xi32> to vector<16xi32>
        %ge3A_329 = vector.broadcast %mul3A_7 : i32 to vector<16xi32>
        %ge3A_330 = arith.cmpi sge, %get3A_328, %ge3A_329 : vector<16xi32>
        %lt3A_331 = vector.broadcast %add3A_9 : i32 to vector<16xi32>
        %lt3A_332 = arith.cmpi slt, %get3A_328, %lt3A_331 : vector<16xi32>
        %and3A_333 = arith.andi %ge3A_330, %lt3A_332 : vector<16xi1>
        %jit3A_334 = arith.constant 10000 : i32
        %broadcast_in_dim3A_335 = vector.broadcast %jit3A_334 : i32 to vector<16xi32>
        %select_n3A_336 = arith.select %and3A_333, %get3A_328, %broadcast_in_dim3A_335 : vector<16xi1>, vector<16xi32>
        %swap3A_337 = arith.constant 64 : index
        %swap3A_338 = tpu.vector_load %arg11[%swap3A_337] {strides = array<i32>} : memref<80xi32, #tpu.memory_space<vmem>>, vector<16xi32>,
        %swap3A_339 = vector.shape_cast %swap3A_338 : vector<16xi32> to vector<16xi32>
        %swap3A_340 = vector.shape_cast %select_n3A_336 : vector<16xi32> to vector<16xi32>
        tpu.vector_store %arg11[%swap3A_337], %swap3A_340 {strides = array<i32>} : memref<80xi32, #tpu.memory_space<vmem>>, vector<16xi32>,
        %dma_wait3A_341 = arith.constant 0 : i32
        %dma_wait3A_342 = arith.constant 0 : i32
        %dma_wait3A_343 = tpu.memref_slice %arg2[%dma_wait3A_341, %dma_wait3A_342] : memref<320000x128xf32, #tpu.memory_space<hbm>> -> memref<80x128xf32, #tpu.memory_space<hbm>>
        %dma_wait3A_344 = arith.constant 0 : i32
        %dma_wait3A_345 = arith.constant 0 : i32
        %dma_wait3A_346 = tpu.memref_slice %arg2[%dma_wait3A_344, %dma_wait3A_345] : memref<320000x128xf32, #tpu.memory_space<hbm>> -> memref<80x128xf32, #tpu.memory_space<hbm>>
        tpu.wait_dma2 semaphore(%arg18 : memref<!tpu.dma_semaphore, #tpu.memory_space<semaphore_mem>>) src(%dma_wait3A_346 : memref<80x128xf32, #tpu.memory_space<hbm>>) dst(%arg7 : memref<80x128xf32, #tpu.memory_space<vmem>>)
        "tpu.region"() ({
          %run_scoped3A = tpu.sem_alloc : memref<!tpu.dma_semaphore, #tpu.memory_space<semaphore_mem>>
          %dma_start3A = arith.constant 0 : i32
          %dma_start3A_353 = arith.constant 0 : i32
          %dma_start3A_354 = tpu.memref_slice %arg16[%dma_start3A, %dma_start3A_353] : memref<10240x128xf32, #tpu.memory_space<vmem_shared>> -> memref<10240x128xf32, #tpu.memory_space<vmem_shared>>
          tpu.enqueue_indirect_dma source(%arg7 : memref<80x128xf32, #tpu.memory_space<vmem>>) target(%dma_start3A_354 : memref<10240x128xf32, #tpu.memory_space<vmem_shared>>) offsets(%arg11 : memref<80xi32, #tpu.memory_space<vmem>>) semaphore(%run_scoped3A : memref<!tpu.dma_semaphore, #tpu.memory_space<semaphore_mem>>) {add = true}
          %dma_wait3A_355 = arith.constant 0 : i32
          %dma_wait3A_356 = arith.constant 0 : i32
          %dma_wait3A_357 = tpu.memref_slice %arg16[%dma_wait3A_355, %dma_wait3A_356] : memref<10240x128xf32, #tpu.memory_space<vmem_shared>> -> memref<10240x128xf32, #tpu.memory_space<vmem_shared>>
          tpu.wait_indirect_dma semaphore(%run_scoped3A : memref<!tpu.dma_semaphore, #tpu.memory_space<semaphore_mem>>) src(%arg7 : memref<80x128xf32, #tpu.memory_space<vmem>>) dst(%dma_wait3A_357 : memref<10240x128xf32, #tpu.memory_space<vmem_shared>>)
          tpu.yield
        }) : () -> ()
        %add3A_347 = arith.constant 4 : i32
        %add3A_348 = arith.addi %add3A_244, %add3A_347 : i32
        %lt3A_349 = arith.cmpi slt, %add3A_348, %squeeze3A_5 : i32
        %convert_element_type3A_350 = arith.extui %lt3A_349 : i1 to i32
        %cond3A_351 = arith.constant 0 : i32
        %cond3A_352 = arith.cmpi ne, %convert_element_type3A_350, %cond3A_351 : i32
        scf.if %cond3A_352 {
          %add3A_353 = arith.constant 4 : i32
          %add3A_354 = arith.addi %add3A_244, %add3A_353 : i32
          %add3A_355 = arith.addi %squeeze3A, %add3A_354 : i32
          %mul3A_356 = arith.constant 80 : i32
          %mul3A_357 = arith.muli %add3A_355, %mul3A_356 : i32
          %dma_start3A = arith.constant 0 : i32
          %dma_start3A_358 = tpu.memref_slice %arg2[%mul3A_357, %dma_start3A] : memref<320000x128xf32, #tpu.memory_space<hbm>> -> memref<80x128xf32, #tpu.memory_space<hbm>>
          %dma_start3A_359 = arith.constant 0 : i32
          %dma_start3A_360 = tpu.memref_slice %arg2[%mul3A_357, %dma_start3A_359] : memref<320000x128xf32, #tpu.memory_space<hbm>> -> memref<80x128xf32, #tpu.memory_space<hbm>>
          tpu.enqueue_dma source(%dma_start3A_360 : memref<80x128xf32, #tpu.memory_space<hbm>>) target(%arg7 : memref<80x128xf32, #tpu.memory_space<vmem>>) target_semaphore(%arg18 : memref<!tpu.dma_semaphore, #tpu.memory_space<semaphore_mem>>)
          %dma_start3A_361 = tpu.memref_slice %arg3[%mul3A_357] : memref<320000xi32, #tpu.memory_space<hbm>> -> memref<80xi32, #tpu.memory_space<hbm>>
          %dma_start3A_362 = tpu.memref_slice %arg3[%mul3A_357] : memref<320000xi32, #tpu.memory_space<hbm>> -> memref<80xi32, #tpu.memory_space<hbm>>
          tpu.enqueue_dma source(%dma_start3A_362 : memref<80xi32, #tpu.memory_space<hbm>>) target(%arg11 : memref<80xi32, #tpu.memory_space<vmem>>) target_semaphore(%arg22 : memref<!tpu.dma_semaphore, #tpu.memory_space<semaphore_mem>>)
        } else {
        }
      } else {
      }
      %mul3A_249 = arith.constant 4 : i32
      %mul3A_250 = arith.muli %while3A_233, %mul3A_249 : i32
      %add3A_251 = arith.constant 2 : i32
      %add3A_252 = arith.addi %mul3A_250, %add3A_251 : i32
      %lt3A_253 = arith.cmpi slt, %add3A_252, %squeeze3A_5 : i32
      %convert_element_type3A_254 = arith.extui %lt3A_253 : i1 to i32
      %cond3A_255 = arith.constant 0 : i32
      %cond3A_256 = arith.cmpi ne, %convert_element_type3A_254, %cond3A_255 : i32
      scf.if %cond3A_256 {
        %dma_wait3A = arith.constant 0 : i32
        %dma_wait3A_265 = tpu.memref_slice %arg3[%dma_wait3A] : memref<320000xi32, #tpu.memory_space<hbm>> -> memref<80xi32, #tpu.memory_space<hbm>>
        %dma_wait3A_266 = arith.constant 0 : i32
        %dma_wait3A_267 = tpu.memref_slice %arg3[%dma_wait3A_266] : memref<320000xi32, #tpu.memory_space<hbm>> -> memref<80xi32, #tpu.memory_space<hbm>>
        tpu.wait_dma2 semaphore(%arg23 : memref<!tpu.dma_semaphore, #tpu.memory_space<semaphore_mem>>) src(%dma_wait3A_267 : memref<80xi32, #tpu.memory_space<hbm>>) dst(%arg12 : memref<80xi32, #tpu.memory_space<vmem>>)
        %get3A_268 = arith.constant 0 : index
        %get3A_269 = tpu.vector_load %arg12[%get3A_268] {strides = array<i32>} : memref<80xi32, #tpu.memory_space<vmem>>, vector<16xi32>,
        %get3A_270 = vector.shape_cast %get3A_269 : vector<16xi32> to vector<16xi32>
        %ge3A = vector.broadcast %mul3A_7 : i32 to vector<16xi32>
        %ge3A_271 = arith.cmpi sge, %get3A_270, %ge3A : vector<16xi32>
        %lt3A_272 = vector.broadcast %add3A_9 : i32 to vector<16xi32>
        %lt3A_273 = arith.cmpi slt, %get3A_270, %lt3A_272 : vector<16xi32>
        %and3A_274 = arith.andi %ge3A_271, %lt3A_273 : vector<16xi1>
        %jit3A_275 = arith.constant 10000 : i32
        %broadcast_in_dim3A_276 = vector.broadcast %jit3A_275 : i32 to vector<16xi32>
        %select_n3A_277 = arith.select %and3A_274, %get3A_270, %broadcast_in_dim3A_276 : vector<16xi1>, vector<16xi32>
        %swap3A = arith.constant 0 : index
        %swap3A_278 = tpu.vector_load %arg12[%swap3A] {strides = array<i32>} : memref<80xi32, #tpu.memory_space<vmem>>, vector<16xi32>,
        %swap3A_279 = vector.shape_cast %swap3A_278 : vector<16xi32> to vector<16xi32>
        %swap3A_280 = vector.shape_cast %select_n3A_277 : vector<16xi32> to vector<16xi32>
        tpu.vector_store %arg12[%swap3A], %swap3A_280 {strides = array<i32>} : memref<80xi32, #tpu.memory_space<vmem>>, vector<16xi32>,
        %get3A_281 = arith.constant 16 : index
        %get3A_282 = tpu.vector_load %arg12[%get3A_281] {strides = array<i32>} : memref<80xi32, #tpu.memory_space<vmem>>, vector<16xi32>,
        %get3A_283 = vector.shape_cast %get3A_282 : vector<16xi32> to vector<16xi32>
        %ge3A_284 = vector.broadcast %mul3A_7 : i32 to vector<16xi32>
        %ge3A_285 = arith.cmpi sge, %get3A_283, %ge3A_284 : vector<16xi32>
        %lt3A_286 = vector.broadcast %add3A_9 : i32 to vector<16xi32>
        %lt3A_287 = arith.cmpi slt, %get3A_283, %lt3A_286 : vector<16xi32>
        %and3A_288 = arith.andi %ge3A_285, %lt3A_287 : vector<16xi1>
        %jit3A_289 = arith.constant 10000 : i32
        %broadcast_in_dim3A_290 = vector.broadcast %jit3A_289 : i32 to vector<16xi32>
        %select_n3A_291 = arith.select %and3A_288, %get3A_283, %broadcast_in_dim3A_290 : vector<16xi1>, vector<16xi32>
        %swap3A_292 = arith.constant 16 : index
        %swap3A_293 = tpu.vector_load %arg12[%swap3A_292] {strides = array<i32>} : memref<80xi32, #tpu.memory_space<vmem>>, vector<16xi32>,
        %swap3A_294 = vector.shape_cast %swap3A_293 : vector<16xi32> to vector<16xi32>
        %swap3A_295 = vector.shape_cast %select_n3A_291 : vector<16xi32> to vector<16xi32>
        tpu.vector_store %arg12[%swap3A_292], %swap3A_295 {strides = array<i32>} : memref<80xi32, #tpu.memory_space<vmem>>, vector<16xi32>,
        %get3A_296 = arith.constant 32 : index
        %get3A_297 = tpu.vector_load %arg12[%get3A_296] {strides = array<i32>} : memref<80xi32, #tpu.memory_space<vmem>>, vector<16xi32>,
        %get3A_298 = vector.shape_cast %get3A_297 : vector<16xi32> to vector<16xi32>
        %ge3A_299 = vector.broadcast %mul3A_7 : i32 to vector<16xi32>
        %ge3A_300 = arith.cmpi sge, %get3A_298, %ge3A_299 : vector<16xi32>
        %lt3A_301 = vector.broadcast %add3A_9 : i32 to vector<16xi32>
        %lt3A_302 = arith.cmpi slt, %get3A_298, %lt3A_301 : vector<16xi32>
        %and3A_303 = arith.andi %ge3A_300, %lt3A_302 : vector<16xi1>
        %jit3A_304 = arith.constant 10000 : i32
        %broadcast_in_dim3A_305 = vector.broadcast %jit3A_304 : i32 to vector<16xi32>
        %select_n3A_306 = arith.select %and3A_303, %get3A_298, %broadcast_in_dim3A_305 : vector<16xi1>, vector<16xi32>
        %swap3A_307 = arith.constant 32 : index
        %swap3A_308 = tpu.vector_load %arg12[%swap3A_307] {strides = array<i32>} : memref<80xi32, #tpu.memory_space<vmem>>, vector<16xi32>,
        %swap3A_309 = vector.shape_cast %swap3A_308 : vector<16xi32> to vector<16xi32>
        %swap3A_310 = vector.shape_cast %select_n3A_306 : vector<16xi32> to vector<16xi32>
        tpu.vector_store %arg12[%swap3A_307], %swap3A_310 {strides = array<i32>} : memref<80xi32, #tpu.memory_space<vmem>>, vector<16xi32>,
        %get3A_311 = arith.constant 48 : index
        %get3A_312 = tpu.vector_load %arg12[%get3A_311] {strides = array<i32>} : memref<80xi32, #tpu.memory_space<vmem>>, vector<16xi32>,
        %get3A_313 = vector.shape_cast %get3A_312 : vector<16xi32> to vector<16xi32>
        %ge3A_314 = vector.broadcast %mul3A_7 : i32 to vector<16xi32>
        %ge3A_315 = arith.cmpi sge, %get3A_313, %ge3A_314 : vector<16xi32>
        %lt3A_316 = vector.broadcast %add3A_9 : i32 to vector<16xi32>
        %lt3A_317 = arith.cmpi slt, %get3A_313, %lt3A_316 : vector<16xi32>
        %and3A_318 = arith.andi %ge3A_315, %lt3A_317 : vector<16xi1>
        %jit3A_319 = arith.constant 10000 : i32
        %broadcast_in_dim3A_320 = vector.broadcast %jit3A_319 : i32 to vector<16xi32>
        %select_n3A_321 = arith.select %and3A_318, %get3A_313, %broadcast_in_dim3A_320 : vector<16xi1>, vector<16xi32>
        %swap3A_322 = arith.constant 48 : index
        %swap3A_323 = tpu.vector_load %arg12[%swap3A_322] {strides = array<i32>} : memref<80xi32, #tpu.memory_space<vmem>>, vector<16xi32>,
        %swap3A_324 = vector.shape_cast %swap3A_323 : vector<16xi32> to vector<16xi32>
        %swap3A_325 = vector.shape_cast %select_n3A_321 : vector<16xi32> to vector<16xi32>
        tpu.vector_store %arg12[%swap3A_322], %swap3A_325 {strides = array<i32>} : memref<80xi32, #tpu.memory_space<vmem>>, vector<16xi32>,
        %get3A_326 = arith.constant 64 : index
        %get3A_327 = tpu.vector_load %arg12[%get3A_326] {strides = array<i32>} : memref<80xi32, #tpu.memory_space<vmem>>, vector<16xi32>,
        %get3A_328 = vector.shape_cast %get3A_327 : vector<16xi32> to vector<16xi32>
        %ge3A_329 = vector.broadcast %mul3A_7 : i32 to vector<16xi32>
        %ge3A_330 = arith.cmpi sge, %get3A_328, %ge3A_329 : vector<16xi32>
        %lt3A_331 = vector.broadcast %add3A_9 : i32 to vector<16xi32>
        %lt3A_332 = arith.cmpi slt, %get3A_328, %lt3A_331 : vector<16xi32>
        %and3A_333 = arith.andi %ge3A_330, %lt3A_332 : vector<16xi1>
        %jit3A_334 = arith.constant 10000 : i32
        %broadcast_in_dim3A_335 = vector.broadcast %jit3A_334 : i32 to vector<16xi32>
        %select_n3A_336 = arith.select %and3A_333, %get3A_328, %broadcast_in_dim3A_335 : vector<16xi1>, vector<16xi32>
        %swap3A_337 = arith.constant 64 : index
        %swap3A_338 = tpu.vector_load %arg12[%swap3A_337] {strides = array<i32>} : memref<80xi32, #tpu.memory_space<vmem>>, vector<16xi32>,
        %swap3A_339 = vector.shape_cast %swap3A_338 : vector<16xi32> to vector<16xi32>
        %swap3A_340 = vector.shape_cast %select_n3A_336 : vector<16xi32> to vector<16xi32>
        tpu.vector_store %arg12[%swap3A_337], %swap3A_340 {strides = array<i32>} : memref<80xi32, #tpu.memory_space<vmem>>, vector<16xi32>,
        %dma_wait3A_341 = arith.constant 0 : i32
        %dma_wait3A_342 = arith.constant 0 : i32
        %dma_wait3A_343 = tpu.memref_slice %arg2[%dma_wait3A_341, %dma_wait3A_342] : memref<320000x128xf32, #tpu.memory_space<hbm>> -> memref<80x128xf32, #tpu.memory_space<hbm>>
        %dma_wait3A_344 = arith.constant 0 : i32
        %dma_wait3A_345 = arith.constant 0 : i32
        %dma_wait3A_346 = tpu.memref_slice %arg2[%dma_wait3A_344, %dma_wait3A_345] : memref<320000x128xf32, #tpu.memory_space<hbm>> -> memref<80x128xf32, #tpu.memory_space<hbm>>
        tpu.wait_dma2 semaphore(%arg19 : memref<!tpu.dma_semaphore, #tpu.memory_space<semaphore_mem>>) src(%dma_wait3A_346 : memref<80x128xf32, #tpu.memory_space<hbm>>) dst(%arg8 : memref<80x128xf32, #tpu.memory_space<vmem>>)
        "tpu.region"() ({
          %run_scoped3A = tpu.sem_alloc : memref<!tpu.dma_semaphore, #tpu.memory_space<semaphore_mem>>
          %dma_start3A = arith.constant 0 : i32
          %dma_start3A_353 = arith.constant 0 : i32
          %dma_start3A_354 = tpu.memref_slice %arg16[%dma_start3A, %dma_start3A_353] : memref<10240x128xf32, #tpu.memory_space<vmem_shared>> -> memref<10240x128xf32, #tpu.memory_space<vmem_shared>>
          tpu.enqueue_indirect_dma source(%arg8 : memref<80x128xf32, #tpu.memory_space<vmem>>) target(%dma_start3A_354 : memref<10240x128xf32, #tpu.memory_space<vmem_shared>>) offsets(%arg12 : memref<80xi32, #tpu.memory_space<vmem>>) semaphore(%run_scoped3A : memref<!tpu.dma_semaphore, #tpu.memory_space<semaphore_mem>>) {add = true}
          %dma_wait3A_355 = arith.constant 0 : i32
          %dma_wait3A_356 = arith.constant 0 : i32
          %dma_wait3A_357 = tpu.memref_slice %arg16[%dma_wait3A_355, %dma_wait3A_356] : memref<10240x128xf32, #tpu.memory_space<vmem_shared>> -> memref<10240x128xf32, #tpu.memory_space<vmem_shared>>
          tpu.wait_indirect_dma semaphore(%run_scoped3A : memref<!tpu.dma_semaphore, #tpu.memory_space<semaphore_mem>>) src(%arg8 : memref<80x128xf32, #tpu.memory_space<vmem>>) dst(%dma_wait3A_357 : memref<10240x128xf32, #tpu.memory_space<vmem_shared>>)
          tpu.yield
        }) : () -> ()
        %add3A_347 = arith.constant 4 : i32
        %add3A_348 = arith.addi %add3A_252, %add3A_347 : i32
        %lt3A_349 = arith.cmpi slt, %add3A_348, %squeeze3A_5 : i32
        %convert_element_type3A_350 = arith.extui %lt3A_349 : i1 to i32
        %cond3A_351 = arith.constant 0 : i32
        %cond3A_352 = arith.cmpi ne, %convert_element_type3A_350, %cond3A_351 : i32
        scf.if %cond3A_352 {
          %add3A_353 = arith.constant 4 : i32
          %add3A_354 = arith.addi %add3A_252, %add3A_353 : i32
          %add3A_355 = arith.addi %squeeze3A, %add3A_354 : i32
          %mul3A_356 = arith.constant 80 : i32
          %mul3A_357 = arith.muli %add3A_355, %mul3A_356 : i32
          %dma_start3A = arith.constant 0 : i32
          %dma_start3A_358 = tpu.memref_slice %arg2[%mul3A_357, %dma_start3A] : memref<320000x128xf32, #tpu.memory_space<hbm>> -> memref<80x128xf32, #tpu.memory_space<hbm>>
          %dma_start3A_359 = arith.constant 0 : i32
          %dma_start3A_360 = tpu.memref_slice %arg2[%mul3A_357, %dma_start3A_359] : memref<320000x128xf32, #tpu.memory_space<hbm>> -> memref<80x128xf32, #tpu.memory_space<hbm>>
          tpu.enqueue_dma source(%dma_start3A_360 : memref<80x128xf32, #tpu.memory_space<hbm>>) target(%arg8 : memref<80x128xf32, #tpu.memory_space<vmem>>) target_semaphore(%arg19 : memref<!tpu.dma_semaphore, #tpu.memory_space<semaphore_mem>>)
          %dma_start3A_361 = tpu.memref_slice %arg3[%mul3A_357] : memref<320000xi32, #tpu.memory_space<hbm>> -> memref<80xi32, #tpu.memory_space<hbm>>
          %dma_start3A_362 = tpu.memref_slice %arg3[%mul3A_357] : memref<320000xi32, #tpu.memory_space<hbm>> -> memref<80xi32, #tpu.memory_space<hbm>>
          tpu.enqueue_dma source(%dma_start3A_362 : memref<80xi32, #tpu.memory_space<hbm>>) target(%arg12 : memref<80xi32, #tpu.memory_space<vmem>>) target_semaphore(%arg23 : memref<!tpu.dma_semaphore, #tpu.memory_space<semaphore_mem>>)
        } else {
        }
      } else {
      }
      %mul3A_257 = arith.constant 4 : i32
      %mul3A_258 = arith.muli %while3A_233, %mul3A_257 : i32
      %add3A_259 = arith.constant 3 : i32
      %add3A_260 = arith.addi %mul3A_258, %add3A_259 : i32
      %lt3A_261 = arith.cmpi slt, %add3A_260, %squeeze3A_5 : i32
      %convert_element_type3A_262 = arith.extui %lt3A_261 : i1 to i32
      %cond3A_263 = arith.constant 0 : i32
      %cond3A_264 = arith.cmpi ne, %convert_element_type3A_262, %cond3A_263 : i32
      scf.if %cond3A_264 {
        %dma_wait3A = arith.constant 0 : i32
        %dma_wait3A_265 = tpu.memref_slice %arg3[%dma_wait3A] : memref<320000xi32, #tpu.memory_space<hbm>> -> memref<80xi32, #tpu.memory_space<hbm>>
        %dma_wait3A_266 = arith.constant 0 : i32
        %dma_wait3A_267 = tpu.memref_slice %arg3[%dma_wait3A_266] : memref<320000xi32, #tpu.memory_space<hbm>> -> memref<80xi32, #tpu.memory_space<hbm>>
        tpu.wait_dma2 semaphore(%arg24 : memref<!tpu.dma_semaphore, #tpu.memory_space<semaphore_mem>>) src(%dma_wait3A_267 : memref<80xi32, #tpu.memory_space<hbm>>) dst(%arg13 : memref<80xi32, #tpu.memory_space<vmem>>)
        %get3A_268 = arith.constant 0 : index
        %get3A_269 = tpu.vector_load %arg13[%get3A_268] {strides = array<i32>} : memref<80xi32, #tpu.memory_space<vmem>>, vector<16xi32>,
        %get3A_270 = vector.shape_cast %get3A_269 : vector<16xi32> to vector<16xi32>
        %ge3A = vector.broadcast %mul3A_7 : i32 to vector<16xi32>
        %ge3A_271 = arith.cmpi sge, %get3A_270, %ge3A : vector<16xi32>
        %lt3A_272 = vector.broadcast %add3A_9 : i32 to vector<16xi32>
        %lt3A_273 = arith.cmpi slt, %get3A_270, %lt3A_272 : vector<16xi32>
        %and3A_274 = arith.andi %ge3A_271, %lt3A_273 : vector<16xi1>
        %jit3A_275 = arith.constant 10000 : i32
        %broadcast_in_dim3A_276 = vector.broadcast %jit3A_275 : i32 to vector<16xi32>
        %select_n3A_277 = arith.select %and3A_274, %get3A_270, %broadcast_in_dim3A_276 : vector<16xi1>, vector<16xi32>
        %swap3A = arith.constant 0 : index
        %swap3A_278 = tpu.vector_load %arg13[%swap3A] {strides = array<i32>} : memref<80xi32, #tpu.memory_space<vmem>>, vector<16xi32>,
        %swap3A_279 = vector.shape_cast %swap3A_278 : vector<16xi32> to vector<16xi32>
        %swap3A_280 = vector.shape_cast %select_n3A_277 : vector<16xi32> to vector<16xi32>
        tpu.vector_store %arg13[%swap3A], %swap3A_280 {strides = array<i32>} : memref<80xi32, #tpu.memory_space<vmem>>, vector<16xi32>,
        %get3A_281 = arith.constant 16 : index
        %get3A_282 = tpu.vector_load %arg13[%get3A_281] {strides = array<i32>} : memref<80xi32, #tpu.memory_space<vmem>>, vector<16xi32>,
        %get3A_283 = vector.shape_cast %get3A_282 : vector<16xi32> to vector<16xi32>
        %ge3A_284 = vector.broadcast %mul3A_7 : i32 to vector<16xi32>
        %ge3A_285 = arith.cmpi sge, %get3A_283, %ge3A_284 : vector<16xi32>
        %lt3A_286 = vector.broadcast %add3A_9 : i32 to vector<16xi32>
        %lt3A_287 = arith.cmpi slt, %get3A_283, %lt3A_286 : vector<16xi32>
        %and3A_288 = arith.andi %ge3A_285, %lt3A_287 : vector<16xi1>
        %jit3A_289 = arith.constant 10000 : i32
        %broadcast_in_dim3A_290 = vector.broadcast %jit3A_289 : i32 to vector<16xi32>
        %select_n3A_291 = arith.select %and3A_288, %get3A_283, %broadcast_in_dim3A_290 : vector<16xi1>, vector<16xi32>
        %swap3A_292 = arith.constant 16 : index
        %swap3A_293 = tpu.vector_load %arg13[%swap3A_292] {strides = array<i32>} : memref<80xi32, #tpu.memory_space<vmem>>, vector<16xi32>,
        %swap3A_294 = vector.shape_cast %swap3A_293 : vector<16xi32> to vector<16xi32>
        %swap3A_295 = vector.shape_cast %select_n3A_291 : vector<16xi32> to vector<16xi32>
        tpu.vector_store %arg13[%swap3A_292], %swap3A_295 {strides = array<i32>} : memref<80xi32, #tpu.memory_space<vmem>>, vector<16xi32>,
        %get3A_296 = arith.constant 32 : index
        %get3A_297 = tpu.vector_load %arg13[%get3A_296] {strides = array<i32>} : memref<80xi32, #tpu.memory_space<vmem>>, vector<16xi32>,
        %get3A_298 = vector.shape_cast %get3A_297 : vector<16xi32> to vector<16xi32>
        %ge3A_299 = vector.broadcast %mul3A_7 : i32 to vector<16xi32>
        %ge3A_300 = arith.cmpi sge, %get3A_298, %ge3A_299 : vector<16xi32>
        %lt3A_301 = vector.broadcast %add3A_9 : i32 to vector<16xi32>
        %lt3A_302 = arith.cmpi slt, %get3A_298, %lt3A_301 : vector<16xi32>
        %and3A_303 = arith.andi %ge3A_300, %lt3A_302 : vector<16xi1>
        %jit3A_304 = arith.constant 10000 : i32
        %broadcast_in_dim3A_305 = vector.broadcast %jit3A_304 : i32 to vector<16xi32>
        %select_n3A_306 = arith.select %and3A_303, %get3A_298, %broadcast_in_dim3A_305 : vector<16xi1>, vector<16xi32>
        %swap3A_307 = arith.constant 32 : index
        %swap3A_308 = tpu.vector_load %arg13[%swap3A_307] {strides = array<i32>} : memref<80xi32, #tpu.memory_space<vmem>>, vector<16xi32>,
        %swap3A_309 = vector.shape_cast %swap3A_308 : vector<16xi32> to vector<16xi32>
        %swap3A_310 = vector.shape_cast %select_n3A_306 : vector<16xi32> to vector<16xi32>
        tpu.vector_store %arg13[%swap3A_307], %swap3A_310 {strides = array<i32>} : memref<80xi32, #tpu.memory_space<vmem>>, vector<16xi32>,
        %get3A_311 = arith.constant 48 : index
        %get3A_312 = tpu.vector_load %arg13[%get3A_311] {strides = array<i32>} : memref<80xi32, #tpu.memory_space<vmem>>, vector<16xi32>,
        %get3A_313 = vector.shape_cast %get3A_312 : vector<16xi32> to vector<16xi32>
        %ge3A_314 = vector.broadcast %mul3A_7 : i32 to vector<16xi32>
        %ge3A_315 = arith.cmpi sge, %get3A_313, %ge3A_314 : vector<16xi32>
        %lt3A_316 = vector.broadcast %add3A_9 : i32 to vector<16xi32>
        %lt3A_317 = arith.cmpi slt, %get3A_313, %lt3A_316 : vector<16xi32>
        %and3A_318 = arith.andi %ge3A_315, %lt3A_317 : vector<16xi1>
        %jit3A_319 = arith.constant 10000 : i32
        %broadcast_in_dim3A_320 = vector.broadcast %jit3A_319 : i32 to vector<16xi32>
        %select_n3A_321 = arith.select %and3A_318, %get3A_313, %broadcast_in_dim3A_320 : vector<16xi1>, vector<16xi32>
        %swap3A_322 = arith.constant 48 : index
        %swap3A_323 = tpu.vector_load %arg13[%swap3A_322] {strides = array<i32>} : memref<80xi32, #tpu.memory_space<vmem>>, vector<16xi32>,
        %swap3A_324 = vector.shape_cast %swap3A_323 : vector<16xi32> to vector<16xi32>
        %swap3A_325 = vector.shape_cast %select_n3A_321 : vector<16xi32> to vector<16xi32>
        tpu.vector_store %arg13[%swap3A_322], %swap3A_325 {strides = array<i32>} : memref<80xi32, #tpu.memory_space<vmem>>, vector<16xi32>,
        %get3A_326 = arith.constant 64 : index
        %get3A_327 = tpu.vector_load %arg13[%get3A_326] {strides = array<i32>} : memref<80xi32, #tpu.memory_space<vmem>>, vector<16xi32>,
        %get3A_328 = vector.shape_cast %get3A_327 : vector<16xi32> to vector<16xi32>
        %ge3A_329 = vector.broadcast %mul3A_7 : i32 to vector<16xi32>
        %ge3A_330 = arith.cmpi sge, %get3A_328, %ge3A_329 : vector<16xi32>
        %lt3A_331 = vector.broadcast %add3A_9 : i32 to vector<16xi32>
        %lt3A_332 = arith.cmpi slt, %get3A_328, %lt3A_331 : vector<16xi32>
        %and3A_333 = arith.andi %ge3A_330, %lt3A_332 : vector<16xi1>
        %jit3A_334 = arith.constant 10000 : i32
        %broadcast_in_dim3A_335 = vector.broadcast %jit3A_334 : i32 to vector<16xi32>
        %select_n3A_336 = arith.select %and3A_333, %get3A_328, %broadcast_in_dim3A_335 : vector<16xi1>, vector<16xi32>
        %swap3A_337 = arith.constant 64 : index
        %swap3A_338 = tpu.vector_load %arg13[%swap3A_337] {strides = array<i32>} : memref<80xi32, #tpu.memory_space<vmem>>, vector<16xi32>,
        %swap3A_339 = vector.shape_cast %swap3A_338 : vector<16xi32> to vector<16xi32>
        %swap3A_340 = vector.shape_cast %select_n3A_336 : vector<16xi32> to vector<16xi32>
        tpu.vector_store %arg13[%swap3A_337], %swap3A_340 {strides = array<i32>} : memref<80xi32, #tpu.memory_space<vmem>>, vector<16xi32>,
        %dma_wait3A_341 = arith.constant 0 : i32
        %dma_wait3A_342 = arith.constant 0 : i32
        %dma_wait3A_343 = tpu.memref_slice %arg2[%dma_wait3A_341, %dma_wait3A_342] : memref<320000x128xf32, #tpu.memory_space<hbm>> -> memref<80x128xf32, #tpu.memory_space<hbm>>
        %dma_wait3A_344 = arith.constant 0 : i32
        %dma_wait3A_345 = arith.constant 0 : i32
        %dma_wait3A_346 = tpu.memref_slice %arg2[%dma_wait3A_344, %dma_wait3A_345] : memref<320000x128xf32, #tpu.memory_space<hbm>> -> memref<80x128xf32, #tpu.memory_space<hbm>>
        tpu.wait_dma2 semaphore(%arg20 : memref<!tpu.dma_semaphore, #tpu.memory_space<semaphore_mem>>) src(%dma_wait3A_346 : memref<80x128xf32, #tpu.memory_space<hbm>>) dst(%arg9 : memref<80x128xf32, #tpu.memory_space<vmem>>)
        "tpu.region"() ({
          %run_scoped3A = tpu.sem_alloc : memref<!tpu.dma_semaphore, #tpu.memory_space<semaphore_mem>>
          %dma_start3A = arith.constant 0 : i32
          %dma_start3A_353 = arith.constant 0 : i32
          %dma_start3A_354 = tpu.memref_slice %arg16[%dma_start3A, %dma_start3A_353] : memref<10240x128xf32, #tpu.memory_space<vmem_shared>> -> memref<10240x128xf32, #tpu.memory_space<vmem_shared>>
          tpu.enqueue_indirect_dma source(%arg9 : memref<80x128xf32, #tpu.memory_space<vmem>>) target(%dma_start3A_354 : memref<10240x128xf32, #tpu.memory_space<vmem_shared>>) offsets(%arg13 : memref<80xi32, #tpu.memory_space<vmem>>) semaphore(%run_scoped3A : memref<!tpu.dma_semaphore, #tpu.memory_space<semaphore_mem>>) {add = true}
          %dma_wait3A_355 = arith.constant 0 : i32
          %dma_wait3A_356 = arith.constant 0 : i32
          %dma_wait3A_357 = tpu.memref_slice %arg16[%dma_wait3A_355, %dma_wait3A_356] : memref<10240x128xf32, #tpu.memory_space<vmem_shared>> -> memref<10240x128xf32, #tpu.memory_space<vmem_shared>>
          tpu.wait_indirect_dma semaphore(%run_scoped3A : memref<!tpu.dma_semaphore, #tpu.memory_space<semaphore_mem>>) src(%arg9 : memref<80x128xf32, #tpu.memory_space<vmem>>) dst(%dma_wait3A_357 : memref<10240x128xf32, #tpu.memory_space<vmem_shared>>)
          tpu.yield
        }) : () -> ()
        %add3A_347 = arith.constant 4 : i32
        %add3A_348 = arith.addi %add3A_260, %add3A_347 : i32
        %lt3A_349 = arith.cmpi slt, %add3A_348, %squeeze3A_5 : i32
        %convert_element_type3A_350 = arith.extui %lt3A_349 : i1 to i32
        %cond3A_351 = arith.constant 0 : i32
        %cond3A_352 = arith.cmpi ne, %convert_element_type3A_350, %cond3A_351 : i32
        scf.if %cond3A_352 {
          %add3A_353 = arith.constant 4 : i32
          %add3A_354 = arith.addi %add3A_260, %add3A_353 : i32
          %add3A_355 = arith.addi %squeeze3A, %add3A_354 : i32
          %mul3A_356 = arith.constant 80 : i32
          %mul3A_357 = arith.muli %add3A_355, %mul3A_356 : i32
          %dma_start3A = arith.constant 0 : i32
          %dma_start3A_358 = tpu.memref_slice %arg2[%mul3A_357, %dma_start3A] : memref<320000x128xf32, #tpu.memory_space<hbm>> -> memref<80x128xf32, #tpu.memory_space<hbm>>
          %dma_start3A_359 = arith.constant 0 : i32
          %dma_start3A_360 = tpu.memref_slice %arg2[%mul3A_357, %dma_start3A_359] : memref<320000x128xf32, #tpu.memory_space<hbm>> -> memref<80x128xf32, #tpu.memory_space<hbm>>
          tpu.enqueue_dma source(%dma_start3A_360 : memref<80x128xf32, #tpu.memory_space<hbm>>) target(%arg9 : memref<80x128xf32, #tpu.memory_space<vmem>>) target_semaphore(%arg20 : memref<!tpu.dma_semaphore, #tpu.memory_space<semaphore_mem>>)
          %dma_start3A_361 = tpu.memref_slice %arg3[%mul3A_357] : memref<320000xi32, #tpu.memory_space<hbm>> -> memref<80xi32, #tpu.memory_space<hbm>>
          %dma_start3A_362 = tpu.memref_slice %arg3[%mul3A_357] : memref<320000xi32, #tpu.memory_space<hbm>> -> memref<80xi32, #tpu.memory_space<hbm>>
          tpu.enqueue_dma source(%dma_start3A_362 : memref<80xi32, #tpu.memory_space<hbm>>) target(%arg13 : memref<80xi32, #tpu.memory_space<vmem>>) target_semaphore(%arg24 : memref<!tpu.dma_semaphore, #tpu.memory_space<semaphore_mem>>)
        } else {
        }
      } else {
      }
    }
    %barrier3A_222 = arith.constant 0 : index
    tpu.barrier barrier_id(%barrier3A_222)
    %mul3A_223 = arith.constant 312 : i32
    %mul3A_224 = arith.muli %arg1, %mul3A_223 : i32
    %add3A_225 = arith.addi %mul3A_7, %mul3A_224 : i32
    %mul3A_226 = arith.constant 312 : i32
    %mul3A_227 = arith.muli %arg1, %mul3A_226 : i32
    %add3A_228 = arith.addi %mul3A_7, %mul3A_227 : i32
    "tpu.region"() ({
      %run_scoped3A = tpu.sem_alloc : memref<!tpu.dma_semaphore, #tpu.memory_space<semaphore_mem>>
      %dma_start3A = arith.constant 0 : i32
      %dma_start3A_233 = tpu.memref_slice %arg5[%add3A_228, %dma_start3A] : memref<10000x128xf32, #tpu.memory_space<hbm>> -> memref<312x128xf32, #tpu.memory_space<hbm>>
      %dma_start3A_234 = arith.constant 0 : i32
      %dma_start3A_235 = tpu.memref_slice %arg16[%add3A_225, %dma_start3A_234] : memref<10240x128xf32, #tpu.memory_space<vmem_shared>> -> memref<312x128xf32, #tpu.memory_space<vmem_shared>>
      tpu.enqueue_dma source(%dma_start3A_235 : memref<312x128xf32, #tpu.memory_space<vmem_shared>>) target(%dma_start3A_233 : memref<312x128xf32, #tpu.memory_space<hbm>>) target_semaphore(%run_scoped3A : memref<!tpu.dma_semaphore, #tpu.memory_space<semaphore_mem>>)
      %dma_wait3A = arith.constant 0 : i32
      %dma_wait3A_236 = tpu.memref_slice %arg5[%add3A_228, %dma_wait3A] : memref<10000x128xf32, #tpu.memory_space<hbm>> -> memref<312x128xf32, #tpu.memory_space<hbm>>
      %dma_wait3A_237 = arith.constant 0 : i32
      %dma_wait3A_238 = tpu.memref_slice %arg16[%add3A_225, %dma_wait3A_237] : memref<10240x128xf32, #tpu.memory_space<vmem_shared>> -> memref<312x128xf32, #tpu.memory_space<vmem_shared>>
      tpu.wait_dma2 semaphore(%run_scoped3A : memref<!tpu.dma_semaphore, #tpu.memory_space<semaphore_mem>>) src(%dma_wait3A_238 : memref<312x128xf32, #tpu.memory_space<vmem_shared>>) dst(%dma_wait3A_236 : memref<312x128xf32, #tpu.memory_space<hbm>>)
      tpu.yield
    }) : () -> ()
    %eq3A = arith.constant 15 : i32
    %eq3A_229 = arith.cmpi eq, %arg1, %eq3A : i32
    %convert_element_type3A_230 = arith.extui %eq3A_229 : i1 to i32
    %cond3A_231 = arith.constant 0 : i32
    %cond3A_232 = arith.cmpi ne, %convert_element_type3A_230, %cond3A_231 : i32
    scf.if %cond3A_232 {
      %add3A_233 = arith.constant 4992 : i32
      %add3A_234 = arith.addi %mul3A_7, %add3A_233 : i32
      %add3A_235 = arith.constant 4992 : i32
      %add3A_236 = arith.addi %mul3A_7, %add3A_235 : i32
      "tpu.region"() ({
        %run_scoped3A = tpu.sem_alloc : memref<!tpu.dma_semaphore, #tpu.memory_space<semaphore_mem>>
        %dma_start3A = arith.constant 0 : i32
        %dma_start3A_237 = tpu.memref_slice %arg5[%add3A_236, %dma_start3A] : memref<10000x128xf32, #tpu.memory_space<hbm>> -> memref<8x128xf32, #tpu.memory_space<hbm>>
        %dma_start3A_238 = arith.constant 0 : i32
        %dma_start3A_239 = tpu.memref_slice %arg16[%add3A_234, %dma_start3A_238] : memref<10240x128xf32, #tpu.memory_space<vmem_shared>> -> memref<8x128xf32, #tpu.memory_space<vmem_shared>>
        tpu.enqueue_dma source(%dma_start3A_239 : memref<8x128xf32, #tpu.memory_space<vmem_shared>>) target(%dma_start3A_237 : memref<8x128xf32, #tpu.memory_space<hbm>>) target_semaphore(%run_scoped3A : memref<!tpu.dma_semaphore, #tpu.memory_space<semaphore_mem>>)
        %dma_wait3A = arith.constant 0 : i32
        %dma_wait3A_240 = tpu.memref_slice %arg5[%add3A_236, %dma_wait3A] : memref<10000x128xf32, #tpu.memory_space<hbm>> -> memref<8x128xf32, #tpu.memory_space<hbm>>
        %dma_wait3A_241 = arith.constant 0 : i32
        %dma_wait3A_242 = tpu.memref_slice %arg16[%add3A_234, %dma_wait3A_241] : memref<10240x128xf32, #tpu.memory_space<vmem_shared>> -> memref<8x128xf32, #tpu.memory_space<vmem_shared>>
        tpu.wait_dma2 semaphore(%run_scoped3A : memref<!tpu.dma_semaphore, #tpu.memory_space<semaphore_mem>>) src(%dma_wait3A_242 : memref<8x128xf32, #tpu.memory_space<vmem_shared>>) dst(%dma_wait3A_240 : memref<8x128xf32, #tpu.memory_space<hbm>>)
        tpu.yield
      }) : () -> ()
    } else {
    }
    return
  }
}

</mosaic_0001>

<sc_bundles>
// kernel: kernel.3.cloned.1.call-start
scs
__scs_entry_jumppad:
0x0: {  	(pc) =	sbr.rel $0x88, $3  }
0x1: {  	(tag) =	ssettag $0x0;
	lr =	simm.s32 $0x1  }
0x2: {  	[smem:$0x3F9F] =	sst lr;
	_ =	strace $0xD0000000  }
0x3: {  	_ = 	snop  }
0x4: {  	_ = 	snop  }
0x5: {  	_ = 	snop  }
0x6: {  	_ = 	snop  }
0x7: {  	_ = 	snop  }
__scs_overlays_trampoline_lowered:
0x8: {  	[smem:$0x3FAE] =	sst s0  }
0x9: {  	[smem:$0x3FAF] =	sst s1  }
0xa: {  	[smem:$0x3FB0] =	sst s2  }
0xb: {  	[smem:$0x3FB1] =	sst s3  }
0xc: {  	[smem:$0x3FB2] =	sst s4  }
0xd: {  	[smem:$0x3FB3] =	sst s5  }
0xe: {  	[smem:$0x3FB4] =	sst s6  }
0xf: {  	[smem:$0x3FB5] =	sst s7  }
0x10: {  	[smem:$0x3FB6] =	sst s8  }
0x11: {  	[smem:$0x3FB7] =	sst s9;
	s0 =	simm.s32 @!p0 $0x0  }
0x12: {  	s1 =	sld [smem:$0x3F9D];
	s0 =	simm.s32 @p0 $0x1  }
0x13: {  	[smem:$0x3FB8] =	sst s0;
	s0 =	simm.s32 @!p1 $0x0  }
0x14: {  	s2 =	sld [smem:$0x3F9C];
	s0 =	simm.s32 @p1 $0x1  }
0x15: {  	[smem:$0x3FB9] =	sst s0;
	s0 =	simm.s32 @!p2 $0x0  }
0x16: {  	s3 =	sld [smem:$0x3FDB];
	s0 =	simm.s32 @p2 $0x1  }
0x17: {  	s4 =	simm.s32 $0x1BF5;
	[smem:$0x3FBB] =	sst s0  }
0x18: {  	s0 =	sld [smem:$0x3F9E];
	_ =	swait.ge [sflag:s4], $0x0  }
0x19: {  	s7 =	sld [smem:$0x3F9F]  }
0x1a: {  	s8 =	sadd.s32 $0xFFFFE003, lr  }
0x1b: {  	s9 =	sadd.s32 $0xFFFFFEF7, lr;
	s5 =	simm.s32 $0xFFFFFFFF;
	p2 =	slt.u32 s8, $0xFFFFF086  }
0x1c: {  	p1 =	slt.u32 s9, $0xF7A;
	s5 =	simm.s32 @!p2 $0x0  }
0x1d: {  	s5 =	simm.s32 @p1 $0x1;
	p0 =	seq.s32 s7, s2  }
0x1e: {  	s7 =	smul.u32 @!p0 $0xF7A, s2;
	p2 =	seq.s32 @!p0 s5, $0x0  }
0x1f: {  	s9 =	smul.u32 $0xF7A, s1;
	s8 =	simm.s32 @!p0 $0x1BF5;
	p2 =	por !p2, p0  }
0x20: {  	[sflag:s8] =	ssyncset.s32 @!p0 $0xFFFFF086;
	s6 =	sadd.s32 @!p0 s3, s7;
	s7 =	simm.s32 @!p0 $0x108  }
0x21: {  	s3 =	sadd.s32 s3, s9;
	s6 =	sadd.s32 @!p0 $0x88, s6;
	s7 =	simm.s32 @p2 $0x1082  }
0x22: {  	[simem:s7], [sflag:s8] =	dma.local @!p0 [hbm:s6], $0xF7A  }
0x23: {  	s9 =	sor.u32 $0xD0000000, s2;
	s6 =	simm.s32 $0x108;
	_ =	swait.ge @!p0 [sflag:s8], $0x0  }
0x24: {  	s3 =	sadd.s32 $0x88, s3;
	s6 =	simm.s32 @!p1 $0x1082;
	[sflag:s4] =	ssyncset.s32 $0xFFFFF086  }
0x25: {  	[simem:s6], [sflag:s4] =	dma.local [hbm:s3], $0xF7A  }
0x26: {  	[smem:$0x3F9F] =	sst s1;
	(tag) =	ssettag s2;
	_ =	strace s9  }
0x27: {  	s1 =	sld [smem:$0x3FAF]  }
0x28: {  	s2 =	sld [smem:$0x3FB0]  }
0x29: {  	s4 =	sld [smem:$0x3FB2]  }
0x2a: {  	p0 =	seq.s32 s5, $0x0;
	s5 =	sld [smem:$0x3FB3]  }
0x2b: {  	s6 =	sld [smem:$0x3FB4]  }
0x2c: {  	s7 =	sld [smem:$0x3FB5]  }
0x2d: {  	s3 =	simm.s32 $0x108;
	s8 =	sld [smem:$0x3FB6]  }
0x2e: {  	s3 =	simm.s32 @!p0 $0x1082;
	s9 =	sld [smem:$0x3FB7]  }
0x2f: {  	lr =	sadd.s32 s0, s3;
	s0 =	sld [smem:$0x3FAE]  }
0x30: {  	s3 =	sld [smem:$0x3FB1]  }
0x31: {  	[smem:$0x3FBA] =	sst s10  }
0x32: {  	s10 =	sld [smem:$0x3FB8];
	_ =	sdelay $0x3  }
0x33: {  	p0 =	seq.s32 s10, $0x1;
	s10 =	sld [smem:$0x3FBA];
	_ =	sdelay $0x3  }
0x34: {  	[smem:$0x3FBA] =	sst s10  }
0x35: {  	s10 =	sld [smem:$0x3FB9];
	_ =	sdelay $0x3  }
0x36: {  	p1 =	seq.s32 s10, $0x1;
	s10 =	sld [smem:$0x3FBA];
	_ =	sdelay $0x3  }
0x37: {  	[smem:$0x3FBA] =	sst s10  }
0x38: {  	s10 =	sld [smem:$0x3FBB]  }
0x39: {  	_ = 	snop;
	(pc) =	sbr.ind lr, $3  }
0x3a: {  	_ = 	snop  }
0x3b: {  	_ = 	snop  }
0x3c: {  	p2 =	seq.s32 s10, $0x1;
	s10 =	sld [smem:$0x3FBA]  }
0x3d: {  	_ =	shalt  }
0x3e: {  	_ =	shalt  }
0x3f: {  	_ =	shalt  }
0x40: {  	_ =	shalt  }
0x41: {  	_ =	shalt  }
0x42: {  	_ =	shalt  }
0x43: {  	_ =	shalt  }
0x44: {  	_ =	shalt  }
0x45: {  	_ =	shalt  }
0x46: {  	_ =	shalt  }
0x47: {  	_ =	shalt  }
0x48: {  	_ =	shalt  }
0x49: {  	_ =	shalt  }
0x4a: {  	_ =	shalt  }
0x4b: {  	_ =	shalt  }
0x4c: {  	_ =	shalt  }
0x4d: {  	_ =	shalt  }
0x4e: {  	_ =	shalt  }
0x4f: {  	_ =	shalt  }
0x50: {  	_ =	shalt  }
0x51: {  	_ =	shalt  }
0x52: {  	_ =	shalt  }
0x53: {  	_ =	shalt  }
0x54: {  	_ =	shalt  }
0x55: {  	_ =	shalt  }
0x56: {  	_ =	shalt  }
0x57: {  	_ =	shalt  }
0x58: {  	_ =	shalt  }
0x59: {  	_ =	shalt  }
0x5a: {  	_ =	shalt  }
0x5b: {  	_ =	shalt  }
0x5c: {  	_ =	shalt  }
0x5d: {  	_ =	shalt  }
0x5e: {  	_ =	shalt  }
0x5f: {  	_ =	shalt  }
0x60: {  	_ =	shalt  }
0x61: {  	_ =	shalt  }
0x62: {  	_ =	shalt  }
0x63: {  	_ =	shalt  }
0x64: {  	_ =	shalt  }
0x65: {  	_ =	shalt  }
0x66: {  	_ =	shalt  }
0x67: {  	_ =	shalt  }
0x68: {  	_ =	shalt  }
0x69: {  	_ =	shalt  }
0x6a: {  	_ =	shalt  }
0x6b: {  	_ =	shalt  }
0x6c: {  	_ =	shalt  }
0x6d: {  	_ =	shalt  }
0x6e: {  	_ =	shalt  }
0x6f: {  	_ =	shalt  }
0x70: {  	_ =	shalt  }
0x71: {  	_ =	shalt  }
0x72: {  	_ =	shalt  }
0x73: {  	_ =	shalt  }
0x74: {  	_ =	shalt  }
0x75: {  	_ =	shalt  }
0x76: {  	_ =	shalt  }
0x77: {  	_ =	shalt  }
0x78: {  	_ =	shalt  }
0x79: {  	_ =	shalt  }
0x7a: {  	_ =	shalt  }
0x7b: {  	_ =	shalt  }
0x7c: {  	_ =	shalt  }
0x7d: {  	_ =	shalt  }
0x7e: {  	_ =	shalt  }
0x7f: {  	_ =	shalt  }
0x80: {  	_ =	shalt  }
0x81: {  	_ =	shalt  }
0x82: {  	_ =	shalt  }
0x83: {  	_ =	shalt  }
0x84: {  	_ =	shalt  }
0x85: {  	_ =	shalt  }
0x86: {  	_ =	shalt  }
0x87: {  	_ =	shalt  }
.Lfunc_end0:
.L_simem_size_0:
called_computation_lowered:
.L_overlay_start_0:
0x88: {  	s2 =	sld [smem:$0x3FD9]  }
0x89: {  	s3 =	sld [smem:$0x3FFE];
	_ =	sdelay $0x1  }
0x8a: {  	s1 =	srdreg.scid  }
0x8b: {  	s0 =	sand.u32 $0x1, s1  }
0x8c: {  	s17 =	sshll.u32 s0, $0xA;
	s2 =	sadd.s32 s3, s2  }
0x8d: {  	s2 =	sadd.s32 s2, s17  }
0x8e: {  	[smem:$0x3FC6] =	sst s2  }
0x8f: {  	_ = 	snop  }
0x90: {  	s2 =	sld [smem:$0x3FC9]  }
0x91: {  	s18 =	sld [smem:$0x3FC8]  }
0x92: {  	s4 =	sld [smem:$0x3FD0];
	(tm) =	ssettm $0x1  }
0x93: {  	s5 =	sld [smem:$0x3FFB];
	_ =	sdelay $0x3  }
0x94: {  	_ =	strace s5  }
0x95: {  	s5 =	sld [smem:$0x3FFC];
	_ =	sdelay $0x3  }
0x96: {  	_ =	strace s5  }
0x97: {  	s5 =	sld [smem:$0x3FFD];
	_ =	sdelay $0x3  }
0x98: {  	_ =	strace s5  }
0x99: {  	_ =	strace $0x8FFFFFFF  }
0x9a: {  	s19 =	sld [smem:$0x3FDB];
	_ =	sdelay $0x1  }
0x9b: {  	s6 =	simm.s32 $_scs_section_size  }
0x9c: {  	s7 =	simm.s32 $_size__tile_overlayer_lowered;
	s8 =	simm.s32 $_tile_overlayer_lowered  }
0x9d: {  	s22 =	simm.s32 $0x1BFF;
	s21 =	sshll.u32 s8, $0x1;
	s5 =	sadd.s32 s6, s19  }
0x9e: {  	s9 =	simm.s32 $0x0;
	s20 =	sshll.u32 s7, $0x1;
	s7 =	sadd.s32 s21, s5  }
0x9f: {  	[timem:s9], [sflag:s22] =	dma.local [hbm:s7], s20  }
0xa0: {  	_ =	swait.ge [sflag:s22], s20  }
0xa1: {  	s6 =	ssub.s32 $0x0, s20;
	[sflag:s22] =	ssyncset.done $0x0  }
0xa2: {  	[sflag:s22] =	ssyncadd.s32 s6;
	_ =	sdelay $0x1  }
0xa3: {  	s23 =	simm.s32 $0x1B8B  }
0xa4: {  	_ =	swait.ge [sflag:s23], $0x1  }
0xa5: {  	[sflag:s23] =	ssyncset.done $0x0  }
0xa6: {  	s25 =	simm.s32 $0x1B8E;
	s24 =	sld [smem:$0x3FFE];
	[sflag:s23] =	ssyncadd.s32 $0xFFFFFFFF  }
0xa7: {  	s26 =	simm.s32 $execute0_lowered;
	[smem:$0x3FD2] =	sst s25  }
0xa8: {  	s7 =	sshll.u32 s26, $0x1;
	_ =	strace $0x80000046;
	[dreg:$0x1] =	wrdreg $0xFFFFFFFF  }
0xa9: {  	s28 =	simm.s32 $_size_execute0_lowered;
	s5 =	sadd.s32 s5, s7;
	[dreg:$0x0] =	wrdreg $0x0  }
0xaa: {  	s7 =	sshll.u32 s28, $0x1;
	[dreg:$0x2] =	wrdreg s5  }
0xab: {  	[dreg:$0x3] =	wrdreg s7  }
0xac: {  	[dreg:$0x4] =	wrdreg $0xC0  }
0xad: {  	_ =	task [dreg:s9], $0x5FFFF  }
0xae: {  	[dreg:$0x1] =	wrdreg $0xFFFFFFFF  }
0xaf: {  	[dreg:$0x0] =	wrdreg $0x60  }
0xb0: {  	[dreg:$0x2] =	wrdreg s2  }
0xb1: {  	[dreg:$0x3] =	wrdreg s18  }
0xb2: {  	[dreg:$0x4] =	wrdreg s24  }
0xb3: {  	[dreg:$0x5] =	wrdreg s4  }
0xb4: {  	[dreg:$0x6] =	wrdreg $0xBA000  }
0xb5: {  	[dreg:$0x7] =	wrdreg $0x9  }
0xb6: {  	_ =	task.clear_ibuf [dreg:s9], $0x8FFFF;
	_ =	strace $0x90000046  }
0xb7: {  	s29 =	simm.s32 $0x9;
	_ =	strace $0x80000048  }
0xb8: {  	_ =	swait.ge [sflag:s29], $0x1  }
0xb9: {  	[sflag:s29] =	ssyncadd.s32 $0xFFFFFFFF  }
0xba: {  	_ =	strace $0x90000048  }
0xbb: {  	_ =	sfence  }
0xbc: {  	s30 =	sld [smem:$0x0];
	_ =	sdelay $0x2  }
0xbd: {  	s31 =	sshll.u32 s1, $0xD;
	s1 =	sshrl.u32 s1, $0x2  }
0xbe: {  	s3 =	sand.u32 $0x4000, s31;
	s1 =	sadd.s32 s1, s30  }
0xbf: {  	s0 =	sor.u32 s3, s0;
	s1 =	sshll.u32 s1, $0x11  }
0xc0: {  	s0 =	sor.u32 s1, s0  }
0xc1: {  	s0 =	sadd.s32 $0x8F2B, s0  }
0xc2: {  	[sflag:s0] =	ssyncadd.remote.s32 $0x1  }
0xc3: {  	_ =	sfence.sel $0xFFFF  }
0xc4: {  	[dreg:$0x0] =	wrdreg $0xFFFFFFFF;
	(pc) =	sbr.abs _section_cstart, $3  }
0xc5: {  	[dreg:$0x1] =	wrdreg $0xFFFFFFFF  }
0xc6: {  	_ =	task.clear_ibuf [dreg:s9], $0x2FFFF;
	_ =	strace $0x9FFFFFFF  }
0xc7: {  	(tm) =	ssettm $0x7FFFFFFF  }
tec
execute0_lowered:
.L_overlay_start_1:
0x0: {  	(tag) =	ssettag $0x1  }
0x1: {  	s1 =	rddreg [dreg:$0x0]  }
0x2: {  	s2 =	rddreg [dreg:$0x1];
	s14 =	stileid.u32  }
0x3: {  	s3 =	rddreg [dreg:$0x3];
	s7 =	smul.u32 $0x50000, s14  }
0x4: {  	s5 =	rddreg [dreg:$0x4];
	s0 =	srdreg.scid  }
0x5: {  	s6 =	simm.s32 $0x0;
	s28 =	simm.s32 $0x9;
	s7 =	sshrl.u32 s7, $0x2  }
0x6: {  	s30 =	simm.s32 $0x0;
	s0 =	sand.u32 $0x1, s0;
	s7 =	sadd.s32 s7, s5  }
0x7: {  	[smem:$0x7FF] =	sst s6;
	s16 =	sshll.u32 s14, $0x9;
	s10 =	sadd.s32 $0x800, s7  }
0x8: {  	_ =	strace $0x80000047;
	s17 =	sadd.s32 $0x1000, s7;
	[dreg:$0x6] =	wrdreg s10  }
0x9: {  	s19 =	smul.u32 $0x138, s14;
	s18 =	sadd.s32 $0x1800, s7;
	[dreg:$0x7] =	wrdreg s17  }
0xa: {  	p0 =	sne.s32 s14, $0xF;
	s11 =	sadd.s32 $0x2000, s7;
	[dreg:$0x8] =	wrdreg s18  }
0xb: {  	s4 =	ssub.s32 $0x2, s0;
	s20 =	sadd.s32 $0x2800, s7;
	[dreg:$0x9] =	wrdreg s11  }
0xc: {  	s9 =	sshll.u32 s0, $0xB;
	s21 =	sadd.s32 $0x3000, s7;
	[dreg:$0xa] =	wrdreg s20  }
0xd: {  	s0 =	smul.u32 $0x1388, s0;
	s22 =	sadd.s32 $0x3800, s7;
	[dreg:$0xb] =	wrdreg s21  }
0xe: {  	s25 =	sshrl.u32 s16, $0x2;
	s12 =	sadd.s32 $0x4000, s7;
	[dreg:$0xc] =	wrdreg s22  }
0xf: {  	s8 =	sshrl.u32 s4, $0x1;
	s26 =	sadd.s32 $0x4800, s7;
	[dreg:$0xd] =	wrdreg s12  }
0x10: {  	s4 =	ssub.s32 s4, s8;
	s8 =	sadd.s32 $0x5000, s7;
	[dreg:$0x10] =	wrdreg s26  }
0x11: {  	s15 =	sadd.s32 $0xAA00, s9;
	s4 =	smax.u32 s4, $0x1;
	[dreg:$0x12] =	wrdreg s8  }
0x12: {  	s29 =	sadd.s32 $0x1388, s0;
	s14 =	sadd.s32 $0x6000, s7;
	[dreg:$0x13] =	wrdreg s4  }
0x13: {  	s23 =	sadd.s32 $0x1380, s0;
	s16 =	sadd.s32 $0x7000, s7;
	[dreg:$0x17] =	wrdreg s14  }
0x14: {  	s13 =	sshll.u32 s23, $0x4;
	[dreg:$0x19] =	wrdreg s16;
	s17 =	sadd.s32 $0x7800, s7  }
0x15: {  	v1 =	vmov s29;
	s29 =	simm.s32 $0xA200;
	s18 =	sadd.s32 $0x8000, s7;
	[dreg:$0x1a] =	wrdreg s17  }
0x16: {  	s10 =	sadd.s32 s19, s0;
	s19 =	sadd.s32 $0x8800, s7;
	[dreg:$0x1b] =	wrdreg s18  }
0x17: {  	s20 =	sadd.s32 $0x9000, s7;
	s21 =	sadd.s32 $0x9800, s7;
	[dreg:$0x1c] =	wrdreg s19  }
0x18: {  	s22 =	sadd.s32 $0xA000, s7;
	s26 =	sadd.s32 $0xC000, s7;
	[dreg:$0x1d] =	wrdreg s20  }
0x19: {  	s14 =	sadd.s32 $0xD800, s7;
	s16 =	sadd.s32 $0xE800, s7;
	[dreg:$0x1e] =	wrdreg s21  }
0x1a: {  	s24 =	sshll.u32 s10, $0x4;
	s31 =	sshll.u32 s10, $0x7;
	[dreg:$0x1f] =	wrdreg s22  }
0x1b: {  	[smem:$0x7FC] =	sst s26;
	s17 =	sadd.s32 $0xF000, s7;
	s18 =	sadd.s32 $0xF800, s7  }
0x1c: {  	s19 =	sadd.s32 $0x10000, s7;
	s20 =	sadd.s32 $0x10800, s7;
	s12 =	sadd.s32 s3, s24  }
0x1d: {  	s21 =	sadd.s32 $0x11000, s7;
	s3 =	sadd.s32 s3, s13;
	[dreg:$0xe] =	wrdreg s12  }
0x1e: {  	s22 =	sadd.s32 $0x11800, s7;
	s13 =	sadd.s32 $0x5800, s7;
	[dreg:$0xf] =	wrdreg s3  }
0x1f: {  	s26 =	sadd.s32 $0x13800, s7;
	s24 =	sadd.s32 $0xB000, s7;
	[dreg:$0x16] =	wrdreg s13  }
0x20: {  	s10 =	sadd.s32 s31, s5;
	s31 =	sadd.s32 $0xC800, s7;
	[smem:$0x7FA] =	sst s24  }
0x21: {  	s3 =	sadd.s32 s25, s15;
	s12 =	sshll.u32 s23, $0x7;
	[smem:$0x7FD] =	sst s31  }
0x22: {  	s15 =	sadd.s32 $0x6800, s7;
	s23 =	sadd.s32 $0xA800, s7;
	[dreg:$0x11] =	wrdreg s3  }
.Ltmp0:
0x23: {  	s25 =	sadd.s32 $0xB800, s7;
	[dreg:$0x18] =	wrdreg s15;
	(pc) =	sbr.rel .LBB2_1-.Ltmp0, $4  }
0x24: {  	s13 =	sadd.s32 $0xD000, s7;
	s24 =	sadd.s32 $0x12800, s7;
	[smem:$0x7F9] =	sst s23  }
0x25: {  	s8 =	sadd.s32 s12, s5;
	s3 =	sshrl.u32 s10, $0x3;
	[smem:$0x7FB] =	sst s25  }
0x26: {  	s15 =	sadd.s32 $0xE000, s7;
	[dreg:$0x14] =	wrdreg s3;
	s3 =	sshrl.u32 @!p0 s8, $0x3  }
0x27: {  	v2 =	vimm.f32 $0.0e+00;
	v0 =	vmov s0;
	s23 =	sadd.s32 $0x12000, s7;
	s25 =	sadd.s32 $0x13000, s7;
	[dreg:$0x15] =	wrdreg s3  }
.LBB2_8:
0x28: {  	s0 =	stileid.u32;
	[bflag:$0x0] =	sbarrier.arrive $0xFFFF  }
0x29: {  	s0 =	sshll.u32 s0, $0x6;
	s3 =	rddreg [dreg:$0xe]  }
0x2a: {  	s4 =	rddreg [dreg:$0x14];
	s0 =	sor.u32 $0x1C09, s0  }
0x2b: {  	[hbm:s3], [sflag:s0] =	dma.local [spmem:s4], $0x1380  }
0x2c: {  	_ =	swait.ge [sflag:s28], $0x1380  }
0x2d: {  	[sflag:s28] =	ssyncset.done $0x0;
	s3 =	rddreg [dreg:$0xf]  }
0x2e: {  	s4 =	rddreg [dreg:$0x15];
	[sflag:s28] =	ssyncadd.s32 $0xFFFFEC80  }
0x2f: {  	[hbm:s3], [sflag:s0] =	dma.local @!p0 [spmem:s4], $0x80  }
0x30: {  	s0 =	simm.s32 @!p0 $0x9  }
0x31: {  	_ =	swait.ge @!p0 [sflag:s0], $0x80  }
0x32: {  	s30 =	sadd.s32 $0x1, s30;
	s31 =	rddreg [dreg:$0x13]  }
0x33: {  	p1 =	sne.s32 s30, s31  }
.Ltmp1:
0x34: {  	_ = 	snop;
	(pc) =	sbr.rel @!p1 .LBB2_9-.Ltmp1, $3  }
0x35: {  	_ =	sdelay $0x1  }
0x36: {  	[sflag:s0] =	ssyncset.done @!p0 $0x0  }
0x37: {  	[sflag:s0] =	ssyncadd.s32 @!p0 $0xFFFFFF80  }
.LBB2_1:
0x38: {  	s0 =	rddreg [dreg:$0x2];
	s3 =	simm.s32 $0xAA00  }
0x39: {  	[tilespmem:s3], [sflag:$0x9] =	stream.linear.gather [hbm4b:s0+s6], $0x1000, $0x38;
	[tilespmem:$0x1FA00] =	vst v63  }
0x3a: {  	_ =	swait.ge [sflag:s28], $0x1000  }
0x3b: {  	[sflag:s28] =	ssyncset.done $0x0  }
0x3c: {  	s11 =	rddreg [dreg:$0x11];
	[sflag:s28] =	ssyncadd.s32 $0xFFFFF000  }
0x3d: {  	v3 =	vld [tilespmem:s11+$0x0];
	_ =	sdelay $0x4  }
0x3e: {  	(v2sf) =	vpush v3, $0x0  }
0x3f: {  	(v2sf) =	vpush v3, $0x1;
	_ =	sdelay $0xd  }
0x40: {  	s12 =	spop (v2sf)  }
0x41: {  	s31 =	spop (v2sf)  }
0x42: {  	p1 =	slt.s32 s31, $0x1  }
.Ltmp2:
0x43: {  	_ = 	snop;
	(pc) =	sbr.rel @p1 .LBB2_3-.Ltmp2, $3  }
0x44: {  	_ =	sdelay $0x1  }
0x45: {  	s3 =	smul.u32 $0x50, s12  }
0x46: {  	s4 =	smul.u32 $0x2800, s12  }
0x47: {  	_ = 	snop  }
0x48: {  	s0 =	sshrl.u32 s4, $0x3  }
0x49: {  	s12 =	sshrl.u32 s3, $0x3;
	s0 =	sadd.s32 s1, s0  }
0x4a: {  	[tilespmem:s6], [sflag:$0x1] =	stream.linear.gather [hbm4b:s0+s6], $0x2800, $0x38;
	[tilespmem:$0x1FA00] =	vst v63  }
0x4b: {  	s8 =	simm.s32 $0xA000;
	p1 =	seq.s32 s31, $0x1;
	s0 =	sadd.s32 s2, s12  }
0x4c: {  	[tilespmem:s8], [sflag:$0x5] =	stream.linear.gather [hbm4b:s0+s6], $0x50, $0x38;
	[tilespmem:$0x1FA00] =	vst v63  }
0x4d: {  	s0 =	sadd.s32 @!p1 $0x50, s3  }
0x4e: {  	s9 =	simm.s32 @!p1 $0x0;
	s10 =	simm.s32 @!p1 $0x2800;
	s8 =	sshll.u32 @!p1 s0, $0x4  }
0x4f: {  	p2 =	slt.u32 @!p1 s31, $0x3;
	s0 =	sshrl.u32 @!p1 s0, $0x3;
	s8 =	sadd.s32 @!p1 s1, s8  }
0x50: {  	[tilespmem:s10], [sflag:$0x2] =	stream.linear.gather @!p1 [hbm4b:s8+s9], $0x2800, $0x38;
	[tilespmem:$0x1FA00] =	vst v63  }
0x51: {  	p3 =	por p2, p1;
	s0 =	sadd.s32 @!p1 s2, s0;
	s8 =	simm.s32 @!p1 $0xA080  }
0x52: {  	[tilespmem:s8], [sflag:$0x6] =	stream.linear.gather @!p1 [hbm4b:s0+s9], $0x50, $0x38;
	[tilespmem:$0x1FA00] =	vst v63  }
0x53: {  	s0 =	sadd.s32 @!p3 $0xA0, s3  }
0x54: {  	s10 =	simm.s32 @!p3 $0x5000;
	s8 =	sshll.u32 @!p3 s0, $0x4  }
0x55: {  	s9 =	simm.s32 @!p3 $0x0;
	s0 =	sshrl.u32 @!p3 s0, $0x3;
	s8 =	sadd.s32 @!p3 s1, s8  }
0x56: {  	[tilespmem:s10], [sflag:$0x3] =	stream.linear.gather @!p3 [hbm4b:s8+s9], $0x2800, $0x38;
	[tilespmem:$0x1FA00] =	vst v63  }
0x57: {  	s0 =	sadd.s32 @!p3 s2, s0;
	s8 =	simm.s32 @!p3 $0xA100  }
0x58: {  	[tilespmem:s8], [sflag:$0x7] =	stream.linear.gather @!p3 [hbm4b:s0+s9], $0x50, $0x38;
	[tilespmem:$0x1FA00] =	vst v63  }
0x59: {  	p3 =	seq.s32 @!p3 s31, $0x3  }
0x5a: {  	p2 =	por @!p1 p3, p2  }
0x5b: {  	p1 =	por p2, p1  }
0x5c: {  	s0 =	sadd.s32 @!p1 $0xF0, s3  }
0x5d: {  	s9 =	simm.s32 @!p1 $0x0;
	s8 =	sshll.u32 @!p1 s0, $0x4  }
0x5e: {  	s10 =	simm.s32 @!p1 $0x7800;
	s0 =	sshrl.u32 @!p1 s0, $0x3;
	s8 =	sadd.s32 @!p1 s1, s8  }
0x5f: {  	[tilespmem:s10], [sflag:$0x4] =	stream.linear.gather @!p1 [hbm4b:s8+s9], $0x2800, $0x38;
	[tilespmem:$0x1FA00] =	vst v63  }
0x60: {  	s0 =	sadd.s32 @!p1 s2, s0;
	s8 =	simm.s32 @!p1 $0xA180  }
0x61: {  	[tilespmem:s8], [sflag:$0x8] =	stream.linear.gather @!p1 [hbm4b:s0+s9], $0x50, $0x38;
	[tilespmem:$0x1FA00] =	vst v63  }
.LBB2_3:
0x62: {  	s0 =	simm.s32 $0x0;
	s8 =	simm.s32 $0x200  }
.LBB2_4:
0x63: {  	p1 =	sne.s32 s8, $0x1E00;
	[tilespmem:s0+$0xA270] =	vst v2  }
0x64: {  	[tilespmem:s0+$0xA200] =	vst v2  }
0x65: {  	[tilespmem:s0+$0xA210] =	vst v2  }
.Ltmp3:
0x66: {  	[tilespmem:s0+$0xA220] =	vst v2;
	(pc) =	sbr.rel @p1 .LBB2_4-.Ltmp3, $4  }
0x67: {  	[tilespmem:s0+$0xA230] =	vst v2  }
0x68: {  	[tilespmem:s0+$0xA240] =	vst v2  }
0x69: {  	[tilespmem:s0+$0xA250] =	vst v2  }
0x6a: {  	[tilespmem:s0+$0xA260] =	vst v2;
	s0 =	sshra.s32 s8, $0x2;
	s8 =	sadd.s32 $0x200, s8  }
0x6b: {  	[tilespmem:s0+$0xA270] =	vst v2  }
0x6c: {  	[tilespmem:s0+$0xA200] =	vst v2  }
0x6d: {  	[tilespmem:s0+$0xA210] =	vst v2  }
0x6e: {  	[tilespmem:s0+$0xA220] =	vst v2  }
0x6f: {  	[tilespmem:s0+$0xA230] =	vst v2  }
0x70: {  	[tilespmem:s0+$0xA240] =	vst v2  }
0x71: {  	[tilespmem:s0+$0xA250] =	vst v2  }
0x72: {  	[tilespmem:s0+$0xA260] =	vst v2  }
0x73: {  	[spmem:s7] =	stream.linear.scatter [tilespmem:s29], [sflag:$0x9], $0x800, $0x38;
	[tilespmem:$0x1FA00] =	vst v63  }
0x74: {  	_ =	swait.ge [sflag:s28], $0x800  }
0x75: {  	[sflag:s28] =	ssyncset.done $0x0  }
0x76: {  	s11 =	rddreg [dreg:$0x6];
	[sflag:s28] =	ssyncadd.s32 $0xFFFFF800  }
0x77: {  	[spmem:s11] =	stream.linear.scatter [tilespmem:s29], [sflag:$0x9], $0x800, $0x38;
	[tilespmem:$0x1FA00] =	vst v63  }
0x78: {  	_ =	swait.ge [sflag:s28], $0x800  }
0x79: {  	[sflag:s28] =	ssyncset.done $0x0  }
0x7a: {  	s12 =	rddreg [dreg:$0x7];
	[sflag:s28] =	ssyncadd.s32 $0xFFFFF800  }
0x7b: {  	[spmem:s12] =	stream.linear.scatter [tilespmem:s29], [sflag:$0x9], $0x800, $0x38;
	[tilespmem:$0x1FA00] =	vst v63  }
0x7c: {  	_ =	swait.ge [sflag:s28], $0x800  }
0x7d: {  	[sflag:s28] =	ssyncset.done $0x0  }
0x7e: {  	s8 =	rddreg [dreg:$0x8];
	[sflag:s28] =	ssyncadd.s32 $0xFFFFF800  }
0x7f: {  	[spmem:s8] =	stream.linear.scatter [tilespmem:s29], [sflag:$0x9], $0x800, $0x38;
	[tilespmem:$0x1FA00] =	vst v63  }
0x80: {  	_ =	swait.ge [sflag:s28], $0x800  }
0x81: {  	[sflag:s28] =	ssyncset.done $0x0  }
0x82: {  	s9 =	rddreg [dreg:$0x9];
	[sflag:s28] =	ssyncadd.s32 $0xFFFFF800  }
0x83: {  	[spmem:s9] =	stream.linear.scatter [tilespmem:s29], [sflag:$0x9], $0x800, $0x38;
	[tilespmem:$0x1FA00] =	vst v63  }
0x84: {  	_ =	swait.ge [sflag:s28], $0x800  }
0x85: {  	[sflag:s28] =	ssyncset.done $0x0  }
0x86: {  	s10 =	rddreg [dreg:$0xa];
	[sflag:s28] =	ssyncadd.s32 $0xFFFFF800  }
0x87: {  	[spmem:s10] =	stream.linear.scatter [tilespmem:s29], [sflag:$0x9], $0x800, $0x38;
	[tilespmem:$0x1FA00] =	vst v63  }
0x88: {  	_ =	swait.ge [sflag:s28], $0x800  }
0x89: {  	[sflag:s28] =	ssyncset.done $0x0  }
0x8a: {  	s11 =	rddreg [dreg:$0xb];
	[sflag:s28] =	ssyncadd.s32 $0xFFFFF800  }
0x8b: {  	[spmem:s11] =	stream.linear.scatter [tilespmem:s29], [sflag:$0x9], $0x800, $0x38;
	[tilespmem:$0x1FA00] =	vst v63  }
0x8c: {  	_ =	swait.ge [sflag:s28], $0x800  }
0x8d: {  	[sflag:s28] =	ssyncset.done $0x0  }
0x8e: {  	s12 =	rddreg [dreg:$0xc];
	[sflag:s28] =	ssyncadd.s32 $0xFFFFF800  }
0x8f: {  	[spmem:s12] =	stream.linear.scatter [tilespmem:s29], [sflag:$0x9], $0x800, $0x38;
	[tilespmem:$0x1FA00] =	vst v63  }
0x90: {  	_ =	swait.ge [sflag:s28], $0x800  }
0x91: {  	[sflag:s28] =	ssyncset.done $0x0  }
0x92: {  	s8 =	rddreg [dreg:$0xd];
	[sflag:s28] =	ssyncadd.s32 $0xFFFFF800  }
0x93: {  	[spmem:s8] =	stream.linear.scatter [tilespmem:s29], [sflag:$0x9], $0x800, $0x38;
	[tilespmem:$0x1FA00] =	vst v63  }
0x94: {  	_ =	swait.ge [sflag:s28], $0x800  }
0x95: {  	[sflag:s28] =	ssyncset.done $0x0  }
0x96: {  	s9 =	rddreg [dreg:$0x10];
	[sflag:s28] =	ssyncadd.s32 $0xFFFFF800  }
0x97: {  	[spmem:s9] =	stream.linear.scatter [tilespmem:s29], [sflag:$0x9], $0x800, $0x38;
	[tilespmem:$0x1FA00] =	vst v63  }
0x98: {  	_ =	swait.ge [sflag:s28], $0x800  }
0x99: {  	[sflag:s28] =	ssyncset.done $0x0  }
0x9a: {  	s10 =	rddreg [dreg:$0x12];
	[sflag:s28] =	ssyncadd.s32 $0xFFFFF800  }
0x9b: {  	[spmem:s10] =	stream.linear.scatter [tilespmem:s29], [sflag:$0x9], $0x800, $0x38;
	[tilespmem:$0x1FA00] =	vst v63  }
0x9c: {  	_ =	swait.ge [sflag:s28], $0x800  }
0x9d: {  	[sflag:s28] =	ssyncset.done $0x0  }
0x9e: {  	s11 =	rddreg [dreg:$0x16];
	[sflag:s28] =	ssyncadd.s32 $0xFFFFF800  }
0x9f: {  	[spmem:s11] =	stream.linear.scatter [tilespmem:s29], [sflag:$0x9], $0x800, $0x38;
	[tilespmem:$0x1FA00] =	vst v63  }
0xa0: {  	_ =	swait.ge [sflag:s28], $0x800  }
0xa1: {  	[sflag:s28] =	ssyncset.done $0x0  }
0xa2: {  	s12 =	rddreg [dreg:$0x17];
	[sflag:s28] =	ssyncadd.s32 $0xFFFFF800  }
0xa3: {  	[spmem:s12] =	stream.linear.scatter [tilespmem:s29], [sflag:$0x9], $0x800, $0x38;
	[tilespmem:$0x1FA00] =	vst v63  }
0xa4: {  	_ =	swait.ge [sflag:s28], $0x800  }
0xa5: {  	[sflag:s28] =	ssyncset.done $0x0  }
0xa6: {  	s8 =	rddreg [dreg:$0x18];
	[sflag:s28] =	ssyncadd.s32 $0xFFFFF800  }
0xa7: {  	[spmem:s8] =	stream.linear.scatter [tilespmem:s29], [sflag:$0x9], $0x800, $0x38;
	[tilespmem:$0x1FA00] =	vst v63  }
0xa8: {  	_ =	swait.ge [sflag:s28], $0x800  }
0xa9: {  	[sflag:s28] =	ssyncset.done $0x0  }
0xaa: {  	s9 =	rddreg [dreg:$0x19];
	[sflag:s28] =	ssyncadd.s32 $0xFFFFF800  }
0xab: {  	[spmem:s9] =	stream.linear.scatter [tilespmem:s29], [sflag:$0x9], $0x800, $0x38;
	[tilespmem:$0x1FA00] =	vst v63  }
0xac: {  	_ =	swait.ge [sflag:s28], $0x800  }
0xad: {  	[sflag:s28] =	ssyncset.done $0x0  }
0xae: {  	s10 =	rddreg [dreg:$0x1a];
	[sflag:s28] =	ssyncadd.s32 $0xFFFFF800  }
0xaf: {  	[spmem:s10] =	stream.linear.scatter [tilespmem:s29], [sflag:$0x9], $0x800, $0x38;
	[tilespmem:$0x1FA00] =	vst v63  }
0xb0: {  	_ =	swait.ge [sflag:s28], $0x800  }
0xb1: {  	[sflag:s28] =	ssyncset.done $0x0  }
0xb2: {  	s11 =	rddreg [dreg:$0x1b];
	[sflag:s28] =	ssyncadd.s32 $0xFFFFF800  }
0xb3: {  	[spmem:s11] =	stream.linear.scatter [tilespmem:s29], [sflag:$0x9], $0x800, $0x38;
	[tilespmem:$0x1FA00] =	vst v63  }
0xb4: {  	_ =	swait.ge [sflag:s28], $0x800  }
0xb5: {  	[sflag:s28] =	ssyncset.done $0x0  }
0xb6: {  	s12 =	rddreg [dreg:$0x1c];
	[sflag:s28] =	ssyncadd.s32 $0xFFFFF800  }
0xb7: {  	[spmem:s12] =	stream.linear.scatter [tilespmem:s29], [sflag:$0x9], $0x800, $0x38;
	[tilespmem:$0x1FA00] =	vst v63  }
0xb8: {  	_ =	swait.ge [sflag:s28], $0x800  }
0xb9: {  	[sflag:s28] =	ssyncset.done $0x0  }
0xba: {  	s8 =	rddreg [dreg:$0x1d];
	[sflag:s28] =	ssyncadd.s32 $0xFFFFF800  }
0xbb: {  	[spmem:s8] =	stream.linear.scatter [tilespmem:s29], [sflag:$0x9], $0x800, $0x38;
	[tilespmem:$0x1FA00] =	vst v63  }
0xbc: {  	_ =	swait.ge [sflag:s28], $0x800  }
0xbd: {  	[sflag:s28] =	ssyncset.done $0x0  }
0xbe: {  	s9 =	rddreg [dreg:$0x1e];
	[sflag:s28] =	ssyncadd.s32 $0xFFFFF800  }
0xbf: {  	[spmem:s9] =	stream.linear.scatter [tilespmem:s29], [sflag:$0x9], $0x800, $0x38;
	[tilespmem:$0x1FA00] =	vst v63  }
0xc0: {  	_ =	swait.ge [sflag:s28], $0x800  }
0xc1: {  	[sflag:s28] =	ssyncset.done $0x0  }
0xc2: {  	s10 =	rddreg [dreg:$0x1f];
	[sflag:s28] =	ssyncadd.s32 $0xFFFFF800  }
0xc3: {  	[spmem:s10] =	stream.linear.scatter [tilespmem:s29], [sflag:$0x9], $0x800, $0x38;
	[tilespmem:$0x1FA00] =	vst v63  }
0xc4: {  	_ =	swait.ge [sflag:s28], $0x800  }
0xc5: {  	s11 =	sld [smem:$0x7F9]  }
0xc6: {  	[sflag:s28] =	ssyncset.done $0x0  }
0xc7: {  	[sflag:s28] =	ssyncadd.s32 $0xFFFFF800  }
0xc8: {  	[spmem:s11] =	stream.linear.scatter [tilespmem:s29], [sflag:$0x9], $0x800, $0x38;
	[tilespmem:$0x1FA00] =	vst v63  }
0xc9: {  	_ =	swait.ge [sflag:s28], $0x800  }
0xca: {  	s12 =	sld [smem:$0x7FA]  }
0xcb: {  	[sflag:s28] =	ssyncset.done $0x0  }
0xcc: {  	[sflag:s28] =	ssyncadd.s32 $0xFFFFF800  }
0xcd: {  	[spmem:s12] =	stream.linear.scatter [tilespmem:s29], [sflag:$0x9], $0x800, $0x38;
	[tilespmem:$0x1FA00] =	vst v63  }
0xce: {  	_ =	swait.ge [sflag:s28], $0x800  }
0xcf: {  	s8 =	sld [smem:$0x7FB]  }
0xd0: {  	[sflag:s28] =	ssyncset.done $0x0  }
0xd1: {  	[sflag:s28] =	ssyncadd.s32 $0xFFFFF800  }
0xd2: {  	[spmem:s8] =	stream.linear.scatter [tilespmem:s29], [sflag:$0x9], $0x800, $0x38;
	[tilespmem:$0x1FA00] =	vst v63  }
0xd3: {  	_ =	swait.ge [sflag:s28], $0x800  }
0xd4: {  	s9 =	sld [smem:$0x7FC]  }
0xd5: {  	[sflag:s28] =	ssyncset.done $0x0  }
0xd6: {  	[sflag:s28] =	ssyncadd.s32 $0xFFFFF800  }
0xd7: {  	[spmem:s9] =	stream.linear.scatter [tilespmem:s29], [sflag:$0x9], $0x800, $0x38;
	[tilespmem:$0x1FA00] =	vst v63  }
0xd8: {  	_ =	swait.ge [sflag:s28], $0x800  }
0xd9: {  	s10 =	sld [smem:$0x7FD]  }
0xda: {  	[sflag:s28] =	ssyncset.done $0x0  }
0xdb: {  	[sflag:s28] =	ssyncadd.s32 $0xFFFFF800  }
0xdc: {  	[spmem:s10] =	stream.linear.scatter [tilespmem:s29], [sflag:$0x9], $0x800, $0x38;
	[tilespmem:$0x1FA00] =	vst v63  }
0xdd: {  	_ =	swait.ge [sflag:s28], $0x800  }
0xde: {  	[sflag:s28] =	ssyncset.done $0x0  }
0xdf: {  	[sflag:s28] =	ssyncadd.s32 $0xFFFFF800  }
0xe0: {  	[spmem:s13] =	stream.linear.scatter [tilespmem:s29], [sflag:$0x9], $0x800, $0x38;
	[tilespmem:$0x1FA00] =	vst v63  }
0xe1: {  	_ =	swait.ge [sflag:s28], $0x800  }
0xe2: {  	[sflag:s28] =	ssyncset.done $0x0  }
0xe3: {  	[sflag:s28] =	ssyncadd.s32 $0xFFFFF800  }
0xe4: {  	[spmem:s14] =	stream.linear.scatter [tilespmem:s29], [sflag:$0x9], $0x800, $0x38;
	[tilespmem:$0x1FA00] =	vst v63  }
0xe5: {  	_ =	swait.ge [sflag:s28], $0x800  }
0xe6: {  	[sflag:s28] =	ssyncset.done $0x0  }
0xe7: {  	[sflag:s28] =	ssyncadd.s32 $0xFFFFF800  }
0xe8: {  	[spmem:s15] =	stream.linear.scatter [tilespmem:s29], [sflag:$0x9], $0x800, $0x38;
	[tilespmem:$0x1FA00] =	vst v63  }
0xe9: {  	_ =	swait.ge [sflag:s28], $0x800  }
0xea: {  	[sflag:s28] =	ssyncset.done $0x0  }
0xeb: {  	[sflag:s28] =	ssyncadd.s32 $0xFFFFF800  }
0xec: {  	[spmem:s16] =	stream.linear.scatter [tilespmem:s29], [sflag:$0x9], $0x800, $0x38;
	[tilespmem:$0x1FA00] =	vst v63  }
0xed: {  	_ =	swait.ge [sflag:s28], $0x800  }
0xee: {  	[sflag:s28] =	ssyncset.done $0x0  }
0xef: {  	[sflag:s28] =	ssyncadd.s32 $0xFFFFF800  }
0xf0: {  	[spmem:s17] =	stream.linear.scatter [tilespmem:s29], [sflag:$0x9], $0x800, $0x38;
	[tilespmem:$0x1FA00] =	vst v63  }
0xf1: {  	_ =	swait.ge [sflag:s28], $0x800  }
0xf2: {  	[sflag:s28] =	ssyncset.done $0x0  }
0xf3: {  	[sflag:s28] =	ssyncadd.s32 $0xFFFFF800  }
0xf4: {  	[spmem:s18] =	stream.linear.scatter [tilespmem:s29], [sflag:$0x9], $0x800, $0x38;
	[tilespmem:$0x1FA00] =	vst v63  }
0xf5: {  	_ =	swait.ge [sflag:s28], $0x800  }
0xf6: {  	[sflag:s28] =	ssyncset.done $0x0  }
0xf7: {  	[sflag:s28] =	ssyncadd.s32 $0xFFFFF800  }
0xf8: {  	[spmem:s19] =	stream.linear.scatter [tilespmem:s29], [sflag:$0x9], $0x800, $0x38;
	[tilespmem:$0x1FA00] =	vst v63  }
0xf9: {  	_ =	swait.ge [sflag:s28], $0x800  }
0xfa: {  	[sflag:s28] =	ssyncset.done $0x0  }
0xfb: {  	[sflag:s28] =	ssyncadd.s32 $0xFFFFF800  }
0xfc: {  	[spmem:s20] =	stream.linear.scatter [tilespmem:s29], [sflag:$0x9], $0x800, $0x38;
	[tilespmem:$0x1FA00] =	vst v63  }
0xfd: {  	_ =	swait.ge [sflag:s28], $0x800  }
0xfe: {  	[sflag:s28] =	ssyncset.done $0x0  }
0xff: {  	[sflag:s28] =	ssyncadd.s32 $0xFFFFF800  }
0x100: {  	[spmem:s21] =	stream.linear.scatter [tilespmem:s29], [sflag:$0x9], $0x800, $0x38;
	[tilespmem:$0x1FA00] =	vst v63  }
0x101: {  	_ =	swait.ge [sflag:s28], $0x800  }
0x102: {  	[sflag:s28] =	ssyncset.done $0x0  }
0x103: {  	[sflag:s28] =	ssyncadd.s32 $0xFFFFF800  }
0x104: {  	[spmem:s22] =	stream.linear.scatter [tilespmem:s29], [sflag:$0x9], $0x800, $0x38;
	[tilespmem:$0x1FA00] =	vst v63  }
0x105: {  	_ =	swait.ge [sflag:s28], $0x800  }
0x106: {  	[sflag:s28] =	ssyncset.done $0x0  }
0x107: {  	[sflag:s28] =	ssyncadd.s32 $0xFFFFF800  }
0x108: {  	[spmem:s23] =	stream.linear.scatter [tilespmem:s29], [sflag:$0x9], $0x800, $0x38;
	[tilespmem:$0x1FA00] =	vst v63  }
0x109: {  	s11 =	sadd.s32 $0x3, s31;
	_ =	swait.ge [sflag:s28], $0x800  }
0x10a: {  	p2 =	slt.s32 s11, $0x1;
	[sflag:s28] =	ssyncset.done $0x0  }
0x10b: {  	s12 =	sshra.s32 s11, $0x1F;
	s8 =	sand.u32 $0x3, s11;
	[sflag:s28] =	ssyncadd.s32 $0xFFFFF800  }
0x10c: {  	[spmem:s24] =	stream.linear.scatter [tilespmem:s29], [sflag:$0x9], $0x800, $0x38;
	[tilespmem:$0x1FA00] =	vst v63  }
0x10d: {  	p1 =	sne.s32 s8, $0x0;
	s8 =	sshrl.u32 s12, $0x1E;
	_ =	swait.ge [sflag:s28], $0x800  }
0x10e: {  	p1 =	por !p2, !p1;
	s0 =	sadd.s32 s8, s11;
	[sflag:s28] =	ssyncset.done $0x0  }
0x10f: {  	s8 =	simm.s32 $0x1;
	p1 =	por !p1, !p1;
	[sflag:s28] =	ssyncadd.s32 $0xFFFFF800  }
0x110: {  	[spmem:s25] =	stream.linear.scatter [tilespmem:s29], [sflag:$0x9], $0x800, $0x38;
	[tilespmem:$0x1FA00] =	vst v63  }
0x111: {  	s0 =	sshra.s32 s0, $0x2;
	s8 =	simm.s32 @!p1 $0x0;
	_ =	swait.ge [sflag:s28], $0x800  }
0x112: {  	s0 =	ssub.s32 s0, s8;
	[sflag:s28] =	ssyncset.done $0x0  }
0x113: {  	p1 =	slt.s32 s0, $0x1;
	[sflag:s28] =	ssyncadd.s32 $0xFFFFF800  }
0x114: {  	[spmem:s26] =	stream.linear.scatter [tilespmem:s29], [sflag:$0x9], $0x800, $0x38;
	[tilespmem:$0x1FA00] =	vst v63  }
.Ltmp4:
0x115: {  	_ =	swait.ge [sflag:s28], $0x800;
	(pc) =	sbr.rel @p1 .LBB2_8-.Ltmp4, $3  }
0x116: {  	[sflag:s28] =	ssyncset.done $0x0  }
0x117: {  	[sflag:s28] =	ssyncadd.s32 $0xFFFFF800  }
0x118: {  	[bflag:$0x0] =	sbarrier.arrive $0xFFFF;
	_ =	sdelay $0x1  }
0x119: {  	s4 =	sadd.s32 $0xA000, s4;
	s3 =	sadd.s32 $0x140, s3;
	s8 =	simm.s32 $0x3  }
.LBB2_7:
0x11a: {  	s9 =	sadd.s32 $0xFFFFFFFD, s8  }
0x11b: {  	p1 =	sge.s32 s9, s31  }
0x11c: {  	s9 =	simm.s32 @!p1 $0x5  }
0x11d: {  	_ =	swait.ge @!p1 [sflag:s9], $0x50  }
0x11e: {  	[sflag:s9] =	ssyncset.done @!p1 $0x0  }
0x11f: {  	[sflag:s9] =	ssyncadd.s32 @!p1 $0xFFFFFFB0  }
0x120: {  	v3 =	vld @!p1 [tilespmem:$0xA000]  }
0x121: {  	v4 =	vld @!p1 [tilespmem:$0xA010]  }
0x122: {  	v5 =	vld @!p1 [tilespmem:$0xA020];
	_ =	sdelay $0x1  }
0x123: {  	v6 =	vld @!p1 [tilespmem:$0xA030]  }
0x124: {  	v7 =	vld @!p1 [tilespmem:$0xA040];
	vm0 =	vge.s32 @!p1 v3, v0;
	vm1 =	vlt.s32 @!p1 v3, v1  }
0x125: {  	vm2 =	vlt.s32 @!p1 v4, v1;
	vm0 =	vmand @!p1 vm0, vm1;
	vm1 =	vge.s32 @!p1 v4, v0  }
0x126: {  	vm3 =	vlt.s32 @!p1 v5, v1;
	vm1 =	vmand @!p1 vm1, vm2;
	vm2 =	vge.s32 @!p1 v5, v0  }
0x127: {  	v3 =	vnsel @!p1 vm0, $0x2710, v3;
	v4 =	vnsel @!p1 vm1, $0x2710, v4;
	vm0 =	vmand @!p1 vm2, vm3  }
0x128: {  	[tilespmem:$0xA000] =	vst @!p1 v3;
	vm1 =	vlt.s32 @!p1 v6, v1;
	v3 =	vnsel @!p1 vm0, $0x2710, v5;
	vm0 =	vge.s32 @!p1 v6, v0  }
0x129: {  	vm2 =	vlt.s32 @!p1 v7, v1;
	[tilespmem:$0xA010] =	vst @!p1 v4;
	vm0 =	vmand @!p1 vm0, vm1;
	vm1 =	vge.s32 @!p1 v7, v0  }
0x12a: {  	[tilespmem:$0xA020] =	vst @!p1 v3;
	v3 =	vnsel @!p1 vm0, $0x2710, v6;
	vm0 =	vmand @!p1 vm1, vm2  }
0x12b: {  	[tilespmem:$0xA030] =	vst @!p1 v3;
	v3 =	vnsel @!p1 vm0, $0x2710, v7  }
0x12c: {  	s9 =	simm.s32 @!p1 $0x1;
	[tilespmem:$0xA040] =	vst @!p1 v3  }
0x12d: {  	_ =	swait.ge @!p1 [sflag:s9], $0x2800  }
0x12e: {  	s10 =	simm.s32 @!p1 $0xA000;
	[sflag:s9] =	ssyncset.done @!p1 $0x0  }
0x12f: {  	s11 =	simm.s32 @!p1 $0x0;
	[sflag:s9] =	ssyncadd.s32 @!p1 $0xFFFFD800;
	s9 =	simm.s32 @!p1 $0x50  }
0x130: {  	[spmem:s5] =	stream.indirect.scatter.add.f32 @!p1 [tilespmem:s11], [sflag:$0x9], $0x80, s10, s9, $0xb8;
	[tilespmem:$0x1FA00] =	vst v63  }
0x131: {  	s9 =	sadd.s32 @!p1 $0x1, s8  }
0x132: {  	s10 =	simm.s32 @!p1 $0x9;
	p2 =	sge.s32 @!p1 s9, s31  }
0x133: {  	_ =	swait.ge @!p1 [sflag:s10], $0x2800;
	p2 =	por p2, p1  }
0x134: {  	[sflag:s10] =	ssyncset.done @!p1 $0x0;
	s9 =	sshrl.u32 @!p2 s4, $0x3  }
0x135: {  	[sflag:s10] =	ssyncadd.s32 @!p1 $0xFFFFD800;
	s10 =	simm.s32 @!p2 $0x0;
	s9 =	sadd.s32 @!p2 s1, s9  }
0x136: {  	[tilespmem:s10], [sflag:$0x1] =	stream.linear.gather @!p2 [hbm4b:s9+s10], $0x2800, $0x38;
	[tilespmem:$0x1FA00] =	vst v63  }
0x137: {  	s9 =	sshrl.u32 @!p2 s3, $0x3  }
0x138: {  	s11 =	simm.s32 @!p2 $0xA000;
	s9 =	sadd.s32 @!p2 s2, s9  }
0x139: {  	[tilespmem:s11], [sflag:$0x5] =	stream.linear.gather @!p2 [hbm4b:s9+s10], $0x50, $0x38;
	[tilespmem:$0x1FA00] =	vst v63  }
0x13a: {  	s11 =	sadd.s32 $0xFFFFFFFE, s8  }
0x13b: {  	p1 =	sge.s32 s11, s31  }
0x13c: {  	s9 =	simm.s32 @!p1 $0x6  }
0x13d: {  	_ =	swait.ge @!p1 [sflag:s9], $0x50  }
0x13e: {  	[sflag:s9] =	ssyncset.done @!p1 $0x0  }
0x13f: {  	[sflag:s9] =	ssyncadd.s32 @!p1 $0xFFFFFFB0  }
0x140: {  	v3 =	vld @!p1 [tilespmem:$0xA080]  }
0x141: {  	v4 =	vld @!p1 [tilespmem:$0xA090]  }
0x142: {  	v5 =	vld @!p1 [tilespmem:$0xA0A0];
	_ =	sdelay $0x1  }
0x143: {  	v6 =	vld @!p1 [tilespmem:$0xA0B0]  }
0x144: {  	v7 =	vld @!p1 [tilespmem:$0xA0C0];
	vm0 =	vge.s32 @!p1 v3, v0;
	vm1 =	vlt.s32 @!p1 v3, v1  }
0x145: {  	vm2 =	vlt.s32 @!p1 v4, v1;
	vm0 =	vmand @!p1 vm0, vm1;
	vm1 =	vge.s32 @!p1 v4, v0  }
0x146: {  	vm3 =	vlt.s32 @!p1 v5, v1;
	vm1 =	vmand @!p1 vm1, vm2;
	vm2 =	vge.s32 @!p1 v5, v0  }
0x147: {  	v3 =	vnsel @!p1 vm0, $0x2710, v3;
	v4 =	vnsel @!p1 vm1, $0x2710, v4;
	vm0 =	vmand @!p1 vm2, vm3  }
0x148: {  	[tilespmem:$0xA080] =	vst @!p1 v3;
	vm1 =	vlt.s32 @!p1 v6, v1;
	v3 =	vnsel @!p1 vm0, $0x2710, v5;
	vm0 =	vge.s32 @!p1 v6, v0  }
0x149: {  	vm2 =	vlt.s32 @!p1 v7, v1;
	[tilespmem:$0xA090] =	vst @!p1 v4;
	vm0 =	vmand @!p1 vm0, vm1;
	vm1 =	vge.s32 @!p1 v7, v0  }
0x14a: {  	[tilespmem:$0xA0A0] =	vst @!p1 v3;
	v3 =	vnsel @!p1 vm0, $0x2710, v6;
	vm0 =	vmand @!p1 vm1, vm2  }
0x14b: {  	[tilespmem:$0xA0B0] =	vst @!p1 v3;
	v3 =	vnsel @!p1 vm0, $0x2710, v7  }
0x14c: {  	s9 =	simm.s32 @!p1 $0x2;
	[tilespmem:$0xA0C0] =	vst @!p1 v3  }
0x14d: {  	_ =	swait.ge @!p1 [sflag:s9], $0x2800  }
0x14e: {  	s10 =	simm.s32 @!p1 $0xA080;
	[sflag:s9] =	ssyncset.done @!p1 $0x0  }
0x14f: {  	s11 =	simm.s32 @!p1 $0x2800;
	[sflag:s9] =	ssyncadd.s32 @!p1 $0xFFFFD800;
	s9 =	simm.s32 @!p1 $0x50  }
0x150: {  	[spmem:s5] =	stream.indirect.scatter.add.f32 @!p1 [tilespmem:s11], [sflag:$0x9], $0x80, s10, s9, $0xb8;
	[tilespmem:$0x1FA00] =	vst v63  }
0x151: {  	s9 =	sadd.s32 @!p1 $0x2, s8  }
0x152: {  	s10 =	simm.s32 @!p1 $0x9;
	p2 =	sge.s32 @!p1 s9, s31  }
0x153: {  	_ =	swait.ge @!p1 [sflag:s10], $0x2800;
	p2 =	por p2, p1  }
0x154: {  	[sflag:s10] =	ssyncset.done @!p1 $0x0;
	s9 =	sadd.s32 @!p2 $0x2800, s4  }
0x155: {  	[sflag:s10] =	ssyncadd.s32 @!p1 $0xFFFFD800;
	s10 =	sadd.s32 @!p2 $0x50, s3;
	s9 =	sshrl.u32 @!p2 s9, $0x3  }
0x156: {  	s11 =	simm.s32 @!p2 $0x0;
	s12 =	simm.s32 @!p2 $0x2800;
	s9 =	sadd.s32 @!p2 s1, s9  }
0x157: {  	[tilespmem:s12], [sflag:$0x2] =	stream.linear.gather @!p2 [hbm4b:s9+s11], $0x2800, $0x38;
	[tilespmem:$0x1FA00] =	vst v63  }
0x158: {  	s9 =	sshrl.u32 @!p2 s10, $0x3;
	s12 =	sadd.s32 $0xFFFFFFFF, s8  }
0x159: {  	s10 =	simm.s32 @!p2 $0xA080;
	s9 =	sadd.s32 @!p2 s2, s9;
	p1 =	sge.s32 s12, s31  }
0x15a: {  	[tilespmem:s10], [sflag:$0x6] =	stream.linear.gather @!p2 [hbm4b:s9+s11], $0x50, $0x38;
	[tilespmem:$0x1FA00] =	vst v63  }
0x15b: {  	s9 =	simm.s32 @!p1 $0x7  }
0x15c: {  	_ =	swait.ge @!p1 [sflag:s9], $0x50  }
0x15d: {  	[sflag:s9] =	ssyncset.done @!p1 $0x0  }
0x15e: {  	[sflag:s9] =	ssyncadd.s32 @!p1 $0xFFFFFFB0  }
0x15f: {  	v3 =	vld @!p1 [tilespmem:$0xA100]  }
0x160: {  	v4 =	vld @!p1 [tilespmem:$0xA110]  }
0x161: {  	v5 =	vld @!p1 [tilespmem:$0xA120];
	_ =	sdelay $0x1  }
0x162: {  	v6 =	vld @!p1 [tilespmem:$0xA130]  }
0x163: {  	v7 =	vld @!p1 [tilespmem:$0xA140];
	vm0 =	vge.s32 @!p1 v3, v0;
	vm1 =	vlt.s32 @!p1 v3, v1  }
0x164: {  	vm2 =	vlt.s32 @!p1 v4, v1;
	vm0 =	vmand @!p1 vm0, vm1;
	vm1 =	vge.s32 @!p1 v4, v0  }
0x165: {  	vm3 =	vlt.s32 @!p1 v5, v1;
	vm1 =	vmand @!p1 vm1, vm2;
	vm2 =	vge.s32 @!p1 v5, v0  }
0x166: {  	v3 =	vnsel @!p1 vm0, $0x2710, v3;
	v4 =	vnsel @!p1 vm1, $0x2710, v4;
	vm0 =	vmand @!p1 vm2, vm3  }
0x167: {  	[tilespmem:$0xA100] =	vst @!p1 v3;
	vm1 =	vlt.s32 @!p1 v6, v1;
	v3 =	vnsel @!p1 vm0, $0x2710, v5;
	vm0 =	vge.s32 @!p1 v6, v0  }
0x168: {  	vm2 =	vlt.s32 @!p1 v7, v1;
	[tilespmem:$0xA110] =	vst @!p1 v4;
	vm0 =	vmand @!p1 vm0, vm1;
	vm1 =	vge.s32 @!p1 v7, v0  }
0x169: {  	[tilespmem:$0xA120] =	vst @!p1 v3;
	v3 =	vnsel @!p1 vm0, $0x2710, v6;
	vm0 =	vmand @!p1 vm1, vm2  }
0x16a: {  	[tilespmem:$0xA130] =	vst @!p1 v3;
	v3 =	vnsel @!p1 vm0, $0x2710, v7  }
0x16b: {  	s9 =	simm.s32 @!p1 $0x3;
	[tilespmem:$0xA140] =	vst @!p1 v3  }
0x16c: {  	_ =	swait.ge @!p1 [sflag:s9], $0x2800  }
0x16d: {  	s10 =	simm.s32 @!p1 $0xA100;
	[sflag:s9] =	ssyncset.done @!p1 $0x0  }
0x16e: {  	s11 =	simm.s32 @!p1 $0x5000;
	[sflag:s9] =	ssyncadd.s32 @!p1 $0xFFFFD800;
	s9 =	simm.s32 @!p1 $0x50  }
0x16f: {  	[spmem:s5] =	stream.indirect.scatter.add.f32 @!p1 [tilespmem:s11], [sflag:$0x9], $0x80, s10, s9, $0xb8;
	[tilespmem:$0x1FA00] =	vst v63  }
0x170: {  	s9 =	sadd.s32 @!p1 $0x3, s8  }
0x171: {  	s10 =	simm.s32 @!p1 $0x9;
	p2 =	sge.s32 @!p1 s9, s31  }
0x172: {  	_ =	swait.ge @!p1 [sflag:s10], $0x2800;
	p2 =	por p2, p1  }
0x173: {  	[sflag:s10] =	ssyncset.done @!p1 $0x0;
	s9 =	sadd.s32 @!p2 $0x5000, s4  }
0x174: {  	[sflag:s10] =	ssyncadd.s32 @!p1 $0xFFFFD800;
	s10 =	sadd.s32 @!p2 $0xA0, s3;
	s9 =	sshrl.u32 @!p2 s9, $0x3  }
0x175: {  	s11 =	simm.s32 @!p2 $0x0;
	s12 =	simm.s32 @!p2 $0x5000;
	s9 =	sadd.s32 @!p2 s1, s9  }
0x176: {  	[tilespmem:s12], [sflag:$0x3] =	stream.linear.gather @!p2 [hbm4b:s9+s11], $0x2800, $0x38;
	[tilespmem:$0x1FA00] =	vst v63  }
0x177: {  	s9 =	sshrl.u32 @!p2 s10, $0x3  }
0x178: {  	p1 =	sge.s32 s8, s31;
	s10 =	simm.s32 @!p2 $0xA100;
	s9 =	sadd.s32 @!p2 s2, s9  }
0x179: {  	[tilespmem:s10], [sflag:$0x7] =	stream.linear.gather @!p2 [hbm4b:s9+s11], $0x50, $0x38;
	[tilespmem:$0x1FA00] =	vst v63  }
0x17a: {  	s9 =	simm.s32 @!p1 $0x8  }
0x17b: {  	_ =	swait.ge @!p1 [sflag:s9], $0x50  }
0x17c: {  	[sflag:s9] =	ssyncset.done @!p1 $0x0  }
0x17d: {  	[sflag:s9] =	ssyncadd.s32 @!p1 $0xFFFFFFB0  }
0x17e: {  	v3 =	vld @!p1 [tilespmem:$0xA180]  }
0x17f: {  	v4 =	vld @!p1 [tilespmem:$0xA190]  }
0x180: {  	v5 =	vld @!p1 [tilespmem:$0xA1A0];
	_ =	sdelay $0x1  }
0x181: {  	v6 =	vld @!p1 [tilespmem:$0xA1B0]  }
0x182: {  	v7 =	vld @!p1 [tilespmem:$0xA1C0];
	vm0 =	vge.s32 @!p1 v3, v0;
	vm1 =	vlt.s32 @!p1 v3, v1  }
0x183: {  	vm2 =	vlt.s32 @!p1 v4, v1;
	vm0 =	vmand @!p1 vm0, vm1;
	vm1 =	vge.s32 @!p1 v4, v0  }
0x184: {  	vm3 =	vlt.s32 @!p1 v5, v1;
	vm1 =	vmand @!p1 vm1, vm2;
	vm2 =	vge.s32 @!p1 v5, v0  }
0x185: {  	v3 =	vnsel @!p1 vm0, $0x2710, v3;
	v4 =	vnsel @!p1 vm1, $0x2710, v4;
	vm0 =	vmand @!p1 vm2, vm3  }
0x186: {  	[tilespmem:$0xA180] =	vst @!p1 v3;
	vm1 =	vlt.s32 @!p1 v6, v1;
	v3 =	vnsel @!p1 vm0, $0x2710, v5;
	vm0 =	vge.s32 @!p1 v6, v0  }
0x187: {  	vm2 =	vlt.s32 @!p1 v7, v1;
	[tilespmem:$0xA190] =	vst @!p1 v4;
	vm0 =	vmand @!p1 vm0, vm1;
	vm1 =	vge.s32 @!p1 v7, v0  }
0x188: {  	[tilespmem:$0xA1A0] =	vst @!p1 v3;
	v4 =	vnsel @!p1 vm0, $0x2710, v6;
	vm0 =	vmand @!p1 vm1, vm2  }
0x189: {  	[tilespmem:$0xA1B0] =	vst @!p1 v4;
	v3 =	vnsel @!p1 vm0, $0x2710, v7  }
0x18a: {  	s9 =	simm.s32 @!p1 $0x4;
	[tilespmem:$0xA1C0] =	vst @!p1 v3  }
0x18b: {  	_ =	swait.ge @!p1 [sflag:s9], $0x2800  }
0x18c: {  	s10 =	simm.s32 @!p1 $0xA180;
	[sflag:s9] =	ssyncset.done @!p1 $0x0  }
0x18d: {  	s11 =	simm.s32 @!p1 $0x7800;
	[sflag:s9] =	ssyncadd.s32 @!p1 $0xFFFFD800;
	s9 =	simm.s32 @!p1 $0x50  }
0x18e: {  	[spmem:s5] =	stream.indirect.scatter.add.f32 @!p1 [tilespmem:s11], [sflag:$0x9], $0x80, s10, s9, $0xb8;
	[tilespmem:$0x1FA00] =	vst v63  }
0x18f: {  	s9 =	sadd.s32 @!p1 $0x4, s8;
	s10 =	simm.s32 @!p1 $0x9  }
0x190: {  	p2 =	sge.s32 @!p1 s9, s31;
	_ =	swait.ge @!p1 [sflag:s10], $0x2800  }
0x191: {  	s0 =	sadd.s32 $0xFFFFFFFF, s0;
	p2 =	por p2, p1;
	[sflag:s10] =	ssyncset.done @!p1 $0x0  }
0x192: {  	s9 =	sadd.s32 @!p2 $0x7800, s4;
	[sflag:s10] =	ssyncadd.s32 @!p1 $0xFFFFD800;
	s10 =	sadd.s32 @!p2 $0xF0, s3  }
0x193: {  	s11 =	simm.s32 @!p2 $0x0;
	p1 =	sne.s32 s0, $0x0;
	s9 =	sshrl.u32 @!p2 s9, $0x3  }
.Ltmp5:
0x194: {  	s12 =	simm.s32 @!p2 $0x7800;
	s9 =	sadd.s32 @!p2 s1, s9;
	(pc) =	sbr.rel @p1 .LBB2_7-.Ltmp5, $4  }
0x195: {  	[tilespmem:s12], [sflag:$0x4] =	stream.linear.gather @!p2 [hbm4b:s9+s11], $0x2800, $0x38;
	[tilespmem:$0x1FA00] =	vst v63  }
0x196: {  	s8 =	sadd.s32 $0x4, s8;
	s4 =	sadd.s32 $0xA000, s4;
	s9 =	sshrl.u32 @!p2 s10, $0x3  }
0x197: {  	s3 =	sadd.s32 $0x140, s3;
	s10 =	simm.s32 @!p2 $0xA180;
	s9 =	sadd.s32 @!p2 s2, s9  }
0x198: {  	[tilespmem:s10], [sflag:$0x8] =	stream.linear.gather @!p2 [hbm4b:s9+s11], $0x50, $0x38;
	[tilespmem:$0x1FA00] =	vst v63  }
.Ltmp6:
0x199: {  	_ = 	snop;
	(pc) =	sbr.rel .LBB2_8-.Ltmp6, $1  }
0x19a: {  	_ =	sdelay $0x3  }
.LBB2_9:
0x19b: {  	_ =	sfence.sel $0x180000  }
0x19c: {  	[bflag:$0x0] =	sbarrier.arrive $0xFFFF  }
0x19d: {  	_ =	strace $0x90000047  }
0x19e: {  	s0 =	stileid.u32;
	[bflag:$0x2] =	sbarrier.arrive $0xFFFF  }
0x19f: {  	p0 =	sne.s32 s0, $0x0;
	s0 =	rddreg [dreg:$0x5]  }
0x1a0: {  	s0 =	sadd.s32 @!p0 $0x100000, s0  }
0x1a1: {  	[sflag:s0] =	ssyncadd.tile.s32 @!p0 $0x1;
	_ =	shalt  }
.Lfunc_end2:
_tile_overlayer_lowered:
.L_overlay_start_2:
0x1a2: {  	(tag) =	ssettag $0x2  }
0x1a3: {  	s0 =	rddreg [dreg:$0x0];
	s2 =	stileid.u32  }
0x1a4: {  	s1 =	rddreg [dreg:$0x1];
	p0 =	sne.s32 s2, $0x0  }
0x1a5: {  	s3 =	rddreg [dreg:$0x2];
	[bflag:$0x3] =	sbarrier.arrive $0xFFFF;
	s2 =	simm.s32 @!p0 $0x1C09  }
0x1a6: {  	[timem:s3], [sflag:s2] =	dma.local @!p0 [hbm:s0], s1  }
0x1a7: {  	s0 =	simm.s32 @!p0 $0x9  }
0x1a8: {  	_ =	swait.ge @!p0 [sflag:s0], s1  }
0x1a9: {  	s1 =	ssub.s32 @!p0 $0x0, s1;
	[sflag:s0] =	ssyncset.done @!p0 $0x0  }
0x1aa: {  	[sflag:s0] =	ssyncadd.s32 @!p0 s1  }
0x1ab: {  	[bflag:$0x3] =	sbarrier.arrive $0xFFFF  }
0x1ac: {  	_ =	shalt  }

</sc_bundles>
